<compile_context>
chip_gen: v7x
topology: tpu7x:2x2x1
jax: 0.10.2.dev20260603
libtpu: 0.0.44.dev20260713+nightly
codegen_flags: <defaults>
</compile_context>

<pallas_src>
import functools

import jax
import jax.numpy as jnp
from jax import lax
from jax.experimental import pallas as pl
from jax.experimental.pallas import tpu as pltpu
from jax.experimental.pallas import tpu_sc as plsc

N_NODES = 10000
N_EDGES = 320000
DIM = 128
NUM_GRAPHS = 128
NUM_CLASSES = 10
DE_PAD = 8

NUM_CORES = 2
NUM_SUBCORES = 16
NUM_WORKERS = NUM_CORES * NUM_SUBCORES
EDGES_PER_WORKER = N_EDGES // NUM_WORKERS
CHUNK = 80
NUM_CHUNKS = EDGES_PER_WORKER // CHUNK
N_PAD = 10240
ROWS_PER_SUB = N_PAD // NUM_SUBCORES
LANES = 16


@functools.cache
def _sc_mesh():
    return plsc.VectorSubcoreMesh(
        core_axis_name="c", subcore_axis_name="s",
        num_cores=NUM_CORES, num_subcores=NUM_SUBCORES)



_EB = 4000
_SMALL = pl.BlockSpec((1, DIM), lambda i: (0, 0))
_WSPEC = pl.BlockSpec((DE_PAD, DIM), lambda i: (0, 0))


def _encode0_body(ea_ref, w_ref, b_ref, h0_ref, out_ref):
    a = ea_ref[...]
    e = jnp.dot(a, w_ref[...], preferred_element_type=jnp.float32) + b_ref[...]
    out_ref[...] = jnp.maximum(e + h0_ref[...], 0.0)


def _encode0(ea, w, b, h0):
    return pl.pallas_call(
        _encode0_body,
        grid=(N_EDGES // _EB,),
        in_specs=[
            pl.BlockSpec((_EB, DE_PAD), lambda i: (i, 0)),
            _WSPEC, _SMALL, _SMALL,
        ],
        out_specs=pl.BlockSpec((_EB, DIM), lambda i: (i, 0)),
        out_shape=jax.ShapeDtypeStruct((N_EDGES, DIM), jnp.float32),
    )(ea, w, b, h0)


def _encode1_body(ea_ref, w_ref, b_ref, out_ref):
    a = ea_ref[...]
    out_ref[...] = (jnp.dot(a, w_ref[...], preferred_element_type=jnp.float32)
                    + b_ref[...])


def _encode1(ea, w, b):
    return pl.pallas_call(
        _encode1_body,
        grid=(N_EDGES // _EB,),
        in_specs=[
            pl.BlockSpec((_EB, DE_PAD), lambda i: (i, 0)),
            _WSPEC, _SMALL,
        ],
        out_specs=pl.BlockSpec((_EB, DIM), lambda i: (i, 0)),
        out_shape=jax.ShapeDtypeStruct((N_EDGES, DIM), jnp.float32),
    )(ea, w, b)


def _gin0_body(h0_ref, agg_ref, w1_ref, b1_ref, w2_ref, b2_ref, g_ref, be_ref,
               out_ref):
    agg = agg_ref[0, :N_NODES, :] + agg_ref[1, :N_NODES, :]
    z = h0_ref[...] + agg
    t = jnp.maximum(jnp.dot(z, w1_ref[...], preferred_element_type=jnp.float32)
                    + b1_ref[...], 0.0)
    t = jnp.dot(t, w2_ref[...], preferred_element_type=jnp.float32) + b2_ref[...]
    mu = jnp.mean(t, axis=0, keepdims=True)
    var = jnp.mean((t - mu) ** 2, axis=0, keepdims=True)
    t = (t - mu) * lax.rsqrt(var + 1e-5) * g_ref[...] + be_ref[...]
    out_ref[...] = jnp.maximum(t, 0.0)


def _gin0(h0, agg, w1, b1, w2, b2, g, be):
    return pl.pallas_call(
        _gin0_body,
        out_shape=jax.ShapeDtypeStruct((N_NODES, DIM), jnp.float32),
    )(h0, agg, w1, b1, w2, b2, g, be)


def _final_body(h_ref, agg_ref, w1_ref, b1_ref, w2_ref, b2_ref, g_ref, be_ref,
                batch_ref, pw_ref, pb_ref, out_ref):
    agg = agg_ref[0, :N_NODES, :] + agg_ref[1, :N_NODES, :]
    z = h_ref[...] + agg
    t = jnp.maximum(jnp.dot(z, w1_ref[...], preferred_element_type=jnp.float32)
                    + b1_ref[...], 0.0)
    t = jnp.dot(t, w2_ref[...], preferred_element_type=jnp.float32) + b2_ref[...]
    mu = jnp.mean(t, axis=0, keepdims=True)
    var = jnp.mean((t - mu) ** 2, axis=0, keepdims=True)
    t = (t - mu) * lax.rsqrt(var + 1e-5) * g_ref[...] + be_ref[...]
    onehot = (batch_ref[...] ==
              lax.broadcasted_iota(jnp.int32, (N_NODES, NUM_GRAPHS), 1)
              ).astype(jnp.float32)
    pooled = lax.dot_general(onehot, t, (((0,), (0,)), ((), ())),
                             preferred_element_type=jnp.float32)
    counts = jnp.sum(onehot, axis=0)
    pooled = pooled / jnp.maximum(counts, 1.0)[:, None]
    out_ref[...] = (jnp.dot(pooled, pw_ref[...],
                            preferred_element_type=jnp.float32) + pb_ref[...])


def _final(h, agg, w1, b1, w2, b2, g, be, batch2d, pw, pb):
    return pl.pallas_call(
        _final_body,
        out_shape=jax.ShapeDtypeStruct((NUM_GRAPHS, NUM_CLASSES), jnp.float32),
    )(h, agg, w1, b1, w2, b2, g, be, batch2d, pw, pb)



def _zero_vmem(ref, rows):
    z = jnp.zeros((LANES,), jnp.float32)

    def body(r, carry):
        for j in range(DIM // LANES):
            ref[r, pl.ds(j * LANES, LANES)] = z
        return carry

    lax.fori_loop(0, rows, body, 0)


def _zero_agg(zbuf, agg_sh, s):
    _zero_vmem(zbuf, CHUNK)
    base = s * ROWS_PER_SUB
    for k in range(ROWS_PER_SUB // CHUNK):
        pltpu.sync_copy(zbuf, agg_sh.at[pl.ds(base + k * CHUNK, CHUNK)])


def _sc_scatter0_body(msg_hbm, dst3_hbm, out_hbm,
                      msg_v0, msg_v1, dst_v0, dst_v1, agg_sh,
                      sem0, sem1, isem0, isem1):
    c = lax.axis_index("c")
    s = lax.axis_index("s")
    wid = c * NUM_SUBCORES + s
    ebase = wid * EDGES_PER_WORKER
    _zero_agg(msg_v0, agg_sh, s)
    plsc.subcore_barrier()

    msgs = (msg_v0, msg_v1)
    dsts = (dst_v0, dst_v1)
    sems = (sem0, sem1)
    isems = (isem0, isem1)

    def data_start(i, b):
        pltpu.async_copy(msg_hbm.at[pl.ds(ebase + i * CHUNK, CHUNK)],
                         msgs[b], sems[b])

    def data_wait(i, b):
        pltpu.make_async_copy(msg_hbm.at[pl.ds(ebase + i * CHUNK, CHUNK)],
                              msgs[b], sems[b]).wait()

    def idx_start(j, b):
        pltpu.async_copy(dst3_hbm.at[wid, j], dsts[b], isems[b])

    def idx_wait(j, b):
        pltpu.make_async_copy(dst3_hbm.at[wid, j], dsts[b], isems[b]).wait()

    pltpu.sync_copy(dst3_hbm.at[wid, 0], dst_v0)
    data_start(0, 0)
    idx_start(1, 1)

    def body(i, carry):
        def process(b):
            data_wait(i, b)

            @pl.when(i + 1 < NUM_CHUNKS)
            def _():
                idx_wait(i + 1, 1 - b)
                data_start(i + 1, 1 - b)

            pltpu.sync_copy(msgs[b], agg_sh.at[dsts[b]], add=True)

            @pl.when(i + 2 < NUM_CHUNKS)
            def _():
                idx_start(i + 2, b)

        lax.cond(i % 2 == 0, lambda: process(0), lambda: process(1))
        return carry

    lax.fori_loop(0, NUM_CHUNKS, body, 0)
    plsc.subcore_barrier()
    r0 = s * ROWS_PER_SUB
    pltpu.sync_copy(agg_sh.at[pl.ds(r0, ROWS_PER_SUB)],
                    out_hbm.at[c, pl.ds(r0, ROWS_PER_SUB)])


def _sc_gather1_body(h_hbm, ee_hbm, src3_hbm, dst3_hbm, out_hbm,
                     rows_v0, rows_v1, ee_v0, ee_v1,
                     src_v0, src_v1, dst_v0, dst_v1, agg_sh,
                     gsem0, gsem1, esem0, esem1, isem0, isem1):
    c = lax.axis_index("c")
    s = lax.axis_index("s")
    wid = c * NUM_SUBCORES + s
    ebase = wid * EDGES_PER_WORKER
    _zero_agg(rows_v0, agg_sh, s)
    plsc.subcore_barrier()

    rows = (rows_v0, rows_v1)
    ees = (ee_v0, ee_v1)
    srcs = (src_v0, src_v1)
    dsts = (dst_v0, dst_v1)
    gsems = (gsem0, gsem1)
    esems = (esem0, esem1)
    isems = (isem0, isem1)

    def data_start(i, b):
        pltpu.async_copy(ee_hbm.at[pl.ds(ebase + i * CHUNK, CHUNK)],
                         ees[b], esems[b])
        pltpu.async_copy(h_hbm.at[srcs[b]], rows[b], gsems[b])

    def data_wait(i, b):
        pltpu.make_async_copy(ee_hbm.at[pl.ds(ebase + i * CHUNK, CHUNK)],
                              ees[b], esems[b]).wait()
        pltpu.make_async_copy(h_hbm.at[srcs[b]], rows[b], gsems[b]).wait()

    def idx_start(j, b):
        pltpu.async_copy(src3_hbm.at[wid, j], srcs[b], isems[b])
        pltpu.async_copy(dst3_hbm.at[wid, j], dsts[b], isems[b])

    def idx_wait(j, b):
        pltpu.make_async_copy(src3_hbm.at[wid, j], srcs[b], isems[b]).wait()
        pltpu.make_async_copy(dst3_hbm.at[wid, j], dsts[b], isems[b]).wait()

    pltpu.sync_copy(src3_hbm.at[wid, 0], src_v0)
    pltpu.sync_copy(dst3_hbm.at[wid, 0], dst_v0)
    data_start(0, 0)
    idx_start(1, 1)

    def body(i, carry):
        def process(b):
            data_wait(i, b)

            @pl.when(i + 1 < NUM_CHUNKS)
            def _():
                idx_wait(i + 1, 1 - b)
                data_start(i + 1, 1 - b)

            rbuf = rows[b]
            ebuf = ees[b]

            def rbody(r, rc):
                for j in range(DIM // LANES):
                    sl = pl.ds(j * LANES, LANES)
                    rbuf[r, sl] = jnp.maximum(rbuf[r, sl] + ebuf[r, sl], 0.0)
                return rc

            lax.fori_loop(0, CHUNK, rbody, 0)
            pltpu.sync_copy(rbuf, agg_sh.at[dsts[b]], add=True)

            @pl.when(i + 2 < NUM_CHUNKS)
            def _():
                idx_start(i + 2, b)

        lax.cond(i % 2 == 0, lambda: process(0), lambda: process(1))
        return carry

    lax.fori_loop(0, NUM_CHUNKS, body, 0)
    plsc.subcore_barrier()
    r0 = s * ROWS_PER_SUB
    pltpu.sync_copy(agg_sh.at[pl.ds(r0, ROWS_PER_SUB)],
                    out_hbm.at[c, pl.ds(r0, ROWS_PER_SUB)])


@functools.cache
def _sc_scatter0():
    return pl.kernel(
        _sc_scatter0_body,
        out_type=jax.ShapeDtypeStruct((NUM_CORES, N_PAD, DIM), jnp.float32),
        mesh=_sc_mesh(),
        scratch_types=[
            pltpu.VMEM((CHUNK, DIM), jnp.float32),
            pltpu.VMEM((CHUNK, DIM), jnp.float32),
            pltpu.VMEM((CHUNK,), jnp.int32),
            pltpu.VMEM((CHUNK,), jnp.int32),
            pltpu.VMEM_SHARED((N_PAD, DIM), jnp.float32),
            pltpu.SemaphoreType.DMA,
            pltpu.SemaphoreType.DMA,
            pltpu.SemaphoreType.DMA,
            pltpu.SemaphoreType.DMA,
        ],
    )


@functools.cache
def _sc_gather1():
    return pl.kernel(
        _sc_gather1_body,
        out_type=jax.ShapeDtypeStruct((NUM_CORES, N_PAD, DIM), jnp.float32),
        mesh=_sc_mesh(),
        scratch_types=[
            pltpu.VMEM((CHUNK, DIM), jnp.float32),
            pltpu.VMEM((CHUNK, DIM), jnp.float32),
            pltpu.VMEM((CHUNK, DIM), jnp.float32),
            pltpu.VMEM((CHUNK, DIM), jnp.float32),
            pltpu.VMEM((CHUNK,), jnp.int32),
            pltpu.VMEM((CHUNK,), jnp.int32),
            pltpu.VMEM((CHUNK,), jnp.int32),
            pltpu.VMEM((CHUNK,), jnp.int32),
            pltpu.VMEM_SHARED((N_PAD, DIM), jnp.float32),
            pltpu.SemaphoreType.DMA,
            pltpu.SemaphoreType.DMA,
            pltpu.SemaphoreType.DMA,
            pltpu.SemaphoreType.DMA,
            pltpu.SemaphoreType.DMA,
            pltpu.SemaphoreType.DMA,
        ],
    )



def kernel(x, edge_index, edge_attr, batch, node_emb, edge_W, edge_b,
           W1, b1, W2, b2, gamma, beta, pred_W, pred_b):
    src = edge_index[0]
    dst = edge_index[1]
    h0 = node_emb[0:1]
    ea = jnp.concatenate(
        [edge_attr, jnp.zeros((N_EDGES, DE_PAD - edge_attr.shape[1]),
                              jnp.float32)], axis=1)
    w0 = jnp.concatenate([edge_W[0], jnp.zeros((1, DIM), jnp.float32)], axis=0)
    w1e = jnp.concatenate([edge_W[1], jnp.zeros((1, DIM), jnp.float32)], axis=0)

    src3 = src.reshape(NUM_WORKERS, NUM_CHUNKS, CHUNK)
    dst3 = dst.reshape(NUM_WORKERS, NUM_CHUNKS, CHUNK)
    msg0 = _encode0(ea, w0, edge_b[0:1], h0)
    agg0 = _sc_scatter0()(msg0, dst3)
    ee1 = _encode1(ea, w1e, edge_b[1:2])
    h1 = _gin0(h0, agg0, W1[0], b1[0:1], W2[0], b2[0:1], gamma[0:1], beta[0:1])
    agg1 = _sc_gather1()(h1, ee1, src3, dst3)
    return _final(h1, agg1, W1[1], b1[1:2], W2[1], b2[1:2],
                  gamma[1:2], beta[1:2], batch.reshape(N_NODES, 1),
                  pred_W, pred_b)

# --- scband reference (transcript-rebuilt; emitter-appended) ---
"""Pipeline reference for scband-gnn-costume-61503931678734 (READ-ONLY COPY).

The authoritative reference and input builder live on the scoring server;
editing this copy changes nothing except your own understanding.
"""

import jax, jax.numpy as jnp
import numpy as np

N = 10000
E = 320000
D = 128
L = 2
NC = 10
NG = 128
DE = 7


def setup_inputs(seed: int = 0) -> dict:
    key = jax.random.key(seed)
    ks = jax.random.split(key, 12)
    x = jnp.zeros((N,), dtype=jnp.int32)
    edge_index = jax.random.randint(ks[0], (2, E), 0, N, dtype=jnp.int32)
    edge_attr = jax.random.normal(ks[1], (E, DE), dtype=jnp.float32)
    batch = jnp.sort(jax.random.randint(ks[2], (N,), 0, NG, dtype=jnp.int32))
    node_emb = jax.random.normal(ks[3], (1, D), dtype=jnp.float32) * 0.02
    edge_W = jax.random.normal(ks[4], (L, DE, D), dtype=jnp.float32) * (1.0 / np.sqrt(DE))
    edge_b = jnp.zeros((L, D), dtype=jnp.float32)
    W1 = jax.random.normal(ks[5], (L, D, D), dtype=jnp.float32) * (1.0 / np.sqrt(D))
    b1 = jnp.zeros((L, D), dtype=jnp.float32)
    W2 = jax.random.normal(ks[6], (L, D, D), dtype=jnp.float32) * (1.0 / np.sqrt(D))
    b2 = jnp.zeros((L, D), dtype=jnp.float32)
    gamma = jnp.ones((L, D), dtype=jnp.float32)
    beta = jnp.zeros((L, D), dtype=jnp.float32)
    pred_W = jax.random.normal(ks[7], (D, NC), dtype=jnp.float32) * (1.0 / np.sqrt(D))
    pred_b = jnp.zeros((NC,), dtype=jnp.float32)
    return {"x": x, "edge_index": edge_index, "edge_attr": edge_attr, "batch": batch,
            "node_emb": node_emb, "edge_W": edge_W, "edge_b": edge_b,
            "W1": W1, "b1": b1, "W2": W2, "b2": b2,
            "gamma": gamma, "beta": beta, "pred_W": pred_W, "pred_b": pred_b}


def reference(x, edge_index, edge_attr, batch, node_emb, edge_W, edge_b, W1, b1, W2, b2, gamma, beta, pred_W, pred_b):
    src = edge_index[0]
    dst = edge_index[1]
    # node encoder: embedding lookup (all indices are 0)
    h = jnp.take(node_emb, x, axis=0)  # [N, D]
    eps_bn = 1e-5
    for l in range(L):
        # edge encoder
        ee = edge_attr @ edge_W[l] + edge_b[l]  # [E, D]
        # message: relu(x_j + edge_embedding), gather on source nodes
        msg = jax.nn.relu(jnp.take(h, src, axis=0) + ee)  # [E, D]
        # aggregate: scatter-add onto destination nodes
        agg = jax.ops.segment_sum(msg, dst, num_segments=N)  # [N, D]
        # GIN update: mlp((1 + eps) * x + aggr), eps = 0
        h2 = h + agg
        h2 = jax.nn.relu(h2 @ W1[l] + b1[l]) @ W2[l] + b2[l]
        # batch norm (training-mode batch statistics)
        mu = jnp.mean(h2, axis=0)
        var = jnp.var(h2, axis=0)
        h2 = (h2 - mu) / jnp.sqrt(var + eps_bn) * gamma[l] + beta[l]
        if l != L - 1:
            h2 = jax.nn.relu(h2)
            # dropout is identity in eval mode
        h = h2
    node_representation = h  # JK == 'last'
    # global mean pool per graph
    counts = jax.ops.segment_sum(jnp.ones((N,), dtype=jnp.float32), batch, num_segments=NG)
    pooled = jax.ops.segment_sum(node_representation, batch, num_segments=NG)
    pooled = pooled / jnp.maximum(counts, 1.0)[:, None]
    return pooled @ pred_W + pred_b  # [NG, NC]

if __name__ == "__main__":
    import jax
    _d = setup_inputs()
    print(jax.jit(kernel)(*tuple(_d.values())))

</pallas_src>

<mosaic_0001>
#map = affine_map<(d0, d1) -> (0, 0)>
#map1 = affine_map<(d0, d1) -> (0, 0, 0)>
module attributes {stable_mosaic.version = 14 : i64} {
  func.func @_sc_gather1_body(%arg0: i32, %arg1: i32, %arg2: memref<10000x128xf32, #tpu.memory_space<hbm>>, %arg3: memref<320000x128xf32, #tpu.memory_space<hbm>>, %arg4: memref<32x125x80xi32, #tpu.memory_space<hbm>>, %arg5: memref<32x125x80xi32, #tpu.memory_space<hbm>>, %arg6: memref<2x10240x128xf32, #tpu.memory_space<hbm>>, %arg7: memref<80x128xf32, #tpu.memory_space<vmem>>, %arg8: memref<80x128xf32, #tpu.memory_space<vmem>>, %arg9: memref<80x128xf32, #tpu.memory_space<vmem>>, %arg10: memref<80x128xf32, #tpu.memory_space<vmem>>, %arg11: memref<80xi32, #tpu.memory_space<vmem>>, %arg12: memref<80xi32, #tpu.memory_space<vmem>>, %arg13: memref<80xi32, #tpu.memory_space<vmem>>, %arg14: memref<80xi32, #tpu.memory_space<vmem>>, %arg15: memref<10240x128xf32, #tpu.memory_space<vmem_shared>>, %arg16: memref<!tpu.dma_semaphore, #tpu.memory_space<semaphore_mem>>, %arg17: memref<!tpu.dma_semaphore, #tpu.memory_space<semaphore_mem>>, %arg18: memref<!tpu.dma_semaphore, #tpu.memory_space<semaphore_mem>>, %arg19: memref<!tpu.dma_semaphore, #tpu.memory_space<semaphore_mem>>, %arg20: memref<!tpu.dma_semaphore, #tpu.memory_space<semaphore_mem>>, %arg21: memref<!tpu.dma_semaphore, #tpu.memory_space<semaphore_mem>>) attributes {dimension_semantics = [#tpu.dimension_semantics<core_parallel>, #tpu.dimension_semantics<subcore_parallel>], iteration_bounds = array<i64: 2, 16>, scalar_prefetch = 0 : i64, scratch_operands = 15 : i64, tpu.core_type = #tpu.core_type<sc_vector_subcore>, window_params = [{transform_indices = #map}, {transform_indices = #map}, {transform_indices = #map1}, {transform_indices = #map1}, {transform_indices = #map1}]} {
    %mul3A = arith.constant 16 : i32
    %mul3A_0 = arith.muli %arg0, %mul3A : i32
    %add3A = arith.addi %mul3A_0, %arg1 : i32
    %mul3A_1 = arith.constant 10000 : i32
    %mul3A_2 = arith.muli %add3A, %mul3A_1 : i32
    %broadcast_in_dim3A = arith.constant 0.000000e+00 : f32
    %broadcast_in_dim3A_3 = vector.broadcast %broadcast_in_dim3A : f32 to vector<16xf32>
    %scan3A = arith.constant 0 : i32
    %scan3A_4 = arith.constant 0 : i32
    %scan3A_5 = arith.constant 80 : i32
    %scan3A_6 = arith.addi %scan3A_4, %scan3A_5 : i32
    %scan3A_7 = arith.constant 1 : i32
    scf.for %scan3A_59 = %scan3A_4 to %scan3A_6 step %scan3A_7  : i32 {
      %swap3A = arith.index_cast %scan3A_59 : i32 to index
      %swap3A_60 = arith.constant 0 : index
      %swap3A_61 = tpu.vector_load %arg7[%swap3A, %swap3A_60] {strides = array<i32>} : memref<80x128xf32, #tpu.memory_space<vmem>>, vector<1x16xf32>,
      %swap3A_62 = vector.shape_cast %swap3A_61 : vector<1x16xf32> to vector<16xf32>
      %swap3A_63 = vector.shape_cast %broadcast_in_dim3A_3 : vector<16xf32> to vector<1x16xf32>
      tpu.vector_store %arg7[%swap3A, %swap3A_60], %swap3A_63 {strides = array<i32>} : memref<80x128xf32, #tpu.memory_space<vmem>>, vector<1x16xf32>,
      %swap3A_64 = arith.index_cast %scan3A_59 : i32 to index
      %swap3A_65 = arith.constant 16 : index
      %swap3A_66 = tpu.vector_load %arg7[%swap3A_64, %swap3A_65] {strides = array<i32>} : memref<80x128xf32, #tpu.memory_space<vmem>>, vector<1x16xf32>,
      %swap3A_67 = vector.shape_cast %swap3A_66 : vector<1x16xf32> to vector<16xf32>
      %swap3A_68 = vector.shape_cast %broadcast_in_dim3A_3 : vector<16xf32> to vector<1x16xf32>
      tpu.vector_store %arg7[%swap3A_64, %swap3A_65], %swap3A_68 {strides = array<i32>} : memref<80x128xf32, #tpu.memory_space<vmem>>, vector<1x16xf32>,
      %swap3A_69 = arith.index_cast %scan3A_59 : i32 to index
      %swap3A_70 = arith.constant 32 : index
      %swap3A_71 = tpu.vector_load %arg7[%swap3A_69, %swap3A_70] {strides = array<i32>} : memref<80x128xf32, #tpu.memory_space<vmem>>, vector<1x16xf32>,
      %swap3A_72 = vector.shape_cast %swap3A_71 : vector<1x16xf32> to vector<16xf32>
      %swap3A_73 = vector.shape_cast %broadcast_in_dim3A_3 : vector<16xf32> to vector<1x16xf32>
      tpu.vector_store %arg7[%swap3A_69, %swap3A_70], %swap3A_73 {strides = array<i32>} : memref<80x128xf32, #tpu.memory_space<vmem>>, vector<1x16xf32>,
      %swap3A_74 = arith.index_cast %scan3A_59 : i32 to index
      %swap3A_75 = arith.constant 48 : index
      %swap3A_76 = tpu.vector_load %arg7[%swap3A_74, %swap3A_75] {strides = array<i32>} : memref<80x128xf32, #tpu.memory_space<vmem>>, vector<1x16xf32>,
      %swap3A_77 = vector.shape_cast %swap3A_76 : vector<1x16xf32> to vector<16xf32>
      %swap3A_78 = vector.shape_cast %broadcast_in_dim3A_3 : vector<16xf32> to vector<1x16xf32>
      tpu.vector_store %arg7[%swap3A_74, %swap3A_75], %swap3A_78 {strides = array<i32>} : memref<80x128xf32, #tpu.memory_space<vmem>>, vector<1x16xf32>,
      %swap3A_79 = arith.index_cast %scan3A_59 : i32 to index
      %swap3A_80 = arith.constant 64 : index
      %swap3A_81 = tpu.vector_load %arg7[%swap3A_79, %swap3A_80] {strides = array<i32>} : memref<80x128xf32, #tpu.memory_space<vmem>>, vector<1x16xf32>,
      %swap3A_82 = vector.shape_cast %swap3A_81 : vector<1x16xf32> to vector<16xf32>
      %swap3A_83 = vector.shape_cast %broadcast_in_dim3A_3 : vector<16xf32> to vector<1x16xf32>
      tpu.vector_store %arg7[%swap3A_79, %swap3A_80], %swap3A_83 {strides = array<i32>} : memref<80x128xf32, #tpu.memory_space<vmem>>, vector<1x16xf32>,
      %swap3A_84 = arith.index_cast %scan3A_59 : i32 to index
      %swap3A_85 = arith.constant 80 : index
      %swap3A_86 = tpu.vector_load %arg7[%swap3A_84, %swap3A_85] {strides = array<i32>} : memref<80x128xf32, #tpu.memory_space<vmem>>, vector<1x16xf32>,
      %swap3A_87 = vector.shape_cast %swap3A_86 : vector<1x16xf32> to vector<16xf32>
      %swap3A_88 = vector.shape_cast %broadcast_in_dim3A_3 : vector<16xf32> to vector<1x16xf32>
      tpu.vector_store %arg7[%swap3A_84, %swap3A_85], %swap3A_88 {strides = array<i32>} : memref<80x128xf32, #tpu.memory_space<vmem>>, vector<1x16xf32>,
      %swap3A_89 = arith.index_cast %scan3A_59 : i32 to index
      %swap3A_90 = arith.constant 96 : index
      %swap3A_91 = tpu.vector_load %arg7[%swap3A_89, %swap3A_90] {strides = array<i32>} : memref<80x128xf32, #tpu.memory_space<vmem>>, vector<1x16xf32>,
      %swap3A_92 = vector.shape_cast %swap3A_91 : vector<1x16xf32> to vector<16xf32>
      %swap3A_93 = vector.shape_cast %broadcast_in_dim3A_3 : vector<16xf32> to vector<1x16xf32>
      tpu.vector_store %arg7[%swap3A_89, %swap3A_90], %swap3A_93 {strides = array<i32>} : memref<80x128xf32, #tpu.memory_space<vmem>>, vector<1x16xf32>,
      %swap3A_94 = arith.index_cast %scan3A_59 : i32 to index
      %swap3A_95 = arith.constant 112 : index
      %swap3A_96 = tpu.vector_load %arg7[%swap3A_94, %swap3A_95] {strides = array<i32>} : memref<80x128xf32, #tpu.memory_space<vmem>>, vector<1x16xf32>,
      %swap3A_97 = vector.shape_cast %swap3A_96 : vector<1x16xf32> to vector<16xf32>
      %swap3A_98 = vector.shape_cast %broadcast_in_dim3A_3 : vector<16xf32> to vector<1x16xf32>
      tpu.vector_store %arg7[%swap3A_94, %swap3A_95], %swap3A_98 {strides = array<i32>} : memref<80x128xf32, #tpu.memory_space<vmem>>, vector<1x16xf32>,
    }
    %scan3A_8 = arith.constant 80 : i32
    %mul3A_9 = arith.constant 640 : i32
    %mul3A_10 = arith.muli %arg1, %mul3A_9 : i32
    %add3A_11 = arith.constant 0 : i32
    %add3A_12 = arith.addi %mul3A_10, %add3A_11 : i32
    "tpu.region"() ({
      %run_scoped3A_59 = tpu.sem_alloc : memref<!tpu.dma_semaphore, #tpu.memory_space<semaphore_mem>>
      %dma_start3A_60 = arith.constant 0 : i32
      %dma_start3A_61 = tpu.memref_slice %arg15[%add3A_12, %dma_start3A_60] : memref<10240x128xf32, #tpu.memory_space<vmem_shared>> -> memref<80x128xf32, #tpu.memory_space<vmem_shared>>
      %dma_start3A_62 = arith.constant 0 : i32
      %dma_start3A_63 = tpu.memref_slice %arg15[%add3A_12, %dma_start3A_62] : memref<10240x128xf32, #tpu.memory_space<vmem_shared>> -> memref<80x128xf32, #tpu.memory_space<vmem_shared>>
      tpu.enqueue_dma source(%arg7 : memref<80x128xf32, #tpu.memory_space<vmem>>) target(%dma_start3A_63 : memref<80x128xf32, #tpu.memory_space<vmem_shared>>) target_semaphore(%run_scoped3A_59 : memref<!tpu.dma_semaphore, #tpu.memory_space<semaphore_mem>>)
      %dma_wait3A = arith.constant 0 : i32
      %dma_wait3A_64 = tpu.memref_slice %arg15[%add3A_12, %dma_wait3A] : memref<10240x128xf32, #tpu.memory_space<vmem_shared>> -> memref<80x128xf32, #tpu.memory_space<vmem_shared>>
      %dma_wait3A_65 = arith.constant 0 : i32
      %dma_wait3A_66 = tpu.memref_slice %arg15[%add3A_12, %dma_wait3A_65] : memref<10240x128xf32, #tpu.memory_space<vmem_shared>> -> memref<80x128xf32, #tpu.memory_space<vmem_shared>>
      tpu.wait_dma2 semaphore(%run_scoped3A_59 : memref<!tpu.dma_semaphore, #tpu.memory_space<semaphore_mem>>) src(%arg7 : memref<80x128xf32, #tpu.memory_space<vmem>>) dst(%dma_wait3A_66 : memref<80x128xf32, #tpu.memory_space<vmem_shared>>)
      tpu.yield
    }) : () -> ()
    %add3A_13 = arith.constant 80 : i32
    %add3A_14 = arith.addi %mul3A_10, %add3A_13 : i32
    "tpu.region"() ({
      %run_scoped3A_59 = tpu.sem_alloc : memref<!tpu.dma_semaphore, #tpu.memory_space<semaphore_mem>>
      %dma_start3A_60 = arith.constant 0 : i32
      %dma_start3A_61 = tpu.memref_slice %arg15[%add3A_14, %dma_start3A_60] : memref<10240x128xf32, #tpu.memory_space<vmem_shared>> -> memref<80x128xf32, #tpu.memory_space<vmem_shared>>
      %dma_start3A_62 = arith.constant 0 : i32
      %dma_start3A_63 = tpu.memref_slice %arg15[%add3A_14, %dma_start3A_62] : memref<10240x128xf32, #tpu.memory_space<vmem_shared>> -> memref<80x128xf32, #tpu.memory_space<vmem_shared>>
      tpu.enqueue_dma source(%arg7 : memref<80x128xf32, #tpu.memory_space<vmem>>) target(%dma_start3A_63 : memref<80x128xf32, #tpu.memory_space<vmem_shared>>) target_semaphore(%run_scoped3A_59 : memref<!tpu.dma_semaphore, #tpu.memory_space<semaphore_mem>>)
      %dma_wait3A = arith.constant 0 : i32
      %dma_wait3A_64 = tpu.memref_slice %arg15[%add3A_14, %dma_wait3A] : memref<10240x128xf32, #tpu.memory_space<vmem_shared>> -> memref<80x128xf32, #tpu.memory_space<vmem_shared>>
      %dma_wait3A_65 = arith.constant 0 : i32
      %dma_wait3A_66 = tpu.memref_slice %arg15[%add3A_14, %dma_wait3A_65] : memref<10240x128xf32, #tpu.memory_space<vmem_shared>> -> memref<80x128xf32, #tpu.memory_space<vmem_shared>>
      tpu.wait_dma2 semaphore(%run_scoped3A_59 : memref<!tpu.dma_semaphore, #tpu.memory_space<semaphore_mem>>) src(%arg7 : memref<80x128xf32, #tpu.memory_space<vmem>>) dst(%dma_wait3A_66 : memref<80x128xf32, #tpu.memory_space<vmem_shared>>)
      tpu.yield
    }) : () -> ()
    %add3A_15 = arith.constant 160 : i32
    %add3A_16 = arith.addi %mul3A_10, %add3A_15 : i32
    "tpu.region"() ({
      %run_scoped3A_59 = tpu.sem_alloc : memref<!tpu.dma_semaphore, #tpu.memory_space<semaphore_mem>>
      %dma_start3A_60 = arith.constant 0 : i32
      %dma_start3A_61 = tpu.memref_slice %arg15[%add3A_16, %dma_start3A_60] : memref<10240x128xf32, #tpu.memory_space<vmem_shared>> -> memref<80x128xf32, #tpu.memory_space<vmem_shared>>
      %dma_start3A_62 = arith.constant 0 : i32
      %dma_start3A_63 = tpu.memref_slice %arg15[%add3A_16, %dma_start3A_62] : memref<10240x128xf32, #tpu.memory_space<vmem_shared>> -> memref<80x128xf32, #tpu.memory_space<vmem_shared>>
      tpu.enqueue_dma source(%arg7 : memref<80x128xf32, #tpu.memory_space<vmem>>) target(%dma_start3A_63 : memref<80x128xf32, #tpu.memory_space<vmem_shared>>) target_semaphore(%run_scoped3A_59 : memref<!tpu.dma_semaphore, #tpu.memory_space<semaphore_mem>>)
      %dma_wait3A = arith.constant 0 : i32
      %dma_wait3A_64 = tpu.memref_slice %arg15[%add3A_16, %dma_wait3A] : memref<10240x128xf32, #tpu.memory_space<vmem_shared>> -> memref<80x128xf32, #tpu.memory_space<vmem_shared>>
      %dma_wait3A_65 = arith.constant 0 : i32
      %dma_wait3A_66 = tpu.memref_slice %arg15[%add3A_16, %dma_wait3A_65] : memref<10240x128xf32, #tpu.memory_space<vmem_shared>> -> memref<80x128xf32, #tpu.memory_space<vmem_shared>>
      tpu.wait_dma2 semaphore(%run_scoped3A_59 : memref<!tpu.dma_semaphore, #tpu.memory_space<semaphore_mem>>) src(%arg7 : memref<80x128xf32, #tpu.memory_space<vmem>>) dst(%dma_wait3A_66 : memref<80x128xf32, #tpu.memory_space<vmem_shared>>)
      tpu.yield
    }) : () -> ()
    %add3A_17 = arith.constant 240 : i32
    %add3A_18 = arith.addi %mul3A_10, %add3A_17 : i32
    "tpu.region"() ({
      %run_scoped3A_59 = tpu.sem_alloc : memref<!tpu.dma_semaphore, #tpu.memory_space<semaphore_mem>>
      %dma_start3A_60 = arith.constant 0 : i32
      %dma_start3A_61 = tpu.memref_slice %arg15[%add3A_18, %dma_start3A_60] : memref<10240x128xf32, #tpu.memory_space<vmem_shared>> -> memref<80x128xf32, #tpu.memory_space<vmem_shared>>
      %dma_start3A_62 = arith.constant 0 : i32
      %dma_start3A_63 = tpu.memref_slice %arg15[%add3A_18, %dma_start3A_62] : memref<10240x128xf32, #tpu.memory_space<vmem_shared>> -> memref<80x128xf32, #tpu.memory_space<vmem_shared>>
      tpu.enqueue_dma source(%arg7 : memref<80x128xf32, #tpu.memory_space<vmem>>) target(%dma_start3A_63 : memref<80x128xf32, #tpu.memory_space<vmem_shared>>) target_semaphore(%run_scoped3A_59 : memref<!tpu.dma_semaphore, #tpu.memory_space<semaphore_mem>>)
      %dma_wait3A = arith.constant 0 : i32
      %dma_wait3A_64 = tpu.memref_slice %arg15[%add3A_18, %dma_wait3A] : memref<10240x128xf32, #tpu.memory_space<vmem_shared>> -> memref<80x128xf32, #tpu.memory_space<vmem_shared>>
      %dma_wait3A_65 = arith.constant 0 : i32
      %dma_wait3A_66 = tpu.memref_slice %arg15[%add3A_18, %dma_wait3A_65] : memref<10240x128xf32, #tpu.memory_space<vmem_shared>> -> memref<80x128xf32, #tpu.memory_space<vmem_shared>>
      tpu.wait_dma2 semaphore(%run_scoped3A_59 : memref<!tpu.dma_semaphore, #tpu.memory_space<semaphore_mem>>) src(%arg7 : memref<80x128xf32, #tpu.memory_space<vmem>>) dst(%dma_wait3A_66 : memref<80x128xf32, #tpu.memory_space<vmem_shared>>)
      tpu.yield
    }) : () -> ()
    %add3A_19 = arith.constant 320 : i32
    %add3A_20 = arith.addi %mul3A_10, %add3A_19 : i32
    "tpu.region"() ({
      %run_scoped3A_59 = tpu.sem_alloc : memref<!tpu.dma_semaphore, #tpu.memory_space<semaphore_mem>>
      %dma_start3A_60 = arith.constant 0 : i32
      %dma_start3A_61 = tpu.memref_slice %arg15[%add3A_20, %dma_start3A_60] : memref<10240x128xf32, #tpu.memory_space<vmem_shared>> -> memref<80x128xf32, #tpu.memory_space<vmem_shared>>
      %dma_start3A_62 = arith.constant 0 : i32
      %dma_start3A_63 = tpu.memref_slice %arg15[%add3A_20, %dma_start3A_62] : memref<10240x128xf32, #tpu.memory_space<vmem_shared>> -> memref<80x128xf32, #tpu.memory_space<vmem_shared>>
      tpu.enqueue_dma source(%arg7 : memref<80x128xf32, #tpu.memory_space<vmem>>) target(%dma_start3A_63 : memref<80x128xf32, #tpu.memory_space<vmem_shared>>) target_semaphore(%run_scoped3A_59 : memref<!tpu.dma_semaphore, #tpu.memory_space<semaphore_mem>>)
      %dma_wait3A = arith.constant 0 : i32
      %dma_wait3A_64 = tpu.memref_slice %arg15[%add3A_20, %dma_wait3A] : memref<10240x128xf32, #tpu.memory_space<vmem_shared>> -> memref<80x128xf32, #tpu.memory_space<vmem_shared>>
      %dma_wait3A_65 = arith.constant 0 : i32
      %dma_wait3A_66 = tpu.memref_slice %arg15[%add3A_20, %dma_wait3A_65] : memref<10240x128xf32, #tpu.memory_space<vmem_shared>> -> memref<80x128xf32, #tpu.memory_space<vmem_shared>>
      tpu.wait_dma2 semaphore(%run_scoped3A_59 : memref<!tpu.dma_semaphore, #tpu.memory_space<semaphore_mem>>) src(%arg7 : memref<80x128xf32, #tpu.memory_space<vmem>>) dst(%dma_wait3A_66 : memref<80x128xf32, #tpu.memory_space<vmem_shared>>)
      tpu.yield
    }) : () -> ()
    %add3A_21 = arith.constant 400 : i32
    %add3A_22 = arith.addi %mul3A_10, %add3A_21 : i32
    "tpu.region"() ({
      %run_scoped3A_59 = tpu.sem_alloc : memref<!tpu.dma_semaphore, #tpu.memory_space<semaphore_mem>>
      %dma_start3A_60 = arith.constant 0 : i32
      %dma_start3A_61 = tpu.memref_slice %arg15[%add3A_22, %dma_start3A_60] : memref<10240x128xf32, #tpu.memory_space<vmem_shared>> -> memref<80x128xf32, #tpu.memory_space<vmem_shared>>
      %dma_start3A_62 = arith.constant 0 : i32
      %dma_start3A_63 = tpu.memref_slice %arg15[%add3A_22, %dma_start3A_62] : memref<10240x128xf32, #tpu.memory_space<vmem_shared>> -> memref<80x128xf32, #tpu.memory_space<vmem_shared>>
      tpu.enqueue_dma source(%arg7 : memref<80x128xf32, #tpu.memory_space<vmem>>) target(%dma_start3A_63 : memref<80x128xf32, #tpu.memory_space<vmem_shared>>) target_semaphore(%run_scoped3A_59 : memref<!tpu.dma_semaphore, #tpu.memory_space<semaphore_mem>>)
      %dma_wait3A = arith.constant 0 : i32
      %dma_wait3A_64 = tpu.memref_slice %arg15[%add3A_22, %dma_wait3A] : memref<10240x128xf32, #tpu.memory_space<vmem_shared>> -> memref<80x128xf32, #tpu.memory_space<vmem_shared>>
      %dma_wait3A_65 = arith.constant 0 : i32
      %dma_wait3A_66 = tpu.memref_slice %arg15[%add3A_22, %dma_wait3A_65] : memref<10240x128xf32, #tpu.memory_space<vmem_shared>> -> memref<80x128xf32, #tpu.memory_space<vmem_shared>>
      tpu.wait_dma2 semaphore(%run_scoped3A_59 : memref<!tpu.dma_semaphore, #tpu.memory_space<semaphore_mem>>) src(%arg7 : memref<80x128xf32, #tpu.memory_space<vmem>>) dst(%dma_wait3A_66 : memref<80x128xf32, #tpu.memory_space<vmem_shared>>)
      tpu.yield
    }) : () -> ()
    %add3A_23 = arith.constant 480 : i32
    %add3A_24 = arith.addi %mul3A_10, %add3A_23 : i32
    "tpu.region"() ({
      %run_scoped3A_59 = tpu.sem_alloc : memref<!tpu.dma_semaphore, #tpu.memory_space<semaphore_mem>>
      %dma_start3A_60 = arith.constant 0 : i32
      %dma_start3A_61 = tpu.memref_slice %arg15[%add3A_24, %dma_start3A_60] : memref<10240x128xf32, #tpu.memory_space<vmem_shared>> -> memref<80x128xf32, #tpu.memory_space<vmem_shared>>
      %dma_start3A_62 = arith.constant 0 : i32
      %dma_start3A_63 = tpu.memref_slice %arg15[%add3A_24, %dma_start3A_62] : memref<10240x128xf32, #tpu.memory_space<vmem_shared>> -> memref<80x128xf32, #tpu.memory_space<vmem_shared>>
      tpu.enqueue_dma source(%arg7 : memref<80x128xf32, #tpu.memory_space<vmem>>) target(%dma_start3A_63 : memref<80x128xf32, #tpu.memory_space<vmem_shared>>) target_semaphore(%run_scoped3A_59 : memref<!tpu.dma_semaphore, #tpu.memory_space<semaphore_mem>>)
      %dma_wait3A = arith.constant 0 : i32
      %dma_wait3A_64 = tpu.memref_slice %arg15[%add3A_24, %dma_wait3A] : memref<10240x128xf32, #tpu.memory_space<vmem_shared>> -> memref<80x128xf32, #tpu.memory_space<vmem_shared>>
      %dma_wait3A_65 = arith.constant 0 : i32
      %dma_wait3A_66 = tpu.memref_slice %arg15[%add3A_24, %dma_wait3A_65] : memref<10240x128xf32, #tpu.memory_space<vmem_shared>> -> memref<80x128xf32, #tpu.memory_space<vmem_shared>>
      tpu.wait_dma2 semaphore(%run_scoped3A_59 : memref<!tpu.dma_semaphore, #tpu.memory_space<semaphore_mem>>) src(%arg7 : memref<80x128xf32, #tpu.memory_space<vmem>>) dst(%dma_wait3A_66 : memref<80x128xf32, #tpu.memory_space<vmem_shared>>)
      tpu.yield
    }) : () -> ()
    %add3A_25 = arith.constant 560 : i32
    %add3A_26 = arith.addi %mul3A_10, %add3A_25 : i32
    "tpu.region"() ({
      %run_scoped3A_59 = tpu.sem_alloc : memref<!tpu.dma_semaphore, #tpu.memory_space<semaphore_mem>>
      %dma_start3A_60 = arith.constant 0 : i32
      %dma_start3A_61 = tpu.memref_slice %arg15[%add3A_26, %dma_start3A_60] : memref<10240x128xf32, #tpu.memory_space<vmem_shared>> -> memref<80x128xf32, #tpu.memory_space<vmem_shared>>
      %dma_start3A_62 = arith.constant 0 : i32
      %dma_start3A_63 = tpu.memref_slice %arg15[%add3A_26, %dma_start3A_62] : memref<10240x128xf32, #tpu.memory_space<vmem_shared>> -> memref<80x128xf32, #tpu.memory_space<vmem_shared>>
      tpu.enqueue_dma source(%arg7 : memref<80x128xf32, #tpu.memory_space<vmem>>) target(%dma_start3A_63 : memref<80x128xf32, #tpu.memory_space<vmem_shared>>) target_semaphore(%run_scoped3A_59 : memref<!tpu.dma_semaphore, #tpu.memory_space<semaphore_mem>>)
      %dma_wait3A = arith.constant 0 : i32
      %dma_wait3A_64 = tpu.memref_slice %arg15[%add3A_26, %dma_wait3A] : memref<10240x128xf32, #tpu.memory_space<vmem_shared>> -> memref<80x128xf32, #tpu.memory_space<vmem_shared>>
      %dma_wait3A_65 = arith.constant 0 : i32
      %dma_wait3A_66 = tpu.memref_slice %arg15[%add3A_26, %dma_wait3A_65] : memref<10240x128xf32, #tpu.memory_space<vmem_shared>> -> memref<80x128xf32, #tpu.memory_space<vmem_shared>>
      tpu.wait_dma2 semaphore(%run_scoped3A_59 : memref<!tpu.dma_semaphore, #tpu.memory_space<semaphore_mem>>) src(%arg7 : memref<80x128xf32, #tpu.memory_space<vmem>>) dst(%dma_wait3A_66 : memref<80x128xf32, #tpu.memory_space<vmem_shared>>)
      tpu.yield
    }) : () -> ()
    %barrier3A = arith.constant 0 : index
    tpu.barrier barrier_id(%barrier3A)
    %run_scoped3A = arith.constant 0 : i32
    "tpu.region"() ({
      %run_scoped3A_59 = tpu.sem_alloc : memref<!tpu.dma_semaphore, #tpu.memory_space<semaphore_mem>>
      %dma_start3A_60 = arith.constant 0 : i32
      %dma_start3A_61 = tpu.memref_slice %arg4[%add3A, %run_scoped3A, %dma_start3A_60] : memref<32x125x80xi32, #tpu.memory_space<hbm>> -> memref<1x1x80xi32, #tpu.memory_space<hbm>>
      %dma_start3A_62 = tpu.memref_squeeze %dma_start3A_61 : memref<1x1x80xi32, #tpu.memory_space<hbm>> -> memref<80xi32, #tpu.memory_space<hbm>>
      %dma_start3A_63 = arith.constant 0 : i32
      %dma_start3A_64 = tpu.memref_slice %arg4[%add3A, %run_scoped3A, %dma_start3A_63] : memref<32x125x80xi32, #tpu.memory_space<hbm>> -> memref<1x1x80xi32, #tpu.memory_space<hbm>>
      %dma_start3A_65 = tpu.memref_squeeze %dma_start3A_64 : memref<1x1x80xi32, #tpu.memory_space<hbm>> -> memref<80xi32, #tpu.memory_space<hbm>>
      tpu.enqueue_dma source(%dma_start3A_65 : memref<80xi32, #tpu.memory_space<hbm>>) target(%arg11 : memref<80xi32, #tpu.memory_space<vmem>>) target_semaphore(%run_scoped3A_59 : memref<!tpu.dma_semaphore, #tpu.memory_space<semaphore_mem>>)
      %dma_wait3A = arith.constant 0 : i32
      %dma_wait3A_66 = tpu.memref_slice %arg4[%add3A, %run_scoped3A, %dma_wait3A] : memref<32x125x80xi32, #tpu.memory_space<hbm>> -> memref<1x1x80xi32, #tpu.memory_space<hbm>>
      %dma_wait3A_67 = tpu.memref_squeeze %dma_wait3A_66 : memref<1x1x80xi32, #tpu.memory_space<hbm>> -> memref<80xi32, #tpu.memory_space<hbm>>
      %dma_wait3A_68 = arith.constant 0 : i32
      %dma_wait3A_69 = tpu.memref_slice %arg4[%add3A, %run_scoped3A, %dma_wait3A_68] : memref<32x125x80xi32, #tpu.memory_space<hbm>> -> memref<1x1x80xi32, #tpu.memory_space<hbm>>
      %dma_wait3A_70 = tpu.memref_squeeze %dma_wait3A_69 : memref<1x1x80xi32, #tpu.memory_space<hbm>> -> memref<80xi32, #tpu.memory_space<hbm>>
      tpu.wait_dma2 semaphore(%run_scoped3A_59 : memref<!tpu.dma_semaphore, #tpu.memory_space<semaphore_mem>>) src(%dma_wait3A_70 : memref<80xi32, #tpu.memory_space<hbm>>) dst(%arg11 : memref<80xi32, #tpu.memory_space<vmem>>)
      tpu.yield
    }) : () -> ()
    %run_scoped3A_27 = arith.constant 0 : i32
    "tpu.region"() ({
      %run_scoped3A_59 = tpu.sem_alloc : memref<!tpu.dma_semaphore, #tpu.memory_space<semaphore_mem>>
      %dma_start3A_60 = arith.constant 0 : i32
      %dma_start3A_61 = tpu.memref_slice %arg5[%add3A, %run_scoped3A_27, %dma_start3A_60] : memref<32x125x80xi32, #tpu.memory_space<hbm>> -> memref<1x1x80xi32, #tpu.memory_space<hbm>>
      %dma_start3A_62 = tpu.memref_squeeze %dma_start3A_61 : memref<1x1x80xi32, #tpu.memory_space<hbm>> -> memref<80xi32, #tpu.memory_space<hbm>>
      %dma_start3A_63 = arith.constant 0 : i32
      %dma_start3A_64 = tpu.memref_slice %arg5[%add3A, %run_scoped3A_27, %dma_start3A_63] : memref<32x125x80xi32, #tpu.memory_space<hbm>> -> memref<1x1x80xi32, #tpu.memory_space<hbm>>
      %dma_start3A_65 = tpu.memref_squeeze %dma_start3A_64 : memref<1x1x80xi32, #tpu.memory_space<hbm>> -> memref<80xi32, #tpu.memory_space<hbm>>
      tpu.enqueue_dma source(%dma_start3A_65 : memref<80xi32, #tpu.memory_space<hbm>>) target(%arg13 : memref<80xi32, #tpu.memory_space<vmem>>) target_semaphore(%run_scoped3A_59 : memref<!tpu.dma_semaphore, #tpu.memory_space<semaphore_mem>>)
      %dma_wait3A = arith.constant 0 : i32
      %dma_wait3A_66 = tpu.memref_slice %arg5[%add3A, %run_scoped3A_27, %dma_wait3A] : memref<32x125x80xi32, #tpu.memory_space<hbm>> -> memref<1x1x80xi32, #tpu.memory_space<hbm>>
      %dma_wait3A_67 = tpu.memref_squeeze %dma_wait3A_66 : memref<1x1x80xi32, #tpu.memory_space<hbm>> -> memref<80xi32, #tpu.memory_space<hbm>>
      %dma_wait3A_68 = arith.constant 0 : i32
      %dma_wait3A_69 = tpu.memref_slice %arg5[%add3A, %run_scoped3A_27, %dma_wait3A_68] : memref<32x125x80xi32, #tpu.memory_space<hbm>> -> memref<1x1x80xi32, #tpu.memory_space<hbm>>
      %dma_wait3A_70 = tpu.memref_squeeze %dma_wait3A_69 : memref<1x1x80xi32, #tpu.memory_space<hbm>> -> memref<80xi32, #tpu.memory_space<hbm>>
      tpu.wait_dma2 semaphore(%run_scoped3A_59 : memref<!tpu.dma_semaphore, #tpu.memory_space<semaphore_mem>>) src(%dma_wait3A_70 : memref<80xi32, #tpu.memory_space<hbm>>) dst(%arg13 : memref<80xi32, #tpu.memory_space<vmem>>)
      tpu.yield
    }) : () -> ()
    %add3A_28 = arith.constant 0 : i32
    %add3A_29 = arith.addi %mul3A_2, %add3A_28 : i32
    %dma_start3A = arith.constant 0 : i32
    %dma_start3A_30 = tpu.memref_slice %arg3[%add3A_29, %dma_start3A] : memref<320000x128xf32, #tpu.memory_space<hbm>> -> memref<80x128xf32, #tpu.memory_space<hbm>>
    %dma_start3A_31 = arith.constant 0 : i32
    %dma_start3A_32 = tpu.memref_slice %arg3[%add3A_29, %dma_start3A_31] : memref<320000x128xf32, #tpu.memory_space<hbm>> -> memref<80x128xf32, #tpu.memory_space<hbm>>
    tpu.enqueue_dma source(%dma_start3A_32 : memref<80x128xf32, #tpu.memory_space<hbm>>) target(%arg9 : memref<80x128xf32, #tpu.memory_space<vmem>>) target_semaphore(%arg18 : memref<!tpu.dma_semaphore, #tpu.memory_space<semaphore_mem>>)
    %dma_start3A_33 = arith.constant 0 : i32
    %dma_start3A_34 = arith.constant 0 : i32
    %dma_start3A_35 = tpu.memref_slice %arg2[%dma_start3A_33, %dma_start3A_34] : memref<10000x128xf32, #tpu.memory_space<hbm>> -> memref<10000x128xf32, #tpu.memory_space<hbm>>
    tpu.enqueue_indirect_dma source(%dma_start3A_35 : memref<10000x128xf32, #tpu.memory_space<hbm>>) target(%arg7 : memref<80x128xf32, #tpu.memory_space<vmem>>) offsets(%arg11 : memref<80xi32, #tpu.memory_space<vmem>>) semaphore(%arg16 : memref<!tpu.dma_semaphore, #tpu.memory_space<semaphore_mem>>)
    %dma_start3A_36 = arith.constant 1 : i32
    %dma_start3A_37 = arith.constant 0 : i32
    %dma_start3A_38 = tpu.memref_slice %arg4[%add3A, %dma_start3A_36, %dma_start3A_37] : memref<32x125x80xi32, #tpu.memory_space<hbm>> -> memref<1x1x80xi32, #tpu.memory_space<hbm>>
    %dma_start3A_39 = tpu.memref_squeeze %dma_start3A_38 : memref<1x1x80xi32, #tpu.memory_space<hbm>> -> memref<80xi32, #tpu.memory_space<hbm>>
    %dma_start3A_40 = arith.constant 0 : i32
    %dma_start3A_41 = tpu.memref_slice %arg4[%add3A, %dma_start3A_36, %dma_start3A_40] : memref<32x125x80xi32, #tpu.memory_space<hbm>> -> memref<1x1x80xi32, #tpu.memory_space<hbm>>
    %dma_start3A_42 = tpu.memref_squeeze %dma_start3A_41 : memref<1x1x80xi32, #tpu.memory_space<hbm>> -> memref<80xi32, #tpu.memory_space<hbm>>
    tpu.enqueue_dma source(%dma_start3A_42 : memref<80xi32, #tpu.memory_space<hbm>>) target(%arg12 : memref<80xi32, #tpu.memory_space<vmem>>) target_semaphore(%arg21 : memref<!tpu.dma_semaphore, #tpu.memory_space<semaphore_mem>>)
    %dma_start3A_43 = arith.constant 1 : i32
    %dma_start3A_44 = arith.constant 0 : i32
    %dma_start3A_45 = tpu.memref_slice %arg5[%add3A, %dma_start3A_43, %dma_start3A_44] : memref<32x125x80xi32, #tpu.memory_space<hbm>> -> memref<1x1x80xi32, #tpu.memory_space<hbm>>
    %dma_start3A_46 = tpu.memref_squeeze %dma_start3A_45 : memref<1x1x80xi32, #tpu.memory_space<hbm>> -> memref<80xi32, #tpu.memory_space<hbm>>
    %dma_start3A_47 = arith.constant 0 : i32
    %dma_start3A_48 = tpu.memref_slice %arg5[%add3A, %dma_start3A_43, %dma_start3A_47] : memref<32x125x80xi32, #tpu.memory_space<hbm>> -> memref<1x1x80xi32, #tpu.memory_space<hbm>>
    %dma_start3A_49 = tpu.memref_squeeze %dma_start3A_48 : memref<1x1x80xi32, #tpu.memory_space<hbm>> -> memref<80xi32, #tpu.memory_space<hbm>>
    tpu.enqueue_dma source(%dma_start3A_49 : memref<80xi32, #tpu.memory_space<hbm>>) target(%arg14 : memref<80xi32, #tpu.memory_space<vmem>>) target_semaphore(%arg21 : memref<!tpu.dma_semaphore, #tpu.memory_space<semaphore_mem>>)
    %scan3A_50 = arith.constant 0 : i32
    %scan3A_51 = arith.constant 0 : i32
    %scan3A_52 = arith.constant 125 : i32
    %scan3A_53 = arith.addi %scan3A_51, %scan3A_52 : i32
    %scan3A_54 = arith.constant 1 : i32
    scf.for %scan3A_59 = %scan3A_51 to %scan3A_53 step %scan3A_54  : i32 {
      %jit3A = arith.constant 2 : i32
      %eq3A = arith.constant 0 : i32
      %eq3A_60 = arith.cmpi eq, %jit3A, %eq3A : i32
      %jit3A_61 = arith.constant 1 : i32
      %select_n3A = arith.select %eq3A_60, %jit3A_61, %jit3A : i32
      %rem3A = arith.remsi %scan3A_59, %select_n3A : i32
      %ne3A = arith.constant 0 : i32
      %ne3A_62 = arith.cmpi ne, %rem3A, %ne3A : i32
      %lt3A = arith.constant 0 : i32
      %lt3A_63 = arith.cmpi slt, %rem3A, %lt3A : i32
      %lt3A_64 = arith.constant 0 : i32
      %lt3A_65 = arith.cmpi slt, %select_n3A, %lt3A_64 : i32
      %ne3A_66 = arith.xori %lt3A_63, %lt3A_65 : i1
      %and3A = arith.andi %ne3A_66, %ne3A_62 : i1
      %add3A_67 = arith.addi %rem3A, %select_n3A : i32
      %select_n3A_68 = arith.select %and3A, %add3A_67, %rem3A : i32
      %eq3A_69 = arith.constant 0 : i32
      %eq3A_70 = arith.cmpi eq, %select_n3A_68, %eq3A_69 : i32
      %convert_element_type3A = arith.extui %eq3A_70 : i1 to i32
      %cond3A = arith.constant 0 : i32
      %cond3A_71 = arith.cmpi ne, %convert_element_type3A, %cond3A : i32
      scf.if %cond3A_71 {
        %mul3A_72 = arith.constant 80 : i32
        %mul3A_73 = arith.muli %scan3A_59, %mul3A_72 : i32
        %add3A_74 = arith.addi %mul3A_2, %mul3A_73 : i32
        %dma_wait3A = arith.constant 0 : i32
        %dma_wait3A_75 = tpu.memref_slice %arg3[%add3A_74, %dma_wait3A] : memref<320000x128xf32, #tpu.memory_space<hbm>> -> memref<80x128xf32, #tpu.memory_space<hbm>>
        %dma_wait3A_76 = arith.constant 0 : i32
        %dma_wait3A_77 = tpu.memref_slice %arg3[%add3A_74, %dma_wait3A_76] : memref<320000x128xf32, #tpu.memory_space<hbm>> -> memref<80x128xf32, #tpu.memory_space<hbm>>
        tpu.wait_dma2 semaphore(%arg18 : memref<!tpu.dma_semaphore, #tpu.memory_space<semaphore_mem>>) src(%dma_wait3A_77 : memref<80x128xf32, #tpu.memory_space<hbm>>) dst(%arg9 : memref<80x128xf32, #tpu.memory_space<vmem>>)
        %dma_wait3A_78 = arith.constant 0 : i32
        %dma_wait3A_79 = arith.constant 0 : i32
        %dma_wait3A_80 = tpu.memref_slice %arg2[%dma_wait3A_78, %dma_wait3A_79] : memref<10000x128xf32, #tpu.memory_space<hbm>> -> memref<10000x128xf32, #tpu.memory_space<hbm>>
        tpu.wait_indirect_dma semaphore(%arg16 : memref<!tpu.dma_semaphore, #tpu.memory_space<semaphore_mem>>) src(%dma_wait3A_80 : memref<10000x128xf32, #tpu.memory_space<hbm>>) dst(%arg7 : memref<80x128xf32, #tpu.memory_space<vmem>>)
        %add3A_81 = arith.constant 1 : i32
        %add3A_82 = arith.addi %scan3A_59, %add3A_81 : i32
        %lt3A_83 = arith.constant 125 : i32
        %lt3A_84 = arith.cmpi slt, %add3A_82, %lt3A_83 : i32
        %convert_element_type3A_85 = arith.extui %lt3A_84 : i1 to i32
        %cond3A_86 = arith.constant 0 : i32
        %cond3A_87 = arith.cmpi ne, %convert_element_type3A_85, %cond3A_86 : i32
        scf.if %cond3A_87 {
          %add3A_101 = arith.constant 1 : i32
          %add3A_102 = arith.addi %scan3A_59, %add3A_101 : i32
          %dma_wait3A_103 = arith.constant 0 : i32
          %dma_wait3A_104 = tpu.memref_slice %arg4[%add3A, %add3A_102, %dma_wait3A_103] : memref<32x125x80xi32, #tpu.memory_space<hbm>> -> memref<1x1x80xi32, #tpu.memory_space<hbm>>
          %dma_wait3A_105 = tpu.memref_squeeze %dma_wait3A_104 : memref<1x1x80xi32, #tpu.memory_space<hbm>> -> memref<80xi32, #tpu.memory_space<hbm>>
          %dma_wait3A_106 = arith.constant 0 : i32
          %dma_wait3A_107 = tpu.memref_slice %arg4[%add3A, %add3A_102, %dma_wait3A_106] : memref<32x125x80xi32, #tpu.memory_space<hbm>> -> memref<1x1x80xi32, #tpu.memory_space<hbm>>
          %dma_wait3A_108 = tpu.memref_squeeze %dma_wait3A_107 : memref<1x1x80xi32, #tpu.memory_space<hbm>> -> memref<80xi32, #tpu.memory_space<hbm>>
          tpu.wait_dma2 semaphore(%arg21 : memref<!tpu.dma_semaphore, #tpu.memory_space<semaphore_mem>>) src(%dma_wait3A_108 : memref<80xi32, #tpu.memory_space<hbm>>) dst(%arg12 : memref<80xi32, #tpu.memory_space<vmem>>)
          %dma_wait3A_109 = arith.constant 0 : i32
          %dma_wait3A_110 = tpu.memref_slice %arg5[%add3A, %add3A_102, %dma_wait3A_109] : memref<32x125x80xi32, #tpu.memory_space<hbm>> -> memref<1x1x80xi32, #tpu.memory_space<hbm>>
          %dma_wait3A_111 = tpu.memref_squeeze %dma_wait3A_110 : memref<1x1x80xi32, #tpu.memory_space<hbm>> -> memref<80xi32, #tpu.memory_space<hbm>>
          %dma_wait3A_112 = arith.constant 0 : i32
          %dma_wait3A_113 = tpu.memref_slice %arg5[%add3A, %add3A_102, %dma_wait3A_112] : memref<32x125x80xi32, #tpu.memory_space<hbm>> -> memref<1x1x80xi32, #tpu.memory_space<hbm>>
          %dma_wait3A_114 = tpu.memref_squeeze %dma_wait3A_113 : memref<1x1x80xi32, #tpu.memory_space<hbm>> -> memref<80xi32, #tpu.memory_space<hbm>>
          tpu.wait_dma2 semaphore(%arg21 : memref<!tpu.dma_semaphore, #tpu.memory_space<semaphore_mem>>) src(%dma_wait3A_114 : memref<80xi32, #tpu.memory_space<hbm>>) dst(%arg14 : memref<80xi32, #tpu.memory_space<vmem>>)
          %add3A_115 = arith.constant 1 : i32
          %add3A_116 = arith.addi %scan3A_59, %add3A_115 : i32
          %mul3A_117 = arith.constant 80 : i32
          %mul3A_118 = arith.muli %add3A_116, %mul3A_117 : i32
          %add3A_119 = arith.addi %mul3A_2, %mul3A_118 : i32
          %dma_start3A_120 = arith.constant 0 : i32
          %dma_start3A_121 = tpu.memref_slice %arg3[%add3A_119, %dma_start3A_120] : memref<320000x128xf32, #tpu.memory_space<hbm>> -> memref<80x128xf32, #tpu.memory_space<hbm>>
          %dma_start3A_122 = arith.constant 0 : i32
          %dma_start3A_123 = tpu.memref_slice %arg3[%add3A_119, %dma_start3A_122] : memref<320000x128xf32, #tpu.memory_space<hbm>> -> memref<80x128xf32, #tpu.memory_space<hbm>>
          tpu.enqueue_dma source(%dma_start3A_123 : memref<80x128xf32, #tpu.memory_space<hbm>>) target(%arg10 : memref<80x128xf32, #tpu.memory_space<vmem>>) target_semaphore(%arg19 : memref<!tpu.dma_semaphore, #tpu.memory_space<semaphore_mem>>)
          %dma_start3A_124 = arith.constant 0 : i32
          %dma_start3A_125 = arith.constant 0 : i32
          %dma_start3A_126 = tpu.memref_slice %arg2[%dma_start3A_124, %dma_start3A_125] : memref<10000x128xf32, #tpu.memory_space<hbm>> -> memref<10000x128xf32, #tpu.memory_space<hbm>>
          tpu.enqueue_indirect_dma source(%dma_start3A_126 : memref<10000x128xf32, #tpu.memory_space<hbm>>) target(%arg8 : memref<80x128xf32, #tpu.memory_space<vmem>>) offsets(%arg12 : memref<80xi32, #tpu.memory_space<vmem>>) semaphore(%arg17 : memref<!tpu.dma_semaphore, #tpu.memory_space<semaphore_mem>>)
        } else {
        }
        %scan3A_88 = arith.constant 0 : i32
        %scan3A_89 = arith.constant 0 : i32
        %scan3A_90 = arith.constant 80 : i32
        %scan3A_91 = arith.addi %scan3A_89, %scan3A_90 : i32
        %scan3A_92 = arith.constant 1 : i32
        scf.for %scan3A_101 = %scan3A_89 to %scan3A_91 step %scan3A_92  : i32 {
          %get3A = arith.index_cast %scan3A_101 : i32 to index
          %get3A_102 = arith.constant 0 : index
          %get3A_103 = tpu.vector_load %arg7[%get3A, %get3A_102] {strides = array<i32>} : memref<80x128xf32, #tpu.memory_space<vmem>>, vector<1x16xf32>,
          %get3A_104 = vector.shape_cast %get3A_103 : vector<1x16xf32> to vector<16xf32>
          %get3A_105 = arith.index_cast %scan3A_101 : i32 to index
          %get3A_106 = arith.constant 0 : index
          %get3A_107 = tpu.vector_load %arg9[%get3A_105, %get3A_106] {strides = array<i32>} : memref<80x128xf32, #tpu.memory_space<vmem>>, vector<1x16xf32>,
          %get3A_108 = vector.shape_cast %get3A_107 : vector<1x16xf32> to vector<16xf32>
          %add3A_109 = arith.addf %get3A_104, %get3A_108 : vector<16xf32>
          %max3A = arith.constant 0.000000e+00 : f32
          %max3A_110 = vector.broadcast %max3A : f32 to vector<16xf32>
          %max3A_111 = arith.maximumf %add3A_109, %max3A_110 : vector<16xf32>
          %swap3A = arith.index_cast %scan3A_101 : i32 to index
          %swap3A_112 = arith.constant 0 : index
          %swap3A_113 = tpu.vector_load %arg7[%swap3A, %swap3A_112] {strides = array<i32>} : memref<80x128xf32, #tpu.memory_space<vmem>>, vector<1x16xf32>,
          %swap3A_114 = vector.shape_cast %swap3A_113 : vector<1x16xf32> to vector<16xf32>
          %swap3A_115 = vector.shape_cast %max3A_111 : vector<16xf32> to vector<1x16xf32>
          tpu.vector_store %arg7[%swap3A, %swap3A_112], %swap3A_115 {strides = array<i32>} : memref<80x128xf32, #tpu.memory_space<vmem>>, vector<1x16xf32>,
          %get3A_116 = arith.index_cast %scan3A_101 : i32 to index
          %get3A_117 = arith.constant 16 : index
          %get3A_118 = tpu.vector_load %arg7[%get3A_116, %get3A_117] {strides = array<i32>} : memref<80x128xf32, #tpu.memory_space<vmem>>, vector<1x16xf32>,
          %get3A_119 = vector.shape_cast %get3A_118 : vector<1x16xf32> to vector<16xf32>
          %get3A_120 = arith.index_cast %scan3A_101 : i32 to index
          %get3A_121 = arith.constant 16 : index
          %get3A_122 = tpu.vector_load %arg9[%get3A_120, %get3A_121] {strides = array<i32>} : memref<80x128xf32, #tpu.memory_space<vmem>>, vector<1x16xf32>,
          %get3A_123 = vector.shape_cast %get3A_122 : vector<1x16xf32> to vector<16xf32>
          %add3A_124 = arith.addf %get3A_119, %get3A_123 : vector<16xf32>
          %max3A_125 = arith.constant 0.000000e+00 : f32
          %max3A_126 = vector.broadcast %max3A_125 : f32 to vector<16xf32>
          %max3A_127 = arith.maximumf %add3A_124, %max3A_126 : vector<16xf32>
          %swap3A_128 = arith.index_cast %scan3A_101 : i32 to index
          %swap3A_129 = arith.constant 16 : index
          %swap3A_130 = tpu.vector_load %arg7[%swap3A_128, %swap3A_129] {strides = array<i32>} : memref<80x128xf32, #tpu.memory_space<vmem>>, vector<1x16xf32>,
          %swap3A_131 = vector.shape_cast %swap3A_130 : vector<1x16xf32> to vector<16xf32>
          %swap3A_132 = vector.shape_cast %max3A_127 : vector<16xf32> to vector<1x16xf32>
          tpu.vector_store %arg7[%swap3A_128, %swap3A_129], %swap3A_132 {strides = array<i32>} : memref<80x128xf32, #tpu.memory_space<vmem>>, vector<1x16xf32>,
          %get3A_133 = arith.index_cast %scan3A_101 : i32 to index
          %get3A_134 = arith.constant 32 : index
          %get3A_135 = tpu.vector_load %arg7[%get3A_133, %get3A_134] {strides = array<i32>} : memref<80x128xf32, #tpu.memory_space<vmem>>, vector<1x16xf32>,
          %get3A_136 = vector.shape_cast %get3A_135 : vector<1x16xf32> to vector<16xf32>
          %get3A_137 = arith.index_cast %scan3A_101 : i32 to index
          %get3A_138 = arith.constant 32 : index
          %get3A_139 = tpu.vector_load %arg9[%get3A_137, %get3A_138] {strides = array<i32>} : memref<80x128xf32, #tpu.memory_space<vmem>>, vector<1x16xf32>,
          %get3A_140 = vector.shape_cast %get3A_139 : vector<1x16xf32> to vector<16xf32>
          %add3A_141 = arith.addf %get3A_136, %get3A_140 : vector<16xf32>
          %max3A_142 = arith.constant 0.000000e+00 : f32
          %max3A_143 = vector.broadcast %max3A_142 : f32 to vector<16xf32>
          %max3A_144 = arith.maximumf %add3A_141, %max3A_143 : vector<16xf32>
          %swap3A_145 = arith.index_cast %scan3A_101 : i32 to index
          %swap3A_146 = arith.constant 32 : index
          %swap3A_147 = tpu.vector_load %arg7[%swap3A_145, %swap3A_146] {strides = array<i32>} : memref<80x128xf32, #tpu.memory_space<vmem>>, vector<1x16xf32>,
          %swap3A_148 = vector.shape_cast %swap3A_147 : vector<1x16xf32> to vector<16xf32>
          %swap3A_149 = vector.shape_cast %max3A_144 : vector<16xf32> to vector<1x16xf32>
          tpu.vector_store %arg7[%swap3A_145, %swap3A_146], %swap3A_149 {strides = array<i32>} : memref<80x128xf32, #tpu.memory_space<vmem>>, vector<1x16xf32>,
          %get3A_150 = arith.index_cast %scan3A_101 : i32 to index
          %get3A_151 = arith.constant 48 : index
          %get3A_152 = tpu.vector_load %arg7[%get3A_150, %get3A_151] {strides = array<i32>} : memref<80x128xf32, #tpu.memory_space<vmem>>, vector<1x16xf32>,
          %get3A_153 = vector.shape_cast %get3A_152 : vector<1x16xf32> to vector<16xf32>
          %get3A_154 = arith.index_cast %scan3A_101 : i32 to index
          %get3A_155 = arith.constant 48 : index
          %get3A_156 = tpu.vector_load %arg9[%get3A_154, %get3A_155] {strides = array<i32>} : memref<80x128xf32, #tpu.memory_space<vmem>>, vector<1x16xf32>,
          %get3A_157 = vector.shape_cast %get3A_156 : vector<1x16xf32> to vector<16xf32>
          %add3A_158 = arith.addf %get3A_153, %get3A_157 : vector<16xf32>
          %max3A_159 = arith.constant 0.000000e+00 : f32
          %max3A_160 = vector.broadcast %max3A_159 : f32 to vector<16xf32>
          %max3A_161 = arith.maximumf %add3A_158, %max3A_160 : vector<16xf32>
          %swap3A_162 = arith.index_cast %scan3A_101 : i32 to index
          %swap3A_163 = arith.constant 48 : index
          %swap3A_164 = tpu.vector_load %arg7[%swap3A_162, %swap3A_163] {strides = array<i32>} : memref<80x128xf32, #tpu.memory_space<vmem>>, vector<1x16xf32>,
          %swap3A_165 = vector.shape_cast %swap3A_164 : vector<1x16xf32> to vector<16xf32>
          %swap3A_166 = vector.shape_cast %max3A_161 : vector<16xf32> to vector<1x16xf32>
          tpu.vector_store %arg7[%swap3A_162, %swap3A_163], %swap3A_166 {strides = array<i32>} : memref<80x128xf32, #tpu.memory_space<vmem>>, vector<1x16xf32>,
          %get3A_167 = arith.index_cast %scan3A_101 : i32 to index
          %get3A_168 = arith.constant 64 : index
          %get3A_169 = tpu.vector_load %arg7[%get3A_167, %get3A_168] {strides = array<i32>} : memref<80x128xf32, #tpu.memory_space<vmem>>, vector<1x16xf32>,
          %get3A_170 = vector.shape_cast %get3A_169 : vector<1x16xf32> to vector<16xf32>
          %get3A_171 = arith.index_cast %scan3A_101 : i32 to index
          %get3A_172 = arith.constant 64 : index
          %get3A_173 = tpu.vector_load %arg9[%get3A_171, %get3A_172] {strides = array<i32>} : memref<80x128xf32, #tpu.memory_space<vmem>>, vector<1x16xf32>,
          %get3A_174 = vector.shape_cast %get3A_173 : vector<1x16xf32> to vector<16xf32>
          %add3A_175 = arith.addf %get3A_170, %get3A_174 : vector<16xf32>
          %max3A_176 = arith.constant 0.000000e+00 : f32
          %max3A_177 = vector.broadcast %max3A_176 : f32 to vector<16xf32>
          %max3A_178 = arith.maximumf %add3A_175, %max3A_177 : vector<16xf32>
          %swap3A_179 = arith.index_cast %scan3A_101 : i32 to index
          %swap3A_180 = arith.constant 64 : index
          %swap3A_181 = tpu.vector_load %arg7[%swap3A_179, %swap3A_180] {strides = array<i32>} : memref<80x128xf32, #tpu.memory_space<vmem>>, vector<1x16xf32>,
          %swap3A_182 = vector.shape_cast %swap3A_181 : vector<1x16xf32> to vector<16xf32>
          %swap3A_183 = vector.shape_cast %max3A_178 : vector<16xf32> to vector<1x16xf32>
          tpu.vector_store %arg7[%swap3A_179, %swap3A_180], %swap3A_183 {strides = array<i32>} : memref<80x128xf32, #tpu.memory_space<vmem>>, vector<1x16xf32>,
          %get3A_184 = arith.index_cast %scan3A_101 : i32 to index
          %get3A_185 = arith.constant 80 : index
          %get3A_186 = tpu.vector_load %arg7[%get3A_184, %get3A_185] {strides = array<i32>} : memref<80x128xf32, #tpu.memory_space<vmem>>, vector<1x16xf32>,
          %get3A_187 = vector.shape_cast %get3A_186 : vector<1x16xf32> to vector<16xf32>
          %get3A_188 = arith.index_cast %scan3A_101 : i32 to index
          %get3A_189 = arith.constant 80 : index
          %get3A_190 = tpu.vector_load %arg9[%get3A_188, %get3A_189] {strides = array<i32>} : memref<80x128xf32, #tpu.memory_space<vmem>>, vector<1x16xf32>,
          %get3A_191 = vector.shape_cast %get3A_190 : vector<1x16xf32> to vector<16xf32>
          %add3A_192 = arith.addf %get3A_187, %get3A_191 : vector<16xf32>
          %max3A_193 = arith.constant 0.000000e+00 : f32
          %max3A_194 = vector.broadcast %max3A_193 : f32 to vector<16xf32>
          %max3A_195 = arith.maximumf %add3A_192, %max3A_194 : vector<16xf32>
          %swap3A_196 = arith.index_cast %scan3A_101 : i32 to index
          %swap3A_197 = arith.constant 80 : index
          %swap3A_198 = tpu.vector_load %arg7[%swap3A_196, %swap3A_197] {strides = array<i32>} : memref<80x128xf32, #tpu.memory_space<vmem>>, vector<1x16xf32>,
          %swap3A_199 = vector.shape_cast %swap3A_198 : vector<1x16xf32> to vector<16xf32>
          %swap3A_200 = vector.shape_cast %max3A_195 : vector<16xf32> to vector<1x16xf32>
          tpu.vector_store %arg7[%swap3A_196, %swap3A_197], %swap3A_200 {strides = array<i32>} : memref<80x128xf32, #tpu.memory_space<vmem>>, vector<1x16xf32>,
          %get3A_201 = arith.index_cast %scan3A_101 : i32 to index
          %get3A_202 = arith.constant 96 : index
          %get3A_203 = tpu.vector_load %arg7[%get3A_201, %get3A_202] {strides = array<i32>} : memref<80x128xf32, #tpu.memory_space<vmem>>, vector<1x16xf32>,
          %get3A_204 = vector.shape_cast %get3A_203 : vector<1x16xf32> to vector<16xf32>
          %get3A_205 = arith.index_cast %scan3A_101 : i32 to index
          %get3A_206 = arith.constant 96 : index
          %get3A_207 = tpu.vector_load %arg9[%get3A_205, %get3A_206] {strides = array<i32>} : memref<80x128xf32, #tpu.memory_space<vmem>>, vector<1x16xf32>,
          %get3A_208 = vector.shape_cast %get3A_207 : vector<1x16xf32> to vector<16xf32>
          %add3A_209 = arith.addf %get3A_204, %get3A_208 : vector<16xf32>
          %max3A_210 = arith.constant 0.000000e+00 : f32
          %max3A_211 = vector.broadcast %max3A_210 : f32 to vector<16xf32>
          %max3A_212 = arith.maximumf %add3A_209, %max3A_211 : vector<16xf32>
          %swap3A_213 = arith.index_cast %scan3A_101 : i32 to index
          %swap3A_214 = arith.constant 96 : index
          %swap3A_215 = tpu.vector_load %arg7[%swap3A_213, %swap3A_214] {strides = array<i32>} : memref<80x128xf32, #tpu.memory_space<vmem>>, vector<1x16xf32>,
          %swap3A_216 = vector.shape_cast %swap3A_215 : vector<1x16xf32> to vector<16xf32>
          %swap3A_217 = vector.shape_cast %max3A_212 : vector<16xf32> to vector<1x16xf32>
          tpu.vector_store %arg7[%swap3A_213, %swap3A_214], %swap3A_217 {strides = array<i32>} : memref<80x128xf32, #tpu.memory_space<vmem>>, vector<1x16xf32>,
          %get3A_218 = arith.index_cast %scan3A_101 : i32 to index
          %get3A_219 = arith.constant 112 : index
          %get3A_220 = tpu.vector_load %arg7[%get3A_218, %get3A_219] {strides = array<i32>} : memref<80x128xf32, #tpu.memory_space<vmem>>, vector<1x16xf32>,
          %get3A_221 = vector.shape_cast %get3A_220 : vector<1x16xf32> to vector<16xf32>
          %get3A_222 = arith.index_cast %scan3A_101 : i32 to index
          %get3A_223 = arith.constant 112 : index
          %get3A_224 = tpu.vector_load %arg9[%get3A_222, %get3A_223] {strides = array<i32>} : memref<80x128xf32, #tpu.memory_space<vmem>>, vector<1x16xf32>,
          %get3A_225 = vector.shape_cast %get3A_224 : vector<1x16xf32> to vector<16xf32>
          %add3A_226 = arith.addf %get3A_221, %get3A_225 : vector<16xf32>
          %max3A_227 = arith.constant 0.000000e+00 : f32
          %max3A_228 = vector.broadcast %max3A_227 : f32 to vector<16xf32>
          %max3A_229 = arith.maximumf %add3A_226, %max3A_228 : vector<16xf32>
          %swap3A_230 = arith.index_cast %scan3A_101 : i32 to index
          %swap3A_231 = arith.constant 112 : index
          %swap3A_232 = tpu.vector_load %arg7[%swap3A_230, %swap3A_231] {strides = array<i32>} : memref<80x128xf32, #tpu.memory_space<vmem>>, vector<1x16xf32>,
          %swap3A_233 = vector.shape_cast %swap3A_232 : vector<1x16xf32> to vector<16xf32>
          %swap3A_234 = vector.shape_cast %max3A_229 : vector<16xf32> to vector<1x16xf32>
          tpu.vector_store %arg7[%swap3A_230, %swap3A_231], %swap3A_234 {strides = array<i32>} : memref<80x128xf32, #tpu.memory_space<vmem>>, vector<1x16xf32>,
        }
        %scan3A_93 = arith.constant 80 : i32
        "tpu.region"() ({
          %run_scoped3A_101 = tpu.sem_alloc : memref<!tpu.dma_semaphore, #tpu.memory_space<semaphore_mem>>
          %dma_start3A_102 = arith.constant 0 : i32
          %dma_start3A_103 = arith.constant 0 : i32
          %dma_start3A_104 = tpu.memref_slice %arg15[%dma_start3A_102, %dma_start3A_103] : memref<10240x128xf32, #tpu.memory_space<vmem_shared>> -> memref<10240x128xf32, #tpu.memory_space<vmem_shared>>
          tpu.enqueue_indirect_dma source(%arg7 : memref<80x128xf32, #tpu.memory_space<vmem>>) target(%dma_start3A_104 : memref<10240x128xf32, #tpu.memory_space<vmem_shared>>) offsets(%arg13 : memref<80xi32, #tpu.memory_space<vmem>>) semaphore(%run_scoped3A_101 : memref<!tpu.dma_semaphore, #tpu.memory_space<semaphore_mem>>) {add = true}
          %dma_wait3A_105 = arith.constant 0 : i32
          %dma_wait3A_106 = arith.constant 0 : i32
          %dma_wait3A_107 = tpu.memref_slice %arg15[%dma_wait3A_105, %dma_wait3A_106] : memref<10240x128xf32, #tpu.memory_space<vmem_shared>> -> memref<10240x128xf32, #tpu.memory_space<vmem_shared>>
          tpu.wait_indirect_dma semaphore(%run_scoped3A_101 : memref<!tpu.dma_semaphore, #tpu.memory_space<semaphore_mem>>) src(%arg7 : memref<80x128xf32, #tpu.memory_space<vmem>>) dst(%dma_wait3A_107 : memref<10240x128xf32, #tpu.memory_space<vmem_shared>>)
          tpu.yield
        }) : () -> ()
        %add3A_94 = arith.constant 2 : i32
        %add3A_95 = arith.addi %scan3A_59, %add3A_94 : i32
        %lt3A_96 = arith.constant 125 : i32
        %lt3A_97 = arith.cmpi slt, %add3A_95, %lt3A_96 : i32
        %convert_element_type3A_98 = arith.extui %lt3A_97 : i1 to i32
        %cond3A_99 = arith.constant 0 : i32
        %cond3A_100 = arith.cmpi ne, %convert_element_type3A_98, %cond3A_99 : i32
        scf.if %cond3A_100 {
          %add3A_101 = arith.constant 2 : i32
          %add3A_102 = arith.addi %scan3A_59, %add3A_101 : i32
          %dma_start3A_103 = arith.constant 0 : i32
          %dma_start3A_104 = tpu.memref_slice %arg4[%add3A, %add3A_102, %dma_start3A_103] : memref<32x125x80xi32, #tpu.memory_space<hbm>> -> memref<1x1x80xi32, #tpu.memory_space<hbm>>
          %dma_start3A_105 = tpu.memref_squeeze %dma_start3A_104 : memref<1x1x80xi32, #tpu.memory_space<hbm>> -> memref<80xi32, #tpu.memory_space<hbm>>
          %dma_start3A_106 = arith.constant 0 : i32
          %dma_start3A_107 = tpu.memref_slice %arg4[%add3A, %add3A_102, %dma_start3A_106] : memref<32x125x80xi32, #tpu.memory_space<hbm>> -> memref<1x1x80xi32, #tpu.memory_space<hbm>>
          %dma_start3A_108 = tpu.memref_squeeze %dma_start3A_107 : memref<1x1x80xi32, #tpu.memory_space<hbm>> -> memref<80xi32, #tpu.memory_space<hbm>>
          tpu.enqueue_dma source(%dma_start3A_108 : memref<80xi32, #tpu.memory_space<hbm>>) target(%arg11 : memref<80xi32, #tpu.memory_space<vmem>>) target_semaphore(%arg20 : memref<!tpu.dma_semaphore, #tpu.memory_space<semaphore_mem>>)
          %dma_start3A_109 = arith.constant 0 : i32
          %dma_start3A_110 = tpu.memref_slice %arg5[%add3A, %add3A_102, %dma_start3A_109] : memref<32x125x80xi32, #tpu.memory_space<hbm>> -> memref<1x1x80xi32, #tpu.memory_space<hbm>>
          %dma_start3A_111 = tpu.memref_squeeze %dma_start3A_110 : memref<1x1x80xi32, #tpu.memory_space<hbm>> -> memref<80xi32, #tpu.memory_space<hbm>>
          %dma_start3A_112 = arith.constant 0 : i32
          %dma_start3A_113 = tpu.memref_slice %arg5[%add3A, %add3A_102, %dma_start3A_112] : memref<32x125x80xi32, #tpu.memory_space<hbm>> -> memref<1x1x80xi32, #tpu.memory_space<hbm>>
          %dma_start3A_114 = tpu.memref_squeeze %dma_start3A_113 : memref<1x1x80xi32, #tpu.memory_space<hbm>> -> memref<80xi32, #tpu.memory_space<hbm>>
          tpu.enqueue_dma source(%dma_start3A_114 : memref<80xi32, #tpu.memory_space<hbm>>) target(%arg13 : memref<80xi32, #tpu.memory_space<vmem>>) target_semaphore(%arg20 : memref<!tpu.dma_semaphore, #tpu.memory_space<semaphore_mem>>)
        } else {
        }
      } else {
        %mul3A_72 = arith.constant 80 : i32
        %mul3A_73 = arith.muli %scan3A_59, %mul3A_72 : i32
        %add3A_74 = arith.addi %mul3A_2, %mul3A_73 : i32
        %dma_wait3A = arith.constant 0 : i32
        %dma_wait3A_75 = tpu.memref_slice %arg3[%add3A_74, %dma_wait3A] : memref<320000x128xf32, #tpu.memory_space<hbm>> -> memref<80x128xf32, #tpu.memory_space<hbm>>
        %dma_wait3A_76 = arith.constant 0 : i32
        %dma_wait3A_77 = tpu.memref_slice %arg3[%add3A_74, %dma_wait3A_76] : memref<320000x128xf32, #tpu.memory_space<hbm>> -> memref<80x128xf32, #tpu.memory_space<hbm>>
        tpu.wait_dma2 semaphore(%arg19 : memref<!tpu.dma_semaphore, #tpu.memory_space<semaphore_mem>>) src(%dma_wait3A_77 : memref<80x128xf32, #tpu.memory_space<hbm>>) dst(%arg10 : memref<80x128xf32, #tpu.memory_space<vmem>>)
        %dma_wait3A_78 = arith.constant 0 : i32
        %dma_wait3A_79 = arith.constant 0 : i32
        %dma_wait3A_80 = tpu.memref_slice %arg2[%dma_wait3A_78, %dma_wait3A_79] : memref<10000x128xf32, #tpu.memory_space<hbm>> -> memref<10000x128xf32, #tpu.memory_space<hbm>>
        tpu.wait_indirect_dma semaphore(%arg17 : memref<!tpu.dma_semaphore, #tpu.memory_space<semaphore_mem>>) src(%dma_wait3A_80 : memref<10000x128xf32, #tpu.memory_space<hbm>>) dst(%arg8 : memref<80x128xf32, #tpu.memory_space<vmem>>)
        %add3A_81 = arith.constant 1 : i32
        %add3A_82 = arith.addi %scan3A_59, %add3A_81 : i32
        %lt3A_83 = arith.constant 125 : i32
        %lt3A_84 = arith.cmpi slt, %add3A_82, %lt3A_83 : i32
        %convert_element_type3A_85 = arith.extui %lt3A_84 : i1 to i32
        %cond3A_86 = arith.constant 0 : i32
        %cond3A_87 = arith.cmpi ne, %convert_element_type3A_85, %cond3A_86 : i32
        scf.if %cond3A_87 {
          %add3A_101 = arith.constant 1 : i32
          %add3A_102 = arith.addi %scan3A_59, %add3A_101 : i32
          %dma_wait3A_103 = arith.constant 0 : i32
          %dma_wait3A_104 = tpu.memref_slice %arg4[%add3A, %add3A_102, %dma_wait3A_103] : memref<32x125x80xi32, #tpu.memory_space<hbm>> -> memref<1x1x80xi32, #tpu.memory_space<hbm>>
          %dma_wait3A_105 = tpu.memref_squeeze %dma_wait3A_104 : memref<1x1x80xi32, #tpu.memory_space<hbm>> -> memref<80xi32, #tpu.memory_space<hbm>>
          %dma_wait3A_106 = arith.constant 0 : i32
          %dma_wait3A_107 = tpu.memref_slice %arg4[%add3A, %add3A_102, %dma_wait3A_106] : memref<32x125x80xi32, #tpu.memory_space<hbm>> -> memref<1x1x80xi32, #tpu.memory_space<hbm>>
          %dma_wait3A_108 = tpu.memref_squeeze %dma_wait3A_107 : memref<1x1x80xi32, #tpu.memory_space<hbm>> -> memref<80xi32, #tpu.memory_space<hbm>>
          tpu.wait_dma2 semaphore(%arg20 : memref<!tpu.dma_semaphore, #tpu.memory_space<semaphore_mem>>) src(%dma_wait3A_108 : memref<80xi32, #tpu.memory_space<hbm>>) dst(%arg11 : memref<80xi32, #tpu.memory_space<vmem>>)
          %dma_wait3A_109 = arith.constant 0 : i32
          %dma_wait3A_110 = tpu.memref_slice %arg5[%add3A, %add3A_102, %dma_wait3A_109] : memref<32x125x80xi32, #tpu.memory_space<hbm>> -> memref<1x1x80xi32, #tpu.memory_space<hbm>>
          %dma_wait3A_111 = tpu.memref_squeeze %dma_wait3A_110 : memref<1x1x80xi32, #tpu.memory_space<hbm>> -> memref<80xi32, #tpu.memory_space<hbm>>
          %dma_wait3A_112 = arith.constant 0 : i32
          %dma_wait3A_113 = tpu.memref_slice %arg5[%add3A, %add3A_102, %dma_wait3A_112] : memref<32x125x80xi32, #tpu.memory_space<hbm>> -> memref<1x1x80xi32, #tpu.memory_space<hbm>>
          %dma_wait3A_114 = tpu.memref_squeeze %dma_wait3A_113 : memref<1x1x80xi32, #tpu.memory_space<hbm>> -> memref<80xi32, #tpu.memory_space<hbm>>
          tpu.wait_dma2 semaphore(%arg20 : memref<!tpu.dma_semaphore, #tpu.memory_space<semaphore_mem>>) src(%dma_wait3A_114 : memref<80xi32, #tpu.memory_space<hbm>>) dst(%arg13 : memref<80xi32, #tpu.memory_space<vmem>>)
          %add3A_115 = arith.constant 1 : i32
          %add3A_116 = arith.addi %scan3A_59, %add3A_115 : i32
          %mul3A_117 = arith.constant 80 : i32
          %mul3A_118 = arith.muli %add3A_116, %mul3A_117 : i32
          %add3A_119 = arith.addi %mul3A_2, %mul3A_118 : i32
          %dma_start3A_120 = arith.constant 0 : i32
          %dma_start3A_121 = tpu.memref_slice %arg3[%add3A_119, %dma_start3A_120] : memref<320000x128xf32, #tpu.memory_space<hbm>> -> memref<80x128xf32, #tpu.memory_space<hbm>>
          %dma_start3A_122 = arith.constant 0 : i32
          %dma_start3A_123 = tpu.memref_slice %arg3[%add3A_119, %dma_start3A_122] : memref<320000x128xf32, #tpu.memory_space<hbm>> -> memref<80x128xf32, #tpu.memory_space<hbm>>
          tpu.enqueue_dma source(%dma_start3A_123 : memref<80x128xf32, #tpu.memory_space<hbm>>) target(%arg9 : memref<80x128xf32, #tpu.memory_space<vmem>>) target_semaphore(%arg18 : memref<!tpu.dma_semaphore, #tpu.memory_space<semaphore_mem>>)
          %dma_start3A_124 = arith.constant 0 : i32
          %dma_start3A_125 = arith.constant 0 : i32
          %dma_start3A_126 = tpu.memref_slice %arg2[%dma_start3A_124, %dma_start3A_125] : memref<10000x128xf32, #tpu.memory_space<hbm>> -> memref<10000x128xf32, #tpu.memory_space<hbm>>
          tpu.enqueue_indirect_dma source(%dma_start3A_126 : memref<10000x128xf32, #tpu.memory_space<hbm>>) target(%arg7 : memref<80x128xf32, #tpu.memory_space<vmem>>) offsets(%arg11 : memref<80xi32, #tpu.memory_space<vmem>>) semaphore(%arg16 : memref<!tpu.dma_semaphore, #tpu.memory_space<semaphore_mem>>)
        } else {
        }
        %scan3A_88 = arith.constant 0 : i32
        %scan3A_89 = arith.constant 0 : i32
        %scan3A_90 = arith.constant 80 : i32
        %scan3A_91 = arith.addi %scan3A_89, %scan3A_90 : i32
        %scan3A_92 = arith.constant 1 : i32
        scf.for %scan3A_101 = %scan3A_89 to %scan3A_91 step %scan3A_92  : i32 {
          %get3A = arith.index_cast %scan3A_101 : i32 to index
          %get3A_102 = arith.constant 0 : index
          %get3A_103 = tpu.vector_load %arg8[%get3A, %get3A_102] {strides = array<i32>} : memref<80x128xf32, #tpu.memory_space<vmem>>, vector<1x16xf32>,
          %get3A_104 = vector.shape_cast %get3A_103 : vector<1x16xf32> to vector<16xf32>
          %get3A_105 = arith.index_cast %scan3A_101 : i32 to index
          %get3A_106 = arith.constant 0 : index
          %get3A_107 = tpu.vector_load %arg10[%get3A_105, %get3A_106] {strides = array<i32>} : memref<80x128xf32, #tpu.memory_space<vmem>>, vector<1x16xf32>,
          %get3A_108 = vector.shape_cast %get3A_107 : vector<1x16xf32> to vector<16xf32>
          %add3A_109 = arith.addf %get3A_104, %get3A_108 : vector<16xf32>
          %max3A = arith.constant 0.000000e+00 : f32
          %max3A_110 = vector.broadcast %max3A : f32 to vector<16xf32>
          %max3A_111 = arith.maximumf %add3A_109, %max3A_110 : vector<16xf32>
          %swap3A = arith.index_cast %scan3A_101 : i32 to index
          %swap3A_112 = arith.constant 0 : index
          %swap3A_113 = tpu.vector_load %arg8[%swap3A, %swap3A_112] {strides = array<i32>} : memref<80x128xf32, #tpu.memory_space<vmem>>, vector<1x16xf32>,
          %swap3A_114 = vector.shape_cast %swap3A_113 : vector<1x16xf32> to vector<16xf32>
          %swap3A_115 = vector.shape_cast %max3A_111 : vector<16xf32> to vector<1x16xf32>
          tpu.vector_store %arg8[%swap3A, %swap3A_112], %swap3A_115 {strides = array<i32>} : memref<80x128xf32, #tpu.memory_space<vmem>>, vector<1x16xf32>,
          %get3A_116 = arith.index_cast %scan3A_101 : i32 to index
          %get3A_117 = arith.constant 16 : index
          %get3A_118 = tpu.vector_load %arg8[%get3A_116, %get3A_117] {strides = array<i32>} : memref<80x128xf32, #tpu.memory_space<vmem>>, vector<1x16xf32>,
          %get3A_119 = vector.shape_cast %get3A_118 : vector<1x16xf32> to vector<16xf32>
          %get3A_120 = arith.index_cast %scan3A_101 : i32 to index
          %get3A_121 = arith.constant 16 : index
          %get3A_122 = tpu.vector_load %arg10[%get3A_120, %get3A_121] {strides = array<i32>} : memref<80x128xf32, #tpu.memory_space<vmem>>, vector<1x16xf32>,
          %get3A_123 = vector.shape_cast %get3A_122 : vector<1x16xf32> to vector<16xf32>
          %add3A_124 = arith.addf %get3A_119, %get3A_123 : vector<16xf32>
          %max3A_125 = arith.constant 0.000000e+00 : f32
          %max3A_126 = vector.broadcast %max3A_125 : f32 to vector<16xf32>
          %max3A_127 = arith.maximumf %add3A_124, %max3A_126 : vector<16xf32>
          %swap3A_128 = arith.index_cast %scan3A_101 : i32 to index
          %swap3A_129 = arith.constant 16 : index
          %swap3A_130 = tpu.vector_load %arg8[%swap3A_128, %swap3A_129] {strides = array<i32>} : memref<80x128xf32, #tpu.memory_space<vmem>>, vector<1x16xf32>,
          %swap3A_131 = vector.shape_cast %swap3A_130 : vector<1x16xf32> to vector<16xf32>
          %swap3A_132 = vector.shape_cast %max3A_127 : vector<16xf32> to vector<1x16xf32>
          tpu.vector_store %arg8[%swap3A_128, %swap3A_129], %swap3A_132 {strides = array<i32>} : memref<80x128xf32, #tpu.memory_space<vmem>>, vector<1x16xf32>,
          %get3A_133 = arith.index_cast %scan3A_101 : i32 to index
          %get3A_134 = arith.constant 32 : index
          %get3A_135 = tpu.vector_load %arg8[%get3A_133, %get3A_134] {strides = array<i32>} : memref<80x128xf32, #tpu.memory_space<vmem>>, vector<1x16xf32>,
          %get3A_136 = vector.shape_cast %get3A_135 : vector<1x16xf32> to vector<16xf32>
          %get3A_137 = arith.index_cast %scan3A_101 : i32 to index
          %get3A_138 = arith.constant 32 : index
          %get3A_139 = tpu.vector_load %arg10[%get3A_137, %get3A_138] {strides = array<i32>} : memref<80x128xf32, #tpu.memory_space<vmem>>, vector<1x16xf32>,
          %get3A_140 = vector.shape_cast %get3A_139 : vector<1x16xf32> to vector<16xf32>
          %add3A_141 = arith.addf %get3A_136, %get3A_140 : vector<16xf32>
          %max3A_142 = arith.constant 0.000000e+00 : f32
          %max3A_143 = vector.broadcast %max3A_142 : f32 to vector<16xf32>
          %max3A_144 = arith.maximumf %add3A_141, %max3A_143 : vector<16xf32>
          %swap3A_145 = arith.index_cast %scan3A_101 : i32 to index
          %swap3A_146 = arith.constant 32 : index
          %swap3A_147 = tpu.vector_load %arg8[%swap3A_145, %swap3A_146] {strides = array<i32>} : memref<80x128xf32, #tpu.memory_space<vmem>>, vector<1x16xf32>,
          %swap3A_148 = vector.shape_cast %swap3A_147 : vector<1x16xf32> to vector<16xf32>
          %swap3A_149 = vector.shape_cast %max3A_144 : vector<16xf32> to vector<1x16xf32>
          tpu.vector_store %arg8[%swap3A_145, %swap3A_146], %swap3A_149 {strides = array<i32>} : memref<80x128xf32, #tpu.memory_space<vmem>>, vector<1x16xf32>,
          %get3A_150 = arith.index_cast %scan3A_101 : i32 to index
          %get3A_151 = arith.constant 48 : index
          %get3A_152 = tpu.vector_load %arg8[%get3A_150, %get3A_151] {strides = array<i32>} : memref<80x128xf32, #tpu.memory_space<vmem>>, vector<1x16xf32>,
          %get3A_153 = vector.shape_cast %get3A_152 : vector<1x16xf32> to vector<16xf32>
          %get3A_154 = arith.index_cast %scan3A_101 : i32 to index
          %get3A_155 = arith.constant 48 : index
          %get3A_156 = tpu.vector_load %arg10[%get3A_154, %get3A_155] {strides = array<i32>} : memref<80x128xf32, #tpu.memory_space<vmem>>, vector<1x16xf32>,
          %get3A_157 = vector.shape_cast %get3A_156 : vector<1x16xf32> to vector<16xf32>
          %add3A_158 = arith.addf %get3A_153, %get3A_157 : vector<16xf32>
          %max3A_159 = arith.constant 0.000000e+00 : f32
          %max3A_160 = vector.broadcast %max3A_159 : f32 to vector<16xf32>
          %max3A_161 = arith.maximumf %add3A_158, %max3A_160 : vector<16xf32>
          %swap3A_162 = arith.index_cast %scan3A_101 : i32 to index
          %swap3A_163 = arith.constant 48 : index
          %swap3A_164 = tpu.vector_load %arg8[%swap3A_162, %swap3A_163] {strides = array<i32>} : memref<80x128xf32, #tpu.memory_space<vmem>>, vector<1x16xf32>,
          %swap3A_165 = vector.shape_cast %swap3A_164 : vector<1x16xf32> to vector<16xf32>
          %swap3A_166 = vector.shape_cast %max3A_161 : vector<16xf32> to vector<1x16xf32>
          tpu.vector_store %arg8[%swap3A_162, %swap3A_163], %swap3A_166 {strides = array<i32>} : memref<80x128xf32, #tpu.memory_space<vmem>>, vector<1x16xf32>,
          %get3A_167 = arith.index_cast %scan3A_101 : i32 to index
          %get3A_168 = arith.constant 64 : index
          %get3A_169 = tpu.vector_load %arg8[%get3A_167, %get3A_168] {strides = array<i32>} : memref<80x128xf32, #tpu.memory_space<vmem>>, vector<1x16xf32>,
          %get3A_170 = vector.shape_cast %get3A_169 : vector<1x16xf32> to vector<16xf32>
          %get3A_171 = arith.index_cast %scan3A_101 : i32 to index
          %get3A_172 = arith.constant 64 : index
          %get3A_173 = tpu.vector_load %arg10[%get3A_171, %get3A_172] {strides = array<i32>} : memref<80x128xf32, #tpu.memory_space<vmem>>, vector<1x16xf32>,
          %get3A_174 = vector.shape_cast %get3A_173 : vector<1x16xf32> to vector<16xf32>
          %add3A_175 = arith.addf %get3A_170, %get3A_174 : vector<16xf32>
          %max3A_176 = arith.constant 0.000000e+00 : f32
          %max3A_177 = vector.broadcast %max3A_176 : f32 to vector<16xf32>
          %max3A_178 = arith.maximumf %add3A_175, %max3A_177 : vector<16xf32>
          %swap3A_179 = arith.index_cast %scan3A_101 : i32 to index
          %swap3A_180 = arith.constant 64 : index
          %swap3A_181 = tpu.vector_load %arg8[%swap3A_179, %swap3A_180] {strides = array<i32>} : memref<80x128xf32, #tpu.memory_space<vmem>>, vector<1x16xf32>,
          %swap3A_182 = vector.shape_cast %swap3A_181 : vector<1x16xf32> to vector<16xf32>
          %swap3A_183 = vector.shape_cast %max3A_178 : vector<16xf32> to vector<1x16xf32>
          tpu.vector_store %arg8[%swap3A_179, %swap3A_180], %swap3A_183 {strides = array<i32>} : memref<80x128xf32, #tpu.memory_space<vmem>>, vector<1x16xf32>,
          %get3A_184 = arith.index_cast %scan3A_101 : i32 to index
          %get3A_185 = arith.constant 80 : index
          %get3A_186 = tpu.vector_load %arg8[%get3A_184, %get3A_185] {strides = array<i32>} : memref<80x128xf32, #tpu.memory_space<vmem>>, vector<1x16xf32>,
          %get3A_187 = vector.shape_cast %get3A_186 : vector<1x16xf32> to vector<16xf32>
          %get3A_188 = arith.index_cast %scan3A_101 : i32 to index
          %get3A_189 = arith.constant 80 : index
          %get3A_190 = tpu.vector_load %arg10[%get3A_188, %get3A_189] {strides = array<i32>} : memref<80x128xf32, #tpu.memory_space<vmem>>, vector<1x16xf32>,
          %get3A_191 = vector.shape_cast %get3A_190 : vector<1x16xf32> to vector<16xf32>
          %add3A_192 = arith.addf %get3A_187, %get3A_191 : vector<16xf32>
          %max3A_193 = arith.constant 0.000000e+00 : f32
          %max3A_194 = vector.broadcast %max3A_193 : f32 to vector<16xf32>
          %max3A_195 = arith.maximumf %add3A_192, %max3A_194 : vector<16xf32>
          %swap3A_196 = arith.index_cast %scan3A_101 : i32 to index
          %swap3A_197 = arith.constant 80 : index
          %swap3A_198 = tpu.vector_load %arg8[%swap3A_196, %swap3A_197] {strides = array<i32>} : memref<80x128xf32, #tpu.memory_space<vmem>>, vector<1x16xf32>,
          %swap3A_199 = vector.shape_cast %swap3A_198 : vector<1x16xf32> to vector<16xf32>
          %swap3A_200 = vector.shape_cast %max3A_195 : vector<16xf32> to vector<1x16xf32>
          tpu.vector_store %arg8[%swap3A_196, %swap3A_197], %swap3A_200 {strides = array<i32>} : memref<80x128xf32, #tpu.memory_space<vmem>>, vector<1x16xf32>,
          %get3A_201 = arith.index_cast %scan3A_101 : i32 to index
          %get3A_202 = arith.constant 96 : index
          %get3A_203 = tpu.vector_load %arg8[%get3A_201, %get3A_202] {strides = array<i32>} : memref<80x128xf32, #tpu.memory_space<vmem>>, vector<1x16xf32>,
          %get3A_204 = vector.shape_cast %get3A_203 : vector<1x16xf32> to vector<16xf32>
          %get3A_205 = arith.index_cast %scan3A_101 : i32 to index
          %get3A_206 = arith.constant 96 : index
          %get3A_207 = tpu.vector_load %arg10[%get3A_205, %get3A_206] {strides = array<i32>} : memref<80x128xf32, #tpu.memory_space<vmem>>, vector<1x16xf32>,
          %get3A_208 = vector.shape_cast %get3A_207 : vector<1x16xf32> to vector<16xf32>
          %add3A_209 = arith.addf %get3A_204, %get3A_208 : vector<16xf32>
          %max3A_210 = arith.constant 0.000000e+00 : f32
          %max3A_211 = vector.broadcast %max3A_210 : f32 to vector<16xf32>
          %max3A_212 = arith.maximumf %add3A_209, %max3A_211 : vector<16xf32>
          %swap3A_213 = arith.index_cast %scan3A_101 : i32 to index
          %swap3A_214 = arith.constant 96 : index
          %swap3A_215 = tpu.vector_load %arg8[%swap3A_213, %swap3A_214] {strides = array<i32>} : memref<80x128xf32, #tpu.memory_space<vmem>>, vector<1x16xf32>,
          %swap3A_216 = vector.shape_cast %swap3A_215 : vector<1x16xf32> to vector<16xf32>
          %swap3A_217 = vector.shape_cast %max3A_212 : vector<16xf32> to vector<1x16xf32>
          tpu.vector_store %arg8[%swap3A_213, %swap3A_214], %swap3A_217 {strides = array<i32>} : memref<80x128xf32, #tpu.memory_space<vmem>>, vector<1x16xf32>,
          %get3A_218 = arith.index_cast %scan3A_101 : i32 to index
          %get3A_219 = arith.constant 112 : index
          %get3A_220 = tpu.vector_load %arg8[%get3A_218, %get3A_219] {strides = array<i32>} : memref<80x128xf32, #tpu.memory_space<vmem>>, vector<1x16xf32>,
          %get3A_221 = vector.shape_cast %get3A_220 : vector<1x16xf32> to vector<16xf32>
          %get3A_222 = arith.index_cast %scan3A_101 : i32 to index
          %get3A_223 = arith.constant 112 : index
          %get3A_224 = tpu.vector_load %arg10[%get3A_222, %get3A_223] {strides = array<i32>} : memref<80x128xf32, #tpu.memory_space<vmem>>, vector<1x16xf32>,
          %get3A_225 = vector.shape_cast %get3A_224 : vector<1x16xf32> to vector<16xf32>
          %add3A_226 = arith.addf %get3A_221, %get3A_225 : vector<16xf32>
          %max3A_227 = arith.constant 0.000000e+00 : f32
          %max3A_228 = vector.broadcast %max3A_227 : f32 to vector<16xf32>
          %max3A_229 = arith.maximumf %add3A_226, %max3A_228 : vector<16xf32>
          %swap3A_230 = arith.index_cast %scan3A_101 : i32 to index
          %swap3A_231 = arith.constant 112 : index
          %swap3A_232 = tpu.vector_load %arg8[%swap3A_230, %swap3A_231] {strides = array<i32>} : memref<80x128xf32, #tpu.memory_space<vmem>>, vector<1x16xf32>,
          %swap3A_233 = vector.shape_cast %swap3A_232 : vector<1x16xf32> to vector<16xf32>
          %swap3A_234 = vector.shape_cast %max3A_229 : vector<16xf32> to vector<1x16xf32>
          tpu.vector_store %arg8[%swap3A_230, %swap3A_231], %swap3A_234 {strides = array<i32>} : memref<80x128xf32, #tpu.memory_space<vmem>>, vector<1x16xf32>,
        }
        %scan3A_93 = arith.constant 80 : i32
        "tpu.region"() ({
          %run_scoped3A_101 = tpu.sem_alloc : memref<!tpu.dma_semaphore, #tpu.memory_space<semaphore_mem>>
          %dma_start3A_102 = arith.constant 0 : i32
          %dma_start3A_103 = arith.constant 0 : i32
          %dma_start3A_104 = tpu.memref_slice %arg15[%dma_start3A_102, %dma_start3A_103] : memref<10240x128xf32, #tpu.memory_space<vmem_shared>> -> memref<10240x128xf32, #tpu.memory_space<vmem_shared>>
          tpu.enqueue_indirect_dma source(%arg8 : memref<80x128xf32, #tpu.memory_space<vmem>>) target(%dma_start3A_104 : memref<10240x128xf32, #tpu.memory_space<vmem_shared>>) offsets(%arg14 : memref<80xi32, #tpu.memory_space<vmem>>) semaphore(%run_scoped3A_101 : memref<!tpu.dma_semaphore, #tpu.memory_space<semaphore_mem>>) {add = true}
          %dma_wait3A_105 = arith.constant 0 : i32
          %dma_wait3A_106 = arith.constant 0 : i32
          %dma_wait3A_107 = tpu.memref_slice %arg15[%dma_wait3A_105, %dma_wait3A_106] : memref<10240x128xf32, #tpu.memory_space<vmem_shared>> -> memref<10240x128xf32, #tpu.memory_space<vmem_shared>>
          tpu.wait_indirect_dma semaphore(%run_scoped3A_101 : memref<!tpu.dma_semaphore, #tpu.memory_space<semaphore_mem>>) src(%arg8 : memref<80x128xf32, #tpu.memory_space<vmem>>) dst(%dma_wait3A_107 : memref<10240x128xf32, #tpu.memory_space<vmem_shared>>)
          tpu.yield
        }) : () -> ()
        %add3A_94 = arith.constant 2 : i32
        %add3A_95 = arith.addi %scan3A_59, %add3A_94 : i32
        %lt3A_96 = arith.constant 125 : i32
        %lt3A_97 = arith.cmpi slt, %add3A_95, %lt3A_96 : i32
        %convert_element_type3A_98 = arith.extui %lt3A_97 : i1 to i32
        %cond3A_99 = arith.constant 0 : i32
        %cond3A_100 = arith.cmpi ne, %convert_element_type3A_98, %cond3A_99 : i32
        scf.if %cond3A_100 {
          %add3A_101 = arith.constant 2 : i32
          %add3A_102 = arith.addi %scan3A_59, %add3A_101 : i32
          %dma_start3A_103 = arith.constant 0 : i32
          %dma_start3A_104 = tpu.memref_slice %arg4[%add3A, %add3A_102, %dma_start3A_103] : memref<32x125x80xi32, #tpu.memory_space<hbm>> -> memref<1x1x80xi32, #tpu.memory_space<hbm>>
          %dma_start3A_105 = tpu.memref_squeeze %dma_start3A_104 : memref<1x1x80xi32, #tpu.memory_space<hbm>> -> memref<80xi32, #tpu.memory_space<hbm>>
          %dma_start3A_106 = arith.constant 0 : i32
          %dma_start3A_107 = tpu.memref_slice %arg4[%add3A, %add3A_102, %dma_start3A_106] : memref<32x125x80xi32, #tpu.memory_space<hbm>> -> memref<1x1x80xi32, #tpu.memory_space<hbm>>
          %dma_start3A_108 = tpu.memref_squeeze %dma_start3A_107 : memref<1x1x80xi32, #tpu.memory_space<hbm>> -> memref<80xi32, #tpu.memory_space<hbm>>
          tpu.enqueue_dma source(%dma_start3A_108 : memref<80xi32, #tpu.memory_space<hbm>>) target(%arg12 : memref<80xi32, #tpu.memory_space<vmem>>) target_semaphore(%arg21 : memref<!tpu.dma_semaphore, #tpu.memory_space<semaphore_mem>>)
          %dma_start3A_109 = arith.constant 0 : i32
          %dma_start3A_110 = tpu.memref_slice %arg5[%add3A, %add3A_102, %dma_start3A_109] : memref<32x125x80xi32, #tpu.memory_space<hbm>> -> memref<1x1x80xi32, #tpu.memory_space<hbm>>
          %dma_start3A_111 = tpu.memref_squeeze %dma_start3A_110 : memref<1x1x80xi32, #tpu.memory_space<hbm>> -> memref<80xi32, #tpu.memory_space<hbm>>
          %dma_start3A_112 = arith.constant 0 : i32
          %dma_start3A_113 = tpu.memref_slice %arg5[%add3A, %add3A_102, %dma_start3A_112] : memref<32x125x80xi32, #tpu.memory_space<hbm>> -> memref<1x1x80xi32, #tpu.memory_space<hbm>>
          %dma_start3A_114 = tpu.memref_squeeze %dma_start3A_113 : memref<1x1x80xi32, #tpu.memory_space<hbm>> -> memref<80xi32, #tpu.memory_space<hbm>>
          tpu.enqueue_dma source(%dma_start3A_114 : memref<80xi32, #tpu.memory_space<hbm>>) target(%arg14 : memref<80xi32, #tpu.memory_space<vmem>>) target_semaphore(%arg21 : memref<!tpu.dma_semaphore, #tpu.memory_space<semaphore_mem>>)
        } else {
        }
      }
    }
    %scan3A_55 = arith.constant 125 : i32
    %barrier3A_56 = arith.constant 0 : index
    tpu.barrier barrier_id(%barrier3A_56)
    %mul3A_57 = arith.constant 640 : i32
    %mul3A_58 = arith.muli %arg1, %mul3A_57 : i32
    "tpu.region"() ({
      %run_scoped3A_59 = tpu.sem_alloc : memref<!tpu.dma_semaphore, #tpu.memory_space<semaphore_mem>>
      %dma_start3A_60 = arith.constant 0 : i32
      %dma_start3A_61 = tpu.memref_slice %arg6[%arg0, %mul3A_58, %dma_start3A_60] : memref<2x10240x128xf32, #tpu.memory_space<hbm>> -> memref<1x640x128xf32, #tpu.memory_space<hbm>>
      %dma_start3A_62 = tpu.memref_squeeze %dma_start3A_61 : memref<1x640x128xf32, #tpu.memory_space<hbm>> -> memref<640x128xf32, #tpu.memory_space<hbm>>
      %dma_start3A_63 = arith.constant 0 : i32
      %dma_start3A_64 = tpu.memref_slice %arg15[%mul3A_58, %dma_start3A_63] : memref<10240x128xf32, #tpu.memory_space<vmem_shared>> -> memref<640x128xf32, #tpu.memory_space<vmem_shared>>
      tpu.enqueue_dma source(%dma_start3A_64 : memref<640x128xf32, #tpu.memory_space<vmem_shared>>) target(%dma_start3A_62 : memref<640x128xf32, #tpu.memory_space<hbm>>) target_semaphore(%run_scoped3A_59 : memref<!tpu.dma_semaphore, #tpu.memory_space<semaphore_mem>>)
      %dma_wait3A = arith.constant 0 : i32
      %dma_wait3A_65 = tpu.memref_slice %arg6[%arg0, %mul3A_58, %dma_wait3A] : memref<2x10240x128xf32, #tpu.memory_space<hbm>> -> memref<1x640x128xf32, #tpu.memory_space<hbm>>
      %dma_wait3A_66 = tpu.memref_squeeze %dma_wait3A_65 : memref<1x640x128xf32, #tpu.memory_space<hbm>> -> memref<640x128xf32, #tpu.memory_space<hbm>>
      %dma_wait3A_67 = arith.constant 0 : i32
      %dma_wait3A_68 = tpu.memref_slice %arg15[%mul3A_58, %dma_wait3A_67] : memref<10240x128xf32, #tpu.memory_space<vmem_shared>> -> memref<640x128xf32, #tpu.memory_space<vmem_shared>>
      tpu.wait_dma2 semaphore(%run_scoped3A_59 : memref<!tpu.dma_semaphore, #tpu.memory_space<semaphore_mem>>) src(%dma_wait3A_68 : memref<640x128xf32, #tpu.memory_space<vmem_shared>>) dst(%dma_wait3A_66 : memref<640x128xf32, #tpu.memory_space<hbm>>)
      tpu.yield
    }) : () -> ()
    return
  }
}

#map = affine_map<(d0, d1) -> (0, 0)>
#map1 = affine_map<(d0, d1) -> (0, 0, 0)>
module attributes {stable_mosaic.version = 14 : i64} {
  func.func @_sc_scatter0_body(%arg0: i32, %arg1: i32, %arg2: memref<320000x128xf32, #tpu.memory_space<hbm>>, %arg3: memref<32x125x80xi32, #tpu.memory_space<hbm>>, %arg4: memref<2x10240x128xf32, #tpu.memory_space<hbm>>, %arg5: memref<80x128xf32, #tpu.memory_space<vmem>>, %arg6: memref<80x128xf32, #tpu.memory_space<vmem>>, %arg7: memref<80xi32, #tpu.memory_space<vmem>>, %arg8: memref<80xi32, #tpu.memory_space<vmem>>, %arg9: memref<10240x128xf32, #tpu.memory_space<vmem_shared>>, %arg10: memref<!tpu.dma_semaphore, #tpu.memory_space<semaphore_mem>>, %arg11: memref<!tpu.dma_semaphore, #tpu.memory_space<semaphore_mem>>, %arg12: memref<!tpu.dma_semaphore, #tpu.memory_space<semaphore_mem>>, %arg13: memref<!tpu.dma_semaphore, #tpu.memory_space<semaphore_mem>>) attributes {dimension_semantics = [#tpu.dimension_semantics<core_parallel>, #tpu.dimension_semantics<subcore_parallel>], iteration_bounds = array<i64: 2, 16>, scalar_prefetch = 0 : i64, scratch_operands = 9 : i64, tpu.core_type = #tpu.core_type<sc_vector_subcore>, window_params = [{transform_indices = #map}, {transform_indices = #map1}, {transform_indices = #map1}]} {
    %mul3A = arith.constant 16 : i32
    %mul3A_0 = arith.muli %arg0, %mul3A : i32
    %add3A = arith.addi %mul3A_0, %arg1 : i32
    %mul3A_1 = arith.constant 10000 : i32
    %mul3A_2 = arith.muli %add3A, %mul3A_1 : i32
    %broadcast_in_dim3A = arith.constant 0.000000e+00 : f32
    %broadcast_in_dim3A_3 = vector.broadcast %broadcast_in_dim3A : f32 to vector<16xf32>
    %scan3A = arith.constant 0 : i32
    %scan3A_4 = arith.constant 0 : i32
    %scan3A_5 = arith.constant 80 : i32
    %scan3A_6 = arith.addi %scan3A_4, %scan3A_5 : i32
    %scan3A_7 = arith.constant 1 : i32
    scf.for %scan3A_48 = %scan3A_4 to %scan3A_6 step %scan3A_7  : i32 {
      %swap3A = arith.index_cast %scan3A_48 : i32 to index
      %swap3A_49 = arith.constant 0 : index
      %swap3A_50 = tpu.vector_load %arg5[%swap3A, %swap3A_49] {strides = array<i32>} : memref<80x128xf32, #tpu.memory_space<vmem>>, vector<1x16xf32>,
      %swap3A_51 = vector.shape_cast %swap3A_50 : vector<1x16xf32> to vector<16xf32>
      %swap3A_52 = vector.shape_cast %broadcast_in_dim3A_3 : vector<16xf32> to vector<1x16xf32>
      tpu.vector_store %arg5[%swap3A, %swap3A_49], %swap3A_52 {strides = array<i32>} : memref<80x128xf32, #tpu.memory_space<vmem>>, vector<1x16xf32>,
      %swap3A_53 = arith.index_cast %scan3A_48 : i32 to index
      %swap3A_54 = arith.constant 16 : index
      %swap3A_55 = tpu.vector_load %arg5[%swap3A_53, %swap3A_54] {strides = array<i32>} : memref<80x128xf32, #tpu.memory_space<vmem>>, vector<1x16xf32>,
      %swap3A_56 = vector.shape_cast %swap3A_55 : vector<1x16xf32> to vector<16xf32>
      %swap3A_57 = vector.shape_cast %broadcast_in_dim3A_3 : vector<16xf32> to vector<1x16xf32>
      tpu.vector_store %arg5[%swap3A_53, %swap3A_54], %swap3A_57 {strides = array<i32>} : memref<80x128xf32, #tpu.memory_space<vmem>>, vector<1x16xf32>,
      %swap3A_58 = arith.index_cast %scan3A_48 : i32 to index
      %swap3A_59 = arith.constant 32 : index
      %swap3A_60 = tpu.vector_load %arg5[%swap3A_58, %swap3A_59] {strides = array<i32>} : memref<80x128xf32, #tpu.memory_space<vmem>>, vector<1x16xf32>,
      %swap3A_61 = vector.shape_cast %swap3A_60 : vector<1x16xf32> to vector<16xf32>
      %swap3A_62 = vector.shape_cast %broadcast_in_dim3A_3 : vector<16xf32> to vector<1x16xf32>
      tpu.vector_store %arg5[%swap3A_58, %swap3A_59], %swap3A_62 {strides = array<i32>} : memref<80x128xf32, #tpu.memory_space<vmem>>, vector<1x16xf32>,
      %swap3A_63 = arith.index_cast %scan3A_48 : i32 to index
      %swap3A_64 = arith.constant 48 : index
      %swap3A_65 = tpu.vector_load %arg5[%swap3A_63, %swap3A_64] {strides = array<i32>} : memref<80x128xf32, #tpu.memory_space<vmem>>, vector<1x16xf32>,
      %swap3A_66 = vector.shape_cast %swap3A_65 : vector<1x16xf32> to vector<16xf32>
      %swap3A_67 = vector.shape_cast %broadcast_in_dim3A_3 : vector<16xf32> to vector<1x16xf32>
      tpu.vector_store %arg5[%swap3A_63, %swap3A_64], %swap3A_67 {strides = array<i32>} : memref<80x128xf32, #tpu.memory_space<vmem>>, vector<1x16xf32>,
      %swap3A_68 = arith.index_cast %scan3A_48 : i32 to index
      %swap3A_69 = arith.constant 64 : index
      %swap3A_70 = tpu.vector_load %arg5[%swap3A_68, %swap3A_69] {strides = array<i32>} : memref<80x128xf32, #tpu.memory_space<vmem>>, vector<1x16xf32>,
      %swap3A_71 = vector.shape_cast %swap3A_70 : vector<1x16xf32> to vector<16xf32>
      %swap3A_72 = vector.shape_cast %broadcast_in_dim3A_3 : vector<16xf32> to vector<1x16xf32>
      tpu.vector_store %arg5[%swap3A_68, %swap3A_69], %swap3A_72 {strides = array<i32>} : memref<80x128xf32, #tpu.memory_space<vmem>>, vector<1x16xf32>,
      %swap3A_73 = arith.index_cast %scan3A_48 : i32 to index
      %swap3A_74 = arith.constant 80 : index
      %swap3A_75 = tpu.vector_load %arg5[%swap3A_73, %swap3A_74] {strides = array<i32>} : memref<80x128xf32, #tpu.memory_space<vmem>>, vector<1x16xf32>,
      %swap3A_76 = vector.shape_cast %swap3A_75 : vector<1x16xf32> to vector<16xf32>
      %swap3A_77 = vector.shape_cast %broadcast_in_dim3A_3 : vector<16xf32> to vector<1x16xf32>
      tpu.vector_store %arg5[%swap3A_73, %swap3A_74], %swap3A_77 {strides = array<i32>} : memref<80x128xf32, #tpu.memory_space<vmem>>, vector<1x16xf32>,
      %swap3A_78 = arith.index_cast %scan3A_48 : i32 to index
      %swap3A_79 = arith.constant 96 : index
      %swap3A_80 = tpu.vector_load %arg5[%swap3A_78, %swap3A_79] {strides = array<i32>} : memref<80x128xf32, #tpu.memory_space<vmem>>, vector<1x16xf32>,
      %swap3A_81 = vector.shape_cast %swap3A_80 : vector<1x16xf32> to vector<16xf32>
      %swap3A_82 = vector.shape_cast %broadcast_in_dim3A_3 : vector<16xf32> to vector<1x16xf32>
      tpu.vector_store %arg5[%swap3A_78, %swap3A_79], %swap3A_82 {strides = array<i32>} : memref<80x128xf32, #tpu.memory_space<vmem>>, vector<1x16xf32>,
      %swap3A_83 = arith.index_cast %scan3A_48 : i32 to index
      %swap3A_84 = arith.constant 112 : index
      %swap3A_85 = tpu.vector_load %arg5[%swap3A_83, %swap3A_84] {strides = array<i32>} : memref<80x128xf32, #tpu.memory_space<vmem>>, vector<1x16xf32>,
      %swap3A_86 = vector.shape_cast %swap3A_85 : vector<1x16xf32> to vector<16xf32>
      %swap3A_87 = vector.shape_cast %broadcast_in_dim3A_3 : vector<16xf32> to vector<1x16xf32>
      tpu.vector_store %arg5[%swap3A_83, %swap3A_84], %swap3A_87 {strides = array<i32>} : memref<80x128xf32, #tpu.memory_space<vmem>>, vector<1x16xf32>,
    }
    %scan3A_8 = arith.constant 80 : i32
    %mul3A_9 = arith.constant 640 : i32
    %mul3A_10 = arith.muli %arg1, %mul3A_9 : i32
    %add3A_11 = arith.constant 0 : i32
    %add3A_12 = arith.addi %mul3A_10, %add3A_11 : i32
    "tpu.region"() ({
      %run_scoped3A_48 = tpu.sem_alloc : memref<!tpu.dma_semaphore, #tpu.memory_space<semaphore_mem>>
      %dma_start3A_49 = arith.constant 0 : i32
      %dma_start3A_50 = tpu.memref_slice %arg9[%add3A_12, %dma_start3A_49] : memref<10240x128xf32, #tpu.memory_space<vmem_shared>> -> memref<80x128xf32, #tpu.memory_space<vmem_shared>>
      %dma_start3A_51 = arith.constant 0 : i32
      %dma_start3A_52 = tpu.memref_slice %arg9[%add3A_12, %dma_start3A_51] : memref<10240x128xf32, #tpu.memory_space<vmem_shared>> -> memref<80x128xf32, #tpu.memory_space<vmem_shared>>
      tpu.enqueue_dma source(%arg5 : memref<80x128xf32, #tpu.memory_space<vmem>>) target(%dma_start3A_52 : memref<80x128xf32, #tpu.memory_space<vmem_shared>>) target_semaphore(%run_scoped3A_48 : memref<!tpu.dma_semaphore, #tpu.memory_space<semaphore_mem>>)
      %dma_wait3A = arith.constant 0 : i32
      %dma_wait3A_53 = tpu.memref_slice %arg9[%add3A_12, %dma_wait3A] : memref<10240x128xf32, #tpu.memory_space<vmem_shared>> -> memref<80x128xf32, #tpu.memory_space<vmem_shared>>
      %dma_wait3A_54 = arith.constant 0 : i32
      %dma_wait3A_55 = tpu.memref_slice %arg9[%add3A_12, %dma_wait3A_54] : memref<10240x128xf32, #tpu.memory_space<vmem_shared>> -> memref<80x128xf32, #tpu.memory_space<vmem_shared>>
      tpu.wait_dma2 semaphore(%run_scoped3A_48 : memref<!tpu.dma_semaphore, #tpu.memory_space<semaphore_mem>>) src(%arg5 : memref<80x128xf32, #tpu.memory_space<vmem>>) dst(%dma_wait3A_55 : memref<80x128xf32, #tpu.memory_space<vmem_shared>>)
      tpu.yield
    }) : () -> ()
    %add3A_13 = arith.constant 80 : i32
    %add3A_14 = arith.addi %mul3A_10, %add3A_13 : i32
    "tpu.region"() ({
      %run_scoped3A_48 = tpu.sem_alloc : memref<!tpu.dma_semaphore, #tpu.memory_space<semaphore_mem>>
      %dma_start3A_49 = arith.constant 0 : i32
      %dma_start3A_50 = tpu.memref_slice %arg9[%add3A_14, %dma_start3A_49] : memref<10240x128xf32, #tpu.memory_space<vmem_shared>> -> memref<80x128xf32, #tpu.memory_space<vmem_shared>>
      %dma_start3A_51 = arith.constant 0 : i32
      %dma_start3A_52 = tpu.memref_slice %arg9[%add3A_14, %dma_start3A_51] : memref<10240x128xf32, #tpu.memory_space<vmem_shared>> -> memref<80x128xf32, #tpu.memory_space<vmem_shared>>
      tpu.enqueue_dma source(%arg5 : memref<80x128xf32, #tpu.memory_space<vmem>>) target(%dma_start3A_52 : memref<80x128xf32, #tpu.memory_space<vmem_shared>>) target_semaphore(%run_scoped3A_48 : memref<!tpu.dma_semaphore, #tpu.memory_space<semaphore_mem>>)
      %dma_wait3A = arith.constant 0 : i32
      %dma_wait3A_53 = tpu.memref_slice %arg9[%add3A_14, %dma_wait3A] : memref<10240x128xf32, #tpu.memory_space<vmem_shared>> -> memref<80x128xf32, #tpu.memory_space<vmem_shared>>
      %dma_wait3A_54 = arith.constant 0 : i32
      %dma_wait3A_55 = tpu.memref_slice %arg9[%add3A_14, %dma_wait3A_54] : memref<10240x128xf32, #tpu.memory_space<vmem_shared>> -> memref<80x128xf32, #tpu.memory_space<vmem_shared>>
      tpu.wait_dma2 semaphore(%run_scoped3A_48 : memref<!tpu.dma_semaphore, #tpu.memory_space<semaphore_mem>>) src(%arg5 : memref<80x128xf32, #tpu.memory_space<vmem>>) dst(%dma_wait3A_55 : memref<80x128xf32, #tpu.memory_space<vmem_shared>>)
      tpu.yield
    }) : () -> ()
    %add3A_15 = arith.constant 160 : i32
    %add3A_16 = arith.addi %mul3A_10, %add3A_15 : i32
    "tpu.region"() ({
      %run_scoped3A_48 = tpu.sem_alloc : memref<!tpu.dma_semaphore, #tpu.memory_space<semaphore_mem>>
      %dma_start3A_49 = arith.constant 0 : i32
      %dma_start3A_50 = tpu.memref_slice %arg9[%add3A_16, %dma_start3A_49] : memref<10240x128xf32, #tpu.memory_space<vmem_shared>> -> memref<80x128xf32, #tpu.memory_space<vmem_shared>>
      %dma_start3A_51 = arith.constant 0 : i32
      %dma_start3A_52 = tpu.memref_slice %arg9[%add3A_16, %dma_start3A_51] : memref<10240x128xf32, #tpu.memory_space<vmem_shared>> -> memref<80x128xf32, #tpu.memory_space<vmem_shared>>
      tpu.enqueue_dma source(%arg5 : memref<80x128xf32, #tpu.memory_space<vmem>>) target(%dma_start3A_52 : memref<80x128xf32, #tpu.memory_space<vmem_shared>>) target_semaphore(%run_scoped3A_48 : memref<!tpu.dma_semaphore, #tpu.memory_space<semaphore_mem>>)
      %dma_wait3A = arith.constant 0 : i32
      %dma_wait3A_53 = tpu.memref_slice %arg9[%add3A_16, %dma_wait3A] : memref<10240x128xf32, #tpu.memory_space<vmem_shared>> -> memref<80x128xf32, #tpu.memory_space<vmem_shared>>
      %dma_wait3A_54 = arith.constant 0 : i32
      %dma_wait3A_55 = tpu.memref_slice %arg9[%add3A_16, %dma_wait3A_54] : memref<10240x128xf32, #tpu.memory_space<vmem_shared>> -> memref<80x128xf32, #tpu.memory_space<vmem_shared>>
      tpu.wait_dma2 semaphore(%run_scoped3A_48 : memref<!tpu.dma_semaphore, #tpu.memory_space<semaphore_mem>>) src(%arg5 : memref<80x128xf32, #tpu.memory_space<vmem>>) dst(%dma_wait3A_55 : memref<80x128xf32, #tpu.memory_space<vmem_shared>>)
      tpu.yield
    }) : () -> ()
    %add3A_17 = arith.constant 240 : i32
    %add3A_18 = arith.addi %mul3A_10, %add3A_17 : i32
    "tpu.region"() ({
      %run_scoped3A_48 = tpu.sem_alloc : memref<!tpu.dma_semaphore, #tpu.memory_space<semaphore_mem>>
      %dma_start3A_49 = arith.constant 0 : i32
      %dma_start3A_50 = tpu.memref_slice %arg9[%add3A_18, %dma_start3A_49] : memref<10240x128xf32, #tpu.memory_space<vmem_shared>> -> memref<80x128xf32, #tpu.memory_space<vmem_shared>>
      %dma_start3A_51 = arith.constant 0 : i32
      %dma_start3A_52 = tpu.memref_slice %arg9[%add3A_18, %dma_start3A_51] : memref<10240x128xf32, #tpu.memory_space<vmem_shared>> -> memref<80x128xf32, #tpu.memory_space<vmem_shared>>
      tpu.enqueue_dma source(%arg5 : memref<80x128xf32, #tpu.memory_space<vmem>>) target(%dma_start3A_52 : memref<80x128xf32, #tpu.memory_space<vmem_shared>>) target_semaphore(%run_scoped3A_48 : memref<!tpu.dma_semaphore, #tpu.memory_space<semaphore_mem>>)
      %dma_wait3A = arith.constant 0 : i32
      %dma_wait3A_53 = tpu.memref_slice %arg9[%add3A_18, %dma_wait3A] : memref<10240x128xf32, #tpu.memory_space<vmem_shared>> -> memref<80x128xf32, #tpu.memory_space<vmem_shared>>
      %dma_wait3A_54 = arith.constant 0 : i32
      %dma_wait3A_55 = tpu.memref_slice %arg9[%add3A_18, %dma_wait3A_54] : memref<10240x128xf32, #tpu.memory_space<vmem_shared>> -> memref<80x128xf32, #tpu.memory_space<vmem_shared>>
      tpu.wait_dma2 semaphore(%run_scoped3A_48 : memref<!tpu.dma_semaphore, #tpu.memory_space<semaphore_mem>>) src(%arg5 : memref<80x128xf32, #tpu.memory_space<vmem>>) dst(%dma_wait3A_55 : memref<80x128xf32, #tpu.memory_space<vmem_shared>>)
      tpu.yield
    }) : () -> ()
    %add3A_19 = arith.constant 320 : i32
    %add3A_20 = arith.addi %mul3A_10, %add3A_19 : i32
    "tpu.region"() ({
      %run_scoped3A_48 = tpu.sem_alloc : memref<!tpu.dma_semaphore, #tpu.memory_space<semaphore_mem>>
      %dma_start3A_49 = arith.constant 0 : i32
      %dma_start3A_50 = tpu.memref_slice %arg9[%add3A_20, %dma_start3A_49] : memref<10240x128xf32, #tpu.memory_space<vmem_shared>> -> memref<80x128xf32, #tpu.memory_space<vmem_shared>>
      %dma_start3A_51 = arith.constant 0 : i32
      %dma_start3A_52 = tpu.memref_slice %arg9[%add3A_20, %dma_start3A_51] : memref<10240x128xf32, #tpu.memory_space<vmem_shared>> -> memref<80x128xf32, #tpu.memory_space<vmem_shared>>
      tpu.enqueue_dma source(%arg5 : memref<80x128xf32, #tpu.memory_space<vmem>>) target(%dma_start3A_52 : memref<80x128xf32, #tpu.memory_space<vmem_shared>>) target_semaphore(%run_scoped3A_48 : memref<!tpu.dma_semaphore, #tpu.memory_space<semaphore_mem>>)
      %dma_wait3A = arith.constant 0 : i32
      %dma_wait3A_53 = tpu.memref_slice %arg9[%add3A_20, %dma_wait3A] : memref<10240x128xf32, #tpu.memory_space<vmem_shared>> -> memref<80x128xf32, #tpu.memory_space<vmem_shared>>
      %dma_wait3A_54 = arith.constant 0 : i32
      %dma_wait3A_55 = tpu.memref_slice %arg9[%add3A_20, %dma_wait3A_54] : memref<10240x128xf32, #tpu.memory_space<vmem_shared>> -> memref<80x128xf32, #tpu.memory_space<vmem_shared>>
      tpu.wait_dma2 semaphore(%run_scoped3A_48 : memref<!tpu.dma_semaphore, #tpu.memory_space<semaphore_mem>>) src(%arg5 : memref<80x128xf32, #tpu.memory_space<vmem>>) dst(%dma_wait3A_55 : memref<80x128xf32, #tpu.memory_space<vmem_shared>>)
      tpu.yield
    }) : () -> ()
    %add3A_21 = arith.constant 400 : i32
    %add3A_22 = arith.addi %mul3A_10, %add3A_21 : i32
    "tpu.region"() ({
      %run_scoped3A_48 = tpu.sem_alloc : memref<!tpu.dma_semaphore, #tpu.memory_space<semaphore_mem>>
      %dma_start3A_49 = arith.constant 0 : i32
      %dma_start3A_50 = tpu.memref_slice %arg9[%add3A_22, %dma_start3A_49] : memref<10240x128xf32, #tpu.memory_space<vmem_shared>> -> memref<80x128xf32, #tpu.memory_space<vmem_shared>>
      %dma_start3A_51 = arith.constant 0 : i32
      %dma_start3A_52 = tpu.memref_slice %arg9[%add3A_22, %dma_start3A_51] : memref<10240x128xf32, #tpu.memory_space<vmem_shared>> -> memref<80x128xf32, #tpu.memory_space<vmem_shared>>
      tpu.enqueue_dma source(%arg5 : memref<80x128xf32, #tpu.memory_space<vmem>>) target(%dma_start3A_52 : memref<80x128xf32, #tpu.memory_space<vmem_shared>>) target_semaphore(%run_scoped3A_48 : memref<!tpu.dma_semaphore, #tpu.memory_space<semaphore_mem>>)
      %dma_wait3A = arith.constant 0 : i32
      %dma_wait3A_53 = tpu.memref_slice %arg9[%add3A_22, %dma_wait3A] : memref<10240x128xf32, #tpu.memory_space<vmem_shared>> -> memref<80x128xf32, #tpu.memory_space<vmem_shared>>
      %dma_wait3A_54 = arith.constant 0 : i32
      %dma_wait3A_55 = tpu.memref_slice %arg9[%add3A_22, %dma_wait3A_54] : memref<10240x128xf32, #tpu.memory_space<vmem_shared>> -> memref<80x128xf32, #tpu.memory_space<vmem_shared>>
      tpu.wait_dma2 semaphore(%run_scoped3A_48 : memref<!tpu.dma_semaphore, #tpu.memory_space<semaphore_mem>>) src(%arg5 : memref<80x128xf32, #tpu.memory_space<vmem>>) dst(%dma_wait3A_55 : memref<80x128xf32, #tpu.memory_space<vmem_shared>>)
      tpu.yield
    }) : () -> ()
    %add3A_23 = arith.constant 480 : i32
    %add3A_24 = arith.addi %mul3A_10, %add3A_23 : i32
    "tpu.region"() ({
      %run_scoped3A_48 = tpu.sem_alloc : memref<!tpu.dma_semaphore, #tpu.memory_space<semaphore_mem>>
      %dma_start3A_49 = arith.constant 0 : i32
      %dma_start3A_50 = tpu.memref_slice %arg9[%add3A_24, %dma_start3A_49] : memref<10240x128xf32, #tpu.memory_space<vmem_shared>> -> memref<80x128xf32, #tpu.memory_space<vmem_shared>>
      %dma_start3A_51 = arith.constant 0 : i32
      %dma_start3A_52 = tpu.memref_slice %arg9[%add3A_24, %dma_start3A_51] : memref<10240x128xf32, #tpu.memory_space<vmem_shared>> -> memref<80x128xf32, #tpu.memory_space<vmem_shared>>
      tpu.enqueue_dma source(%arg5 : memref<80x128xf32, #tpu.memory_space<vmem>>) target(%dma_start3A_52 : memref<80x128xf32, #tpu.memory_space<vmem_shared>>) target_semaphore(%run_scoped3A_48 : memref<!tpu.dma_semaphore, #tpu.memory_space<semaphore_mem>>)
      %dma_wait3A = arith.constant 0 : i32
      %dma_wait3A_53 = tpu.memref_slice %arg9[%add3A_24, %dma_wait3A] : memref<10240x128xf32, #tpu.memory_space<vmem_shared>> -> memref<80x128xf32, #tpu.memory_space<vmem_shared>>
      %dma_wait3A_54 = arith.constant 0 : i32
      %dma_wait3A_55 = tpu.memref_slice %arg9[%add3A_24, %dma_wait3A_54] : memref<10240x128xf32, #tpu.memory_space<vmem_shared>> -> memref<80x128xf32, #tpu.memory_space<vmem_shared>>
      tpu.wait_dma2 semaphore(%run_scoped3A_48 : memref<!tpu.dma_semaphore, #tpu.memory_space<semaphore_mem>>) src(%arg5 : memref<80x128xf32, #tpu.memory_space<vmem>>) dst(%dma_wait3A_55 : memref<80x128xf32, #tpu.memory_space<vmem_shared>>)
      tpu.yield
    }) : () -> ()
    %add3A_25 = arith.constant 560 : i32
    %add3A_26 = arith.addi %mul3A_10, %add3A_25 : i32
    "tpu.region"() ({
      %run_scoped3A_48 = tpu.sem_alloc : memref<!tpu.dma_semaphore, #tpu.memory_space<semaphore_mem>>
      %dma_start3A_49 = arith.constant 0 : i32
      %dma_start3A_50 = tpu.memref_slice %arg9[%add3A_26, %dma_start3A_49] : memref<10240x128xf32, #tpu.memory_space<vmem_shared>> -> memref<80x128xf32, #tpu.memory_space<vmem_shared>>
      %dma_start3A_51 = arith.constant 0 : i32
      %dma_start3A_52 = tpu.memref_slice %arg9[%add3A_26, %dma_start3A_51] : memref<10240x128xf32, #tpu.memory_space<vmem_shared>> -> memref<80x128xf32, #tpu.memory_space<vmem_shared>>
      tpu.enqueue_dma source(%arg5 : memref<80x128xf32, #tpu.memory_space<vmem>>) target(%dma_start3A_52 : memref<80x128xf32, #tpu.memory_space<vmem_shared>>) target_semaphore(%run_scoped3A_48 : memref<!tpu.dma_semaphore, #tpu.memory_space<semaphore_mem>>)
      %dma_wait3A = arith.constant 0 : i32
      %dma_wait3A_53 = tpu.memref_slice %arg9[%add3A_26, %dma_wait3A] : memref<10240x128xf32, #tpu.memory_space<vmem_shared>> -> memref<80x128xf32, #tpu.memory_space<vmem_shared>>
      %dma_wait3A_54 = arith.constant 0 : i32
      %dma_wait3A_55 = tpu.memref_slice %arg9[%add3A_26, %dma_wait3A_54] : memref<10240x128xf32, #tpu.memory_space<vmem_shared>> -> memref<80x128xf32, #tpu.memory_space<vmem_shared>>
      tpu.wait_dma2 semaphore(%run_scoped3A_48 : memref<!tpu.dma_semaphore, #tpu.memory_space<semaphore_mem>>) src(%arg5 : memref<80x128xf32, #tpu.memory_space<vmem>>) dst(%dma_wait3A_55 : memref<80x128xf32, #tpu.memory_space<vmem_shared>>)
      tpu.yield
    }) : () -> ()
    %barrier3A = arith.constant 0 : index
    tpu.barrier barrier_id(%barrier3A)
    %run_scoped3A = arith.constant 0 : i32
    "tpu.region"() ({
      %run_scoped3A_48 = tpu.sem_alloc : memref<!tpu.dma_semaphore, #tpu.memory_space<semaphore_mem>>
      %dma_start3A_49 = arith.constant 0 : i32
      %dma_start3A_50 = tpu.memref_slice %arg3[%add3A, %run_scoped3A, %dma_start3A_49] : memref<32x125x80xi32, #tpu.memory_space<hbm>> -> memref<1x1x80xi32, #tpu.memory_space<hbm>>
      %dma_start3A_51 = tpu.memref_squeeze %dma_start3A_50 : memref<1x1x80xi32, #tpu.memory_space<hbm>> -> memref<80xi32, #tpu.memory_space<hbm>>
      %dma_start3A_52 = arith.constant 0 : i32
      %dma_start3A_53 = tpu.memref_slice %arg3[%add3A, %run_scoped3A, %dma_start3A_52] : memref<32x125x80xi32, #tpu.memory_space<hbm>> -> memref<1x1x80xi32, #tpu.memory_space<hbm>>
      %dma_start3A_54 = tpu.memref_squeeze %dma_start3A_53 : memref<1x1x80xi32, #tpu.memory_space<hbm>> -> memref<80xi32, #tpu.memory_space<hbm>>
      tpu.enqueue_dma source(%dma_start3A_54 : memref<80xi32, #tpu.memory_space<hbm>>) target(%arg7 : memref<80xi32, #tpu.memory_space<vmem>>) target_semaphore(%run_scoped3A_48 : memref<!tpu.dma_semaphore, #tpu.memory_space<semaphore_mem>>)
      %dma_wait3A = arith.constant 0 : i32
      %dma_wait3A_55 = tpu.memref_slice %arg3[%add3A, %run_scoped3A, %dma_wait3A] : memref<32x125x80xi32, #tpu.memory_space<hbm>> -> memref<1x1x80xi32, #tpu.memory_space<hbm>>
      %dma_wait3A_56 = tpu.memref_squeeze %dma_wait3A_55 : memref<1x1x80xi32, #tpu.memory_space<hbm>> -> memref<80xi32, #tpu.memory_space<hbm>>
      %dma_wait3A_57 = arith.constant 0 : i32
      %dma_wait3A_58 = tpu.memref_slice %arg3[%add3A, %run_scoped3A, %dma_wait3A_57] : memref<32x125x80xi32, #tpu.memory_space<hbm>> -> memref<1x1x80xi32, #tpu.memory_space<hbm>>
      %dma_wait3A_59 = tpu.memref_squeeze %dma_wait3A_58 : memref<1x1x80xi32, #tpu.memory_space<hbm>> -> memref<80xi32, #tpu.memory_space<hbm>>
      tpu.wait_dma2 semaphore(%run_scoped3A_48 : memref<!tpu.dma_semaphore, #tpu.memory_space<semaphore_mem>>) src(%dma_wait3A_59 : memref<80xi32, #tpu.memory_space<hbm>>) dst(%arg7 : memref<80xi32, #tpu.memory_space<vmem>>)
      tpu.yield
    }) : () -> ()
    %add3A_27 = arith.constant 0 : i32
    %add3A_28 = arith.addi %mul3A_2, %add3A_27 : i32
    %dma_start3A = arith.constant 0 : i32
    %dma_start3A_29 = tpu.memref_slice %arg2[%add3A_28, %dma_start3A] : memref<320000x128xf32, #tpu.memory_space<hbm>> -> memref<80x128xf32, #tpu.memory_space<hbm>>
    %dma_start3A_30 = arith.constant 0 : i32
    %dma_start3A_31 = tpu.memref_slice %arg2[%add3A_28, %dma_start3A_30] : memref<320000x128xf32, #tpu.memory_space<hbm>> -> memref<80x128xf32, #tpu.memory_space<hbm>>
    tpu.enqueue_dma source(%dma_start3A_31 : memref<80x128xf32, #tpu.memory_space<hbm>>) target(%arg5 : memref<80x128xf32, #tpu.memory_space<vmem>>) target_semaphore(%arg10 : memref<!tpu.dma_semaphore, #tpu.memory_space<semaphore_mem>>)
    %dma_start3A_32 = arith.constant 1 : i32
    %dma_start3A_33 = arith.constant 0 : i32
    %dma_start3A_34 = tpu.memref_slice %arg3[%add3A, %dma_start3A_32, %dma_start3A_33] : memref<32x125x80xi32, #tpu.memory_space<hbm>> -> memref<1x1x80xi32, #tpu.memory_space<hbm>>
    %dma_start3A_35 = tpu.memref_squeeze %dma_start3A_34 : memref<1x1x80xi32, #tpu.memory_space<hbm>> -> memref<80xi32, #tpu.memory_space<hbm>>
    %dma_start3A_36 = arith.constant 0 : i32
    %dma_start3A_37 = tpu.memref_slice %arg3[%add3A, %dma_start3A_32, %dma_start3A_36] : memref<32x125x80xi32, #tpu.memory_space<hbm>> -> memref<1x1x80xi32, #tpu.memory_space<hbm>>
    %dma_start3A_38 = tpu.memref_squeeze %dma_start3A_37 : memref<1x1x80xi32, #tpu.memory_space<hbm>> -> memref<80xi32, #tpu.memory_space<hbm>>
    tpu.enqueue_dma source(%dma_start3A_38 : memref<80xi32, #tpu.memory_space<hbm>>) target(%arg8 : memref<80xi32, #tpu.memory_space<vmem>>) target_semaphore(%arg13 : memref<!tpu.dma_semaphore, #tpu.memory_space<semaphore_mem>>)
    %scan3A_39 = arith.constant 0 : i32
    %scan3A_40 = arith.constant 0 : i32
    %scan3A_41 = arith.constant 125 : i32
    %scan3A_42 = arith.addi %scan3A_40, %scan3A_41 : i32
    %scan3A_43 = arith.constant 1 : i32
    scf.for %scan3A_48 = %scan3A_40 to %scan3A_42 step %scan3A_43  : i32 {
      %jit3A = arith.constant 2 : i32
      %eq3A = arith.constant 0 : i32
      %eq3A_49 = arith.cmpi eq, %jit3A, %eq3A : i32
      %jit3A_50 = arith.constant 1 : i32
      %select_n3A = arith.select %eq3A_49, %jit3A_50, %jit3A : i32
      %rem3A = arith.remsi %scan3A_48, %select_n3A : i32
      %ne3A = arith.constant 0 : i32
      %ne3A_51 = arith.cmpi ne, %rem3A, %ne3A : i32
      %lt3A = arith.constant 0 : i32
      %lt3A_52 = arith.cmpi slt, %rem3A, %lt3A : i32
      %lt3A_53 = arith.constant 0 : i32
      %lt3A_54 = arith.cmpi slt, %select_n3A, %lt3A_53 : i32
      %ne3A_55 = arith.xori %lt3A_52, %lt3A_54 : i1
      %and3A = arith.andi %ne3A_55, %ne3A_51 : i1
      %add3A_56 = arith.addi %rem3A, %select_n3A : i32
      %select_n3A_57 = arith.select %and3A, %add3A_56, %rem3A : i32
      %eq3A_58 = arith.constant 0 : i32
      %eq3A_59 = arith.cmpi eq, %select_n3A_57, %eq3A_58 : i32
      %convert_element_type3A = arith.extui %eq3A_59 : i1 to i32
      %cond3A = arith.constant 0 : i32
      %cond3A_60 = arith.cmpi ne, %convert_element_type3A, %cond3A : i32
      scf.if %cond3A_60 {
        %mul3A_61 = arith.constant 80 : i32
        %mul3A_62 = arith.muli %scan3A_48, %mul3A_61 : i32
        %add3A_63 = arith.addi %mul3A_2, %mul3A_62 : i32
        %dma_wait3A = arith.constant 0 : i32
        %dma_wait3A_64 = tpu.memref_slice %arg2[%add3A_63, %dma_wait3A] : memref<320000x128xf32, #tpu.memory_space<hbm>> -> memref<80x128xf32, #tpu.memory_space<hbm>>
        %dma_wait3A_65 = arith.constant 0 : i32
        %dma_wait3A_66 = tpu.memref_slice %arg2[%add3A_63, %dma_wait3A_65] : memref<320000x128xf32, #tpu.memory_space<hbm>> -> memref<80x128xf32, #tpu.memory_space<hbm>>
        tpu.wait_dma2 semaphore(%arg10 : memref<!tpu.dma_semaphore, #tpu.memory_space<semaphore_mem>>) src(%dma_wait3A_66 : memref<80x128xf32, #tpu.memory_space<hbm>>) dst(%arg5 : memref<80x128xf32, #tpu.memory_space<vmem>>)
        %add3A_67 = arith.constant 1 : i32
        %add3A_68 = arith.addi %scan3A_48, %add3A_67 : i32
        %lt3A_69 = arith.constant 125 : i32
        %lt3A_70 = arith.cmpi slt, %add3A_68, %lt3A_69 : i32
        %convert_element_type3A_71 = arith.extui %lt3A_70 : i1 to i32
        %cond3A_72 = arith.constant 0 : i32
        %cond3A_73 = arith.cmpi ne, %convert_element_type3A_71, %cond3A_72 : i32
        scf.if %cond3A_73 {
          %add3A_81 = arith.constant 1 : i32
          %add3A_82 = arith.addi %scan3A_48, %add3A_81 : i32
          %dma_wait3A_83 = arith.constant 0 : i32
          %dma_wait3A_84 = tpu.memref_slice %arg3[%add3A, %add3A_82, %dma_wait3A_83] : memref<32x125x80xi32, #tpu.memory_space<hbm>> -> memref<1x1x80xi32, #tpu.memory_space<hbm>>
          %dma_wait3A_85 = tpu.memref_squeeze %dma_wait3A_84 : memref<1x1x80xi32, #tpu.memory_space<hbm>> -> memref<80xi32, #tpu.memory_space<hbm>>
          %dma_wait3A_86 = arith.constant 0 : i32
          %dma_wait3A_87 = tpu.memref_slice %arg3[%add3A, %add3A_82, %dma_wait3A_86] : memref<32x125x80xi32, #tpu.memory_space<hbm>> -> memref<1x1x80xi32, #tpu.memory_space<hbm>>
          %dma_wait3A_88 = tpu.memref_squeeze %dma_wait3A_87 : memref<1x1x80xi32, #tpu.memory_space<hbm>> -> memref<80xi32, #tpu.memory_space<hbm>>
          tpu.wait_dma2 semaphore(%arg13 : memref<!tpu.dma_semaphore, #tpu.memory_space<semaphore_mem>>) src(%dma_wait3A_88 : memref<80xi32, #tpu.memory_space<hbm>>) dst(%arg8 : memref<80xi32, #tpu.memory_space<vmem>>)
          %add3A_89 = arith.constant 1 : i32
          %add3A_90 = arith.addi %scan3A_48, %add3A_89 : i32
          %mul3A_91 = arith.constant 80 : i32
          %mul3A_92 = arith.muli %add3A_90, %mul3A_91 : i32
          %add3A_93 = arith.addi %mul3A_2, %mul3A_92 : i32
          %dma_start3A_94 = arith.constant 0 : i32
          %dma_start3A_95 = tpu.memref_slice %arg2[%add3A_93, %dma_start3A_94] : memref<320000x128xf32, #tpu.memory_space<hbm>> -> memref<80x128xf32, #tpu.memory_space<hbm>>
          %dma_start3A_96 = arith.constant 0 : i32
          %dma_start3A_97 = tpu.memref_slice %arg2[%add3A_93, %dma_start3A_96] : memref<320000x128xf32, #tpu.memory_space<hbm>> -> memref<80x128xf32, #tpu.memory_space<hbm>>
          tpu.enqueue_dma source(%dma_start3A_97 : memref<80x128xf32, #tpu.memory_space<hbm>>) target(%arg6 : memref<80x128xf32, #tpu.memory_space<vmem>>) target_semaphore(%arg11 : memref<!tpu.dma_semaphore, #tpu.memory_space<semaphore_mem>>)
        } else {
        }
        "tpu.region"() ({
          %run_scoped3A_81 = tpu.sem_alloc : memref<!tpu.dma_semaphore, #tpu.memory_space<semaphore_mem>>
          %dma_start3A_82 = arith.constant 0 : i32
          %dma_start3A_83 = arith.constant 0 : i32
          %dma_start3A_84 = tpu.memref_slice %arg9[%dma_start3A_82, %dma_start3A_83] : memref<10240x128xf32, #tpu.memory_space<vmem_shared>> -> memref<10240x128xf32, #tpu.memory_space<vmem_shared>>
          tpu.enqueue_indirect_dma source(%arg5 : memref<80x128xf32, #tpu.memory_space<vmem>>) target(%dma_start3A_84 : memref<10240x128xf32, #tpu.memory_space<vmem_shared>>) offsets(%arg7 : memref<80xi32, #tpu.memory_space<vmem>>) semaphore(%run_scoped3A_81 : memref<!tpu.dma_semaphore, #tpu.memory_space<semaphore_mem>>) {add = true}
          %dma_wait3A_85 = arith.constant 0 : i32
          %dma_wait3A_86 = arith.constant 0 : i32
          %dma_wait3A_87 = tpu.memref_slice %arg9[%dma_wait3A_85, %dma_wait3A_86] : memref<10240x128xf32, #tpu.memory_space<vmem_shared>> -> memref<10240x128xf32, #tpu.memory_space<vmem_shared>>
          tpu.wait_indirect_dma semaphore(%run_scoped3A_81 : memref<!tpu.dma_semaphore, #tpu.memory_space<semaphore_mem>>) src(%arg5 : memref<80x128xf32, #tpu.memory_space<vmem>>) dst(%dma_wait3A_87 : memref<10240x128xf32, #tpu.memory_space<vmem_shared>>)
          tpu.yield
        }) : () -> ()
        %add3A_74 = arith.constant 2 : i32
        %add3A_75 = arith.addi %scan3A_48, %add3A_74 : i32
        %lt3A_76 = arith.constant 125 : i32
        %lt3A_77 = arith.cmpi slt, %add3A_75, %lt3A_76 : i32
        %convert_element_type3A_78 = arith.extui %lt3A_77 : i1 to i32
        %cond3A_79 = arith.constant 0 : i32
        %cond3A_80 = arith.cmpi ne, %convert_element_type3A_78, %cond3A_79 : i32
        scf.if %cond3A_80 {
          %add3A_81 = arith.constant 2 : i32
          %add3A_82 = arith.addi %scan3A_48, %add3A_81 : i32
          %dma_start3A_83 = arith.constant 0 : i32
          %dma_start3A_84 = tpu.memref_slice %arg3[%add3A, %add3A_82, %dma_start3A_83] : memref<32x125x80xi32, #tpu.memory_space<hbm>> -> memref<1x1x80xi32, #tpu.memory_space<hbm>>
          %dma_start3A_85 = tpu.memref_squeeze %dma_start3A_84 : memref<1x1x80xi32, #tpu.memory_space<hbm>> -> memref<80xi32, #tpu.memory_space<hbm>>
          %dma_start3A_86 = arith.constant 0 : i32
          %dma_start3A_87 = tpu.memref_slice %arg3[%add3A, %add3A_82, %dma_start3A_86] : memref<32x125x80xi32, #tpu.memory_space<hbm>> -> memref<1x1x80xi32, #tpu.memory_space<hbm>>
          %dma_start3A_88 = tpu.memref_squeeze %dma_start3A_87 : memref<1x1x80xi32, #tpu.memory_space<hbm>> -> memref<80xi32, #tpu.memory_space<hbm>>
          tpu.enqueue_dma source(%dma_start3A_88 : memref<80xi32, #tpu.memory_space<hbm>>) target(%arg7 : memref<80xi32, #tpu.memory_space<vmem>>) target_semaphore(%arg12 : memref<!tpu.dma_semaphore, #tpu.memory_space<semaphore_mem>>)
        } else {
        }
      } else {
        %mul3A_61 = arith.constant 80 : i32
        %mul3A_62 = arith.muli %scan3A_48, %mul3A_61 : i32
        %add3A_63 = arith.addi %mul3A_2, %mul3A_62 : i32
        %dma_wait3A = arith.constant 0 : i32
        %dma_wait3A_64 = tpu.memref_slice %arg2[%add3A_63, %dma_wait3A] : memref<320000x128xf32, #tpu.memory_space<hbm>> -> memref<80x128xf32, #tpu.memory_space<hbm>>
        %dma_wait3A_65 = arith.constant 0 : i32
        %dma_wait3A_66 = tpu.memref_slice %arg2[%add3A_63, %dma_wait3A_65] : memref<320000x128xf32, #tpu.memory_space<hbm>> -> memref<80x128xf32, #tpu.memory_space<hbm>>
        tpu.wait_dma2 semaphore(%arg11 : memref<!tpu.dma_semaphore, #tpu.memory_space<semaphore_mem>>) src(%dma_wait3A_66 : memref<80x128xf32, #tpu.memory_space<hbm>>) dst(%arg6 : memref<80x128xf32, #tpu.memory_space<vmem>>)
        %add3A_67 = arith.constant 1 : i32
        %add3A_68 = arith.addi %scan3A_48, %add3A_67 : i32
        %lt3A_69 = arith.constant 125 : i32
        %lt3A_70 = arith.cmpi slt, %add3A_68, %lt3A_69 : i32
        %convert_element_type3A_71 = arith.extui %lt3A_70 : i1 to i32
        %cond3A_72 = arith.constant 0 : i32
        %cond3A_73 = arith.cmpi ne, %convert_element_type3A_71, %cond3A_72 : i32
        scf.if %cond3A_73 {
          %add3A_81 = arith.constant 1 : i32
          %add3A_82 = arith.addi %scan3A_48, %add3A_81 : i32
          %dma_wait3A_83 = arith.constant 0 : i32
          %dma_wait3A_84 = tpu.memref_slice %arg3[%add3A, %add3A_82, %dma_wait3A_83] : memref<32x125x80xi32, #tpu.memory_space<hbm>> -> memref<1x1x80xi32, #tpu.memory_space<hbm>>
          %dma_wait3A_85 = tpu.memref_squeeze %dma_wait3A_84 : memref<1x1x80xi32, #tpu.memory_space<hbm>> -> memref<80xi32, #tpu.memory_space<hbm>>
          %dma_wait3A_86 = arith.constant 0 : i32
          %dma_wait3A_87 = tpu.memref_slice %arg3[%add3A, %add3A_82, %dma_wait3A_86] : memref<32x125x80xi32, #tpu.memory_space<hbm>> -> memref<1x1x80xi32, #tpu.memory_space<hbm>>
          %dma_wait3A_88 = tpu.memref_squeeze %dma_wait3A_87 : memref<1x1x80xi32, #tpu.memory_space<hbm>> -> memref<80xi32, #tpu.memory_space<hbm>>
          tpu.wait_dma2 semaphore(%arg12 : memref<!tpu.dma_semaphore, #tpu.memory_space<semaphore_mem>>) src(%dma_wait3A_88 : memref<80xi32, #tpu.memory_space<hbm>>) dst(%arg7 : memref<80xi32, #tpu.memory_space<vmem>>)
          %add3A_89 = arith.constant 1 : i32
          %add3A_90 = arith.addi %scan3A_48, %add3A_89 : i32
          %mul3A_91 = arith.constant 80 : i32
          %mul3A_92 = arith.muli %add3A_90, %mul3A_91 : i32
          %add3A_93 = arith.addi %mul3A_2, %mul3A_92 : i32
          %dma_start3A_94 = arith.constant 0 : i32
          %dma_start3A_95 = tpu.memref_slice %arg2[%add3A_93, %dma_start3A_94] : memref<320000x128xf32, #tpu.memory_space<hbm>> -> memref<80x128xf32, #tpu.memory_space<hbm>>
          %dma_start3A_96 = arith.constant 0 : i32
          %dma_start3A_97 = tpu.memref_slice %arg2[%add3A_93, %dma_start3A_96] : memref<320000x128xf32, #tpu.memory_space<hbm>> -> memref<80x128xf32, #tpu.memory_space<hbm>>
          tpu.enqueue_dma source(%dma_start3A_97 : memref<80x128xf32, #tpu.memory_space<hbm>>) target(%arg5 : memref<80x128xf32, #tpu.memory_space<vmem>>) target_semaphore(%arg10 : memref<!tpu.dma_semaphore, #tpu.memory_space<semaphore_mem>>)
        } else {
        }
        "tpu.region"() ({
          %run_scoped3A_81 = tpu.sem_alloc : memref<!tpu.dma_semaphore, #tpu.memory_space<semaphore_mem>>
          %dma_start3A_82 = arith.constant 0 : i32
          %dma_start3A_83 = arith.constant 0 : i32
          %dma_start3A_84 = tpu.memref_slice %arg9[%dma_start3A_82, %dma_start3A_83] : memref<10240x128xf32, #tpu.memory_space<vmem_shared>> -> memref<10240x128xf32, #tpu.memory_space<vmem_shared>>
          tpu.enqueue_indirect_dma source(%arg6 : memref<80x128xf32, #tpu.memory_space<vmem>>) target(%dma_start3A_84 : memref<10240x128xf32, #tpu.memory_space<vmem_shared>>) offsets(%arg8 : memref<80xi32, #tpu.memory_space<vmem>>) semaphore(%run_scoped3A_81 : memref<!tpu.dma_semaphore, #tpu.memory_space<semaphore_mem>>) {add = true}
          %dma_wait3A_85 = arith.constant 0 : i32
          %dma_wait3A_86 = arith.constant 0 : i32
          %dma_wait3A_87 = tpu.memref_slice %arg9[%dma_wait3A_85, %dma_wait3A_86] : memref<10240x128xf32, #tpu.memory_space<vmem_shared>> -> memref<10240x128xf32, #tpu.memory_space<vmem_shared>>
          tpu.wait_indirect_dma semaphore(%run_scoped3A_81 : memref<!tpu.dma_semaphore, #tpu.memory_space<semaphore_mem>>) src(%arg6 : memref<80x128xf32, #tpu.memory_space<vmem>>) dst(%dma_wait3A_87 : memref<10240x128xf32, #tpu.memory_space<vmem_shared>>)
          tpu.yield
        }) : () -> ()
        %add3A_74 = arith.constant 2 : i32
        %add3A_75 = arith.addi %scan3A_48, %add3A_74 : i32
        %lt3A_76 = arith.constant 125 : i32
        %lt3A_77 = arith.cmpi slt, %add3A_75, %lt3A_76 : i32
        %convert_element_type3A_78 = arith.extui %lt3A_77 : i1 to i32
        %cond3A_79 = arith.constant 0 : i32
        %cond3A_80 = arith.cmpi ne, %convert_element_type3A_78, %cond3A_79 : i32
        scf.if %cond3A_80 {
          %add3A_81 = arith.constant 2 : i32
          %add3A_82 = arith.addi %scan3A_48, %add3A_81 : i32
          %dma_start3A_83 = arith.constant 0 : i32
          %dma_start3A_84 = tpu.memref_slice %arg3[%add3A, %add3A_82, %dma_start3A_83] : memref<32x125x80xi32, #tpu.memory_space<hbm>> -> memref<1x1x80xi32, #tpu.memory_space<hbm>>
          %dma_start3A_85 = tpu.memref_squeeze %dma_start3A_84 : memref<1x1x80xi32, #tpu.memory_space<hbm>> -> memref<80xi32, #tpu.memory_space<hbm>>
          %dma_start3A_86 = arith.constant 0 : i32
          %dma_start3A_87 = tpu.memref_slice %arg3[%add3A, %add3A_82, %dma_start3A_86] : memref<32x125x80xi32, #tpu.memory_space<hbm>> -> memref<1x1x80xi32, #tpu.memory_space<hbm>>
          %dma_start3A_88 = tpu.memref_squeeze %dma_start3A_87 : memref<1x1x80xi32, #tpu.memory_space<hbm>> -> memref<80xi32, #tpu.memory_space<hbm>>
          tpu.enqueue_dma source(%dma_start3A_88 : memref<80xi32, #tpu.memory_space<hbm>>) target(%arg8 : memref<80xi32, #tpu.memory_space<vmem>>) target_semaphore(%arg13 : memref<!tpu.dma_semaphore, #tpu.memory_space<semaphore_mem>>)
        } else {
        }
      }
    }
    %scan3A_44 = arith.constant 125 : i32
    %barrier3A_45 = arith.constant 0 : index
    tpu.barrier barrier_id(%barrier3A_45)
    %mul3A_46 = arith.constant 640 : i32
    %mul3A_47 = arith.muli %arg1, %mul3A_46 : i32
    "tpu.region"() ({
      %run_scoped3A_48 = tpu.sem_alloc : memref<!tpu.dma_semaphore, #tpu.memory_space<semaphore_mem>>
      %dma_start3A_49 = arith.constant 0 : i32
      %dma_start3A_50 = tpu.memref_slice %arg4[%arg0, %mul3A_47, %dma_start3A_49] : memref<2x10240x128xf32, #tpu.memory_space<hbm>> -> memref<1x640x128xf32, #tpu.memory_space<hbm>>
      %dma_start3A_51 = tpu.memref_squeeze %dma_start3A_50 : memref<1x640x128xf32, #tpu.memory_space<hbm>> -> memref<640x128xf32, #tpu.memory_space<hbm>>
      %dma_start3A_52 = arith.constant 0 : i32
      %dma_start3A_53 = tpu.memref_slice %arg9[%mul3A_47, %dma_start3A_52] : memref<10240x128xf32, #tpu.memory_space<vmem_shared>> -> memref<640x128xf32, #tpu.memory_space<vmem_shared>>
      tpu.enqueue_dma source(%dma_start3A_53 : memref<640x128xf32, #tpu.memory_space<vmem_shared>>) target(%dma_start3A_51 : memref<640x128xf32, #tpu.memory_space<hbm>>) target_semaphore(%run_scoped3A_48 : memref<!tpu.dma_semaphore, #tpu.memory_space<semaphore_mem>>)
      %dma_wait3A = arith.constant 0 : i32
      %dma_wait3A_54 = tpu.memref_slice %arg4[%arg0, %mul3A_47, %dma_wait3A] : memref<2x10240x128xf32, #tpu.memory_space<hbm>> -> memref<1x640x128xf32, #tpu.memory_space<hbm>>
      %dma_wait3A_55 = tpu.memref_squeeze %dma_wait3A_54 : memref<1x640x128xf32, #tpu.memory_space<hbm>> -> memref<640x128xf32, #tpu.memory_space<hbm>>
      %dma_wait3A_56 = arith.constant 0 : i32
      %dma_wait3A_57 = tpu.memref_slice %arg9[%mul3A_47, %dma_wait3A_56] : memref<10240x128xf32, #tpu.memory_space<vmem_shared>> -> memref<640x128xf32, #tpu.memory_space<vmem_shared>>
      tpu.wait_dma2 semaphore(%run_scoped3A_48 : memref<!tpu.dma_semaphore, #tpu.memory_space<semaphore_mem>>) src(%dma_wait3A_57 : memref<640x128xf32, #tpu.memory_space<vmem_shared>>) dst(%dma_wait3A_55 : memref<640x128xf32, #tpu.memory_space<hbm>>)
      tpu.yield
    }) : () -> ()
    return
  }
}

module attributes {stable_mosaic.version = 14 : i64} {
  func.func @_encode0_body(%arg0: i32, %arg1: memref<4000x8xf32, #tpu.memory_space<vmem>>, %arg2: memref<8x128xf32, #tpu.memory_space<vmem>>, %arg3: memref<1x128xf32, #tpu.memory_space<vmem>>, %arg4: memref<1x128xf32, #tpu.memory_space<vmem>>, %arg5: memref<4000x128xf32, #tpu.memory_space<vmem>>) attributes {dimension_semantics = [#tpu.dimension_semantics<arbitrary>], iteration_bounds = array<i64: 80>, scalar_prefetch = 0 : i64, scratch_operands = 0 : i64, tpu.core_type = #tpu.core_type<tc>, window_params = [{transform_indices = @transform_0, window_bounds = array<i64: 4000, 8>}, {pipeline_mode = #tpu.pipeline_mode<synchronous>, transform_indices = @transform_1, window_bounds = array<i64: 8, 128>}, {pipeline_mode = #tpu.pipeline_mode<synchronous>, transform_indices = @transform_2, window_bounds = array<i64: 1, 128>}, {pipeline_mode = #tpu.pipeline_mode<synchronous>, transform_indices = @transform_3, window_bounds = array<i64: 1, 128>}, {transform_indices = @transform_4, window_bounds = array<i64: 4000, 128>}]} {
    %get3A = arith.constant 0 : index
    %get3A_0 = arith.constant 0 : index
    %get3A_1 = vector.load %arg1[%get3A, %get3A_0] : memref<4000x8xf32, #tpu.memory_space<vmem>>, vector<4000x8xf32>
    %get3A_2 = arith.constant 0 : index
    %get3A_3 = arith.constant 0 : index
    %get3A_4 = vector.load %arg2[%get3A_2, %get3A_3] : memref<8x128xf32, #tpu.memory_space<vmem>>, vector<8x128xf32>
    %dot_general3A = arith.constant dense<0.000000e+00> : vector<4000x128xf32>
    %dot_general3A_5 = tpu.matmul %get3A_1, %get3A_4, %dot_general3A {dimension_numbers = #tpu.dot_dimension_numbers<[1], [0], [0], [1], [0, 0, 1, 1], [], []>, transpose_lhs_hint = false} : vector<4000x8xf32>, vector<8x128xf32>, vector<4000x128xf32> -> vector<4000x128xf32>
    %get3A_6 = arith.constant 0 : index
    %get3A_7 = arith.constant 0 : index
    %get3A_8 = vector.load %arg3[%get3A_6, %get3A_7] : memref<1x128xf32, #tpu.memory_space<vmem>>, vector<1x128xf32>
    %add3A = vector.broadcast %get3A_8 : vector<1x128xf32> to vector<4000x128xf32>
    %add3A_9 = arith.addf %dot_general3A_5, %add3A : vector<4000x128xf32>
    %get3A_10 = arith.constant 0 : index
    %get3A_11 = arith.constant 0 : index
    %get3A_12 = vector.load %arg4[%get3A_10, %get3A_11] : memref<1x128xf32, #tpu.memory_space<vmem>>, vector<1x128xf32>
    %add3A_13 = vector.broadcast %get3A_12 : vector<1x128xf32> to vector<4000x128xf32>
    %add3A_14 = arith.addf %add3A_9, %add3A_13 : vector<4000x128xf32>
    %max3A = arith.constant 0.000000e+00 : f32
    %max3A_15 = vector.broadcast %max3A : f32 to vector<4000x128xf32>
    %max3A_16 = arith.maximumf %add3A_14, %max3A_15 : vector<4000x128xf32>
    %swap3A = arith.constant 0 : index
    %swap3A_17 = arith.constant 0 : index
    %swap3A_18 = vector.load %arg5[%swap3A, %swap3A_17] : memref<4000x128xf32, #tpu.memory_space<vmem>>, vector<4000x128xf32>
    tpu.vector_store %arg5[%swap3A, %swap3A_17], %max3A_16 {strides = array<i32>} : memref<4000x128xf32, #tpu.memory_space<vmem>>, vector<4000x128xf32>,
    return
  }
  func.func @transform_0(%arg0: i32) -> (i32, i32) {
    %c0_i32 = arith.constant 0 : i32
    %c0_i32_0 = arith.constant 0 : i32
    return %arg0, %c0_i32 : i32, i32
  }
  func.func @transform_1(%arg0: i32) -> (i32, i32) {
    %c0_i32 = arith.constant 0 : i32
    %c0_i32_0 = arith.constant 0 : i32
    %c0_i32_1 = arith.constant 0 : i32
    return %c0_i32, %c0_i32_0 : i32, i32
  }
  func.func @transform_2(%arg0: i32) -> (i32, i32) {
    %c0_i32 = arith.constant 0 : i32
    %c0_i32_0 = arith.constant 0 : i32
    %c0_i32_1 = arith.constant 0 : i32
    return %c0_i32, %c0_i32_0 : i32, i32
  }
  func.func @transform_3(%arg0: i32) -> (i32, i32) {
    %c0_i32 = arith.constant 0 : i32
    %c0_i32_0 = arith.constant 0 : i32
    %c0_i32_1 = arith.constant 0 : i32
    return %c0_i32, %c0_i32_0 : i32, i32
  }
  func.func @transform_4(%arg0: i32) -> (i32, i32) {
    %c0_i32 = arith.constant 0 : i32
    %c0_i32_0 = arith.constant 0 : i32
    return %arg0, %c0_i32 : i32, i32
  }
}

module attributes {stable_mosaic.version = 14 : i64} {
  func.func @_encode1_body(%arg0: i32, %arg1: memref<4000x8xf32, #tpu.memory_space<vmem>>, %arg2: memref<8x128xf32, #tpu.memory_space<vmem>>, %arg3: memref<1x128xf32, #tpu.memory_space<vmem>>, %arg4: memref<4000x128xf32, #tpu.memory_space<vmem>>) attributes {dimension_semantics = [#tpu.dimension_semantics<arbitrary>], iteration_bounds = array<i64: 80>, scalar_prefetch = 0 : i64, scratch_operands = 0 : i64, tpu.core_type = #tpu.core_type<tc>, window_params = [{transform_indices = @transform_0, window_bounds = array<i64: 4000, 8>}, {pipeline_mode = #tpu.pipeline_mode<synchronous>, transform_indices = @transform_1, window_bounds = array<i64: 8, 128>}, {pipeline_mode = #tpu.pipeline_mode<synchronous>, transform_indices = @transform_2, window_bounds = array<i64: 1, 128>}, {transform_indices = @transform_3, window_bounds = array<i64: 4000, 128>}]} {
    %get3A = arith.constant 0 : index
    %get3A_0 = arith.constant 0 : index
    %get3A_1 = vector.load %arg1[%get3A, %get3A_0] : memref<4000x8xf32, #tpu.memory_space<vmem>>, vector<4000x8xf32>
    %get3A_2 = arith.constant 0 : index
    %get3A_3 = arith.constant 0 : index
    %get3A_4 = vector.load %arg2[%get3A_2, %get3A_3] : memref<8x128xf32, #tpu.memory_space<vmem>>, vector<8x128xf32>
    %dot_general3A = arith.constant dense<0.000000e+00> : vector<4000x128xf32>
    %dot_general3A_5 = tpu.matmul %get3A_1, %get3A_4, %dot_general3A {dimension_numbers = #tpu.dot_dimension_numbers<[1], [0], [0], [1], [0, 0, 1, 1], [], []>, transpose_lhs_hint = false} : vector<4000x8xf32>, vector<8x128xf32>, vector<4000x128xf32> -> vector<4000x128xf32>
    %get3A_6 = arith.constant 0 : index
    %get3A_7 = arith.constant 0 : index
    %get3A_8 = vector.load %arg3[%get3A_6, %get3A_7] : memref<1x128xf32, #tpu.memory_space<vmem>>, vector<1x128xf32>
    %add3A = vector.broadcast %get3A_8 : vector<1x128xf32> to vector<4000x128xf32>
    %add3A_9 = arith.addf %dot_general3A_5, %add3A : vector<4000x128xf32>
    %swap3A = arith.constant 0 : index
    %swap3A_10 = arith.constant 0 : index
    %swap3A_11 = vector.load %arg4[%swap3A, %swap3A_10] : memref<4000x128xf32, #tpu.memory_space<vmem>>, vector<4000x128xf32>
    tpu.vector_store %arg4[%swap3A, %swap3A_10], %add3A_9 {strides = array<i32>} : memref<4000x128xf32, #tpu.memory_space<vmem>>, vector<4000x128xf32>,
    return
  }
  func.func @transform_0(%arg0: i32) -> (i32, i32) {
    %c0_i32 = arith.constant 0 : i32
    %c0_i32_0 = arith.constant 0 : i32
    return %arg0, %c0_i32 : i32, i32
  }
  func.func @transform_1(%arg0: i32) -> (i32, i32) {
    %c0_i32 = arith.constant 0 : i32
    %c0_i32_0 = arith.constant 0 : i32
    %c0_i32_1 = arith.constant 0 : i32
    return %c0_i32, %c0_i32_0 : i32, i32
  }
  func.func @transform_2(%arg0: i32) -> (i32, i32) {
    %c0_i32 = arith.constant 0 : i32
    %c0_i32_0 = arith.constant 0 : i32
    %c0_i32_1 = arith.constant 0 : i32
    return %c0_i32, %c0_i32_0 : i32, i32
  }
  func.func @transform_3(%arg0: i32) -> (i32, i32) {
    %c0_i32 = arith.constant 0 : i32
    %c0_i32_0 = arith.constant 0 : i32
    return %arg0, %c0_i32 : i32, i32
  }
}

module attributes {stable_mosaic.version = 14 : i64} {
  func.func @_gin0_body(%arg0: memref<1x128xf32, #tpu.memory_space<vmem>>, %arg1: memref<2x10240x128xf32, #tpu.memory_space<vmem>>, %arg2: memref<128x128xf32, #tpu.memory_space<vmem>>, %arg3: memref<1x128xf32, #tpu.memory_space<vmem>>, %arg4: memref<128x128xf32, #tpu.memory_space<vmem>>, %arg5: memref<1x128xf32, #tpu.memory_space<vmem>>, %arg6: memref<1x128xf32, #tpu.memory_space<vmem>>, %arg7: memref<1x128xf32, #tpu.memory_space<vmem>>, %arg8: memref<10000x128xf32, #tpu.memory_space<vmem>>) attributes {dimension_semantics = [], scalar_prefetch = 0 : i64, scratch_operands = 0 : i64, tpu.core_type = #tpu.core_type<tc>} {
    %get3A = arith.constant 0 : index
    %get3A_0 = arith.constant 0 : index
    %get3A_1 = arith.constant 0 : index
    %get3A_2 = vector.load %arg1[%get3A, %get3A_0, %get3A_1] : memref<2x10240x128xf32, #tpu.memory_space<vmem>>, vector<1x10000x128xf32>
    %get3A_3 = vector.shape_cast %get3A_2 : vector<1x10000x128xf32> to vector<10000x128xf32>
    %get3A_4 = arith.constant 1 : index
    %get3A_5 = arith.constant 0 : index
    %get3A_6 = arith.constant 0 : index
    %get3A_7 = vector.load %arg1[%get3A_4, %get3A_5, %get3A_6] : memref<2x10240x128xf32, #tpu.memory_space<vmem>>, vector<1x10000x128xf32>
    %get3A_8 = vector.shape_cast %get3A_7 : vector<1x10000x128xf32> to vector<10000x128xf32>
    %add3A = arith.addf %get3A_3, %get3A_8 : vector<10000x128xf32>
    %get3A_9 = arith.constant 0 : index
    %get3A_10 = arith.constant 0 : index
    %get3A_11 = vector.load %arg0[%get3A_9, %get3A_10] : memref<1x128xf32, #tpu.memory_space<vmem>>, vector<1x128xf32>
    %add3A_12 = vector.broadcast %get3A_11 : vector<1x128xf32> to vector<10000x128xf32>
    %add3A_13 = arith.addf %add3A_12, %add3A : vector<10000x128xf32>
    %get3A_14 = arith.constant 0 : index
    %get3A_15 = arith.constant 0 : index
    %get3A_16 = vector.load %arg2[%get3A_14, %get3A_15] : memref<128x128xf32, #tpu.memory_space<vmem>>, vector<128x128xf32>
    %dot_general3A = arith.constant dense<0.000000e+00> : vector<10000x128xf32>
    %dot_general3A_17 = tpu.matmul %add3A_13, %get3A_16, %dot_general3A {dimension_numbers = #tpu.dot_dimension_numbers<[1], [0], [0], [1], [0, 0, 1, 1], [], []>, transpose_lhs_hint = false} : vector<10000x128xf32>, vector<128x128xf32>, vector<10000x128xf32> -> vector<10000x128xf32>
    %get3A_18 = arith.constant 0 : index
    %get3A_19 = arith.constant 0 : index
    %get3A_20 = vector.load %arg3[%get3A_18, %get3A_19] : memref<1x128xf32, #tpu.memory_space<vmem>>, vector<1x128xf32>
    %add3A_21 = vector.broadcast %get3A_20 : vector<1x128xf32> to vector<10000x128xf32>
    %add3A_22 = arith.addf %dot_general3A_17, %add3A_21 : vector<10000x128xf32>
    %max3A = arith.constant 0.000000e+00 : f32
    %max3A_23 = vector.broadcast %max3A : f32 to vector<10000x128xf32>
    %max3A_24 = arith.maximumf %add3A_22, %max3A_23 : vector<10000x128xf32>
    %get3A_25 = arith.constant 0 : index
    %get3A_26 = arith.constant 0 : index
    %get3A_27 = vector.load %arg4[%get3A_25, %get3A_26] : memref<128x128xf32, #tpu.memory_space<vmem>>, vector<128x128xf32>
    %dot_general3A_28 = arith.constant dense<0.000000e+00> : vector<10000x128xf32>
    %dot_general3A_29 = tpu.matmul %max3A_24, %get3A_27, %dot_general3A_28 {dimension_numbers = #tpu.dot_dimension_numbers<[1], [0], [0], [1], [0, 0, 1, 1], [], []>, transpose_lhs_hint = false} : vector<10000x128xf32>, vector<128x128xf32>, vector<10000x128xf32> -> vector<10000x128xf32>
    %get3A_30 = arith.constant 0 : index
    %get3A_31 = arith.constant 0 : index
    %get3A_32 = vector.load %arg5[%get3A_30, %get3A_31] : memref<1x128xf32, #tpu.memory_space<vmem>>, vector<1x128xf32>
    %add3A_33 = vector.broadcast %get3A_32 : vector<1x128xf32> to vector<10000x128xf32>
    %add3A_34 = arith.addf %dot_general3A_29, %add3A_33 : vector<10000x128xf32>
    %reduce_sum3A = arith.constant dense<0.000000e+00> : vector<128xf32>
    %reduce_sum3A_35 = vector.multi_reduction <add>, %add3A_34, %reduce_sum3A [0] : vector<10000x128xf32> to vector<128xf32>
    %broadcast_in_dim3A = vector.shape_cast %reduce_sum3A_35 : vector<128xf32> to vector<1x128xf32>
    %div3A = arith.constant 1.000000e+04 : f32
    %div3A_36 = vector.broadcast %div3A : f32 to vector<1x128xf32>
    %div3A_37 = arith.divf %broadcast_in_dim3A, %div3A_36 : vector<1x128xf32>
    %sub3A = vector.broadcast %div3A_37 : vector<1x128xf32> to vector<10000x128xf32>
    %sub3A_38 = arith.subf %add3A_34, %sub3A : vector<10000x128xf32>
    %integer_pow3A = arith.mulf %sub3A_38, %sub3A_38 : vector<10000x128xf32>
    %reduce_sum3A_39 = arith.constant dense<0.000000e+00> : vector<128xf32>
    %reduce_sum3A_40 = vector.multi_reduction <add>, %integer_pow3A, %reduce_sum3A_39 [0] : vector<10000x128xf32> to vector<128xf32>
    %broadcast_in_dim3A_41 = vector.shape_cast %reduce_sum3A_40 : vector<128xf32> to vector<1x128xf32>
    %div3A_42 = arith.constant 1.000000e+04 : f32
    %div3A_43 = vector.broadcast %div3A_42 : f32 to vector<1x128xf32>
    %div3A_44 = arith.divf %broadcast_in_dim3A_41, %div3A_43 : vector<1x128xf32>
    %sub3A_45 = vector.broadcast %div3A_37 : vector<1x128xf32> to vector<10000x128xf32>
    %sub3A_46 = arith.subf %add3A_34, %sub3A_45 : vector<10000x128xf32>
    %add3A_47 = arith.constant 9.99999974E-6 : f32
    %add3A_48 = vector.broadcast %add3A_47 : f32 to vector<1x128xf32>
    %add3A_49 = arith.addf %div3A_44, %add3A_48 : vector<1x128xf32>
    %rsqrt3A = math.rsqrt %add3A_49 : vector<1x128xf32>
    %mul3A = vector.broadcast %rsqrt3A : vector<1x128xf32> to vector<10000x128xf32>
    %mul3A_50 = arith.mulf %sub3A_46, %mul3A : vector<10000x128xf32>
    %get3A_51 = arith.constant 0 : index
    %get3A_52 = arith.constant 0 : index
    %get3A_53 = vector.load %arg6[%get3A_51, %get3A_52] : memref<1x128xf32, #tpu.memory_space<vmem>>, vector<1x128xf32>
    %mul3A_54 = vector.broadcast %get3A_53 : vector<1x128xf32> to vector<10000x128xf32>
    %mul3A_55 = arith.mulf %mul3A_50, %mul3A_54 : vector<10000x128xf32>
    %get3A_56 = arith.constant 0 : index
    %get3A_57 = arith.constant 0 : index
    %get3A_58 = vector.load %arg7[%get3A_56, %get3A_57] : memref<1x128xf32, #tpu.memory_space<vmem>>, vector<1x128xf32>
    %add3A_59 = vector.broadcast %get3A_58 : vector<1x128xf32> to vector<10000x128xf32>
    %add3A_60 = arith.addf %mul3A_55, %add3A_59 : vector<10000x128xf32>
    %max3A_61 = arith.constant 0.000000e+00 : f32
    %max3A_62 = vector.broadcast %max3A_61 : f32 to vector<10000x128xf32>
    %max3A_63 = arith.maximumf %add3A_60, %max3A_62 : vector<10000x128xf32>
    %swap3A = arith.constant 0 : index
    %swap3A_64 = arith.constant 0 : index
    %swap3A_65 = vector.load %arg8[%swap3A, %swap3A_64] : memref<10000x128xf32, #tpu.memory_space<vmem>>, vector<10000x128xf32>
    tpu.vector_store %arg8[%swap3A, %swap3A_64], %max3A_63 {strides = array<i32>} : memref<10000x128xf32, #tpu.memory_space<vmem>>, vector<10000x128xf32>,
    return
  }
}

module attributes {stable_mosaic.version = 14 : i64} {
  func.func @_final_body(%arg0: memref<10000x128xf32, #tpu.memory_space<vmem>>, %arg1: memref<2x10240x128xf32, #tpu.memory_space<vmem>>, %arg2: memref<128x128xf32, #tpu.memory_space<vmem>>, %arg3: memref<1x128xf32, #tpu.memory_space<vmem>>, %arg4: memref<128x128xf32, #tpu.memory_space<vmem>>, %arg5: memref<1x128xf32, #tpu.memory_space<vmem>>, %arg6: memref<1x128xf32, #tpu.memory_space<vmem>>, %arg7: memref<1x128xf32, #tpu.memory_space<vmem>>, %arg8: memref<10000x1xi32, #tpu.memory_space<vmem>>, %arg9: memref<128x10xf32, #tpu.memory_space<vmem>>, %arg10: memref<10xf32, #tpu.memory_space<vmem>>, %arg11: memref<128x10xf32, #tpu.memory_space<vmem>>) attributes {dimension_semantics = [], scalar_prefetch = 0 : i64, scratch_operands = 0 : i64, tpu.core_type = #tpu.core_type<tc>} {
    %get3A = arith.constant 0 : index
    %get3A_0 = arith.constant 0 : index
    %get3A_1 = arith.constant 0 : index
    %get3A_2 = vector.load %arg1[%get3A, %get3A_0, %get3A_1] : memref<2x10240x128xf32, #tpu.memory_space<vmem>>, vector<1x10000x128xf32>
    %get3A_3 = vector.shape_cast %get3A_2 : vector<1x10000x128xf32> to vector<10000x128xf32>
    %get3A_4 = arith.constant 1 : index
    %get3A_5 = arith.constant 0 : index
    %get3A_6 = arith.constant 0 : index
    %get3A_7 = vector.load %arg1[%get3A_4, %get3A_5, %get3A_6] : memref<2x10240x128xf32, #tpu.memory_space<vmem>>, vector<1x10000x128xf32>
    %get3A_8 = vector.shape_cast %get3A_7 : vector<1x10000x128xf32> to vector<10000x128xf32>
    %add3A = arith.addf %get3A_3, %get3A_8 : vector<10000x128xf32>
    %get3A_9 = arith.constant 0 : index
    %get3A_10 = arith.constant 0 : index
    %get3A_11 = vector.load %arg0[%get3A_9, %get3A_10] : memref<10000x128xf32, #tpu.memory_space<vmem>>, vector<10000x128xf32>
    %add3A_12 = arith.addf %get3A_11, %add3A : vector<10000x128xf32>
    %get3A_13 = arith.constant 0 : index
    %get3A_14 = arith.constant 0 : index
    %get3A_15 = vector.load %arg2[%get3A_13, %get3A_14] : memref<128x128xf32, #tpu.memory_space<vmem>>, vector<128x128xf32>
    %dot_general3A = arith.constant dense<0.000000e+00> : vector<10000x128xf32>
    %dot_general3A_16 = tpu.matmul %add3A_12, %get3A_15, %dot_general3A {dimension_numbers = #tpu.dot_dimension_numbers<[1], [0], [0], [1], [0, 0, 1, 1], [], []>, transpose_lhs_hint = false} : vector<10000x128xf32>, vector<128x128xf32>, vector<10000x128xf32> -> vector<10000x128xf32>
    %get3A_17 = arith.constant 0 : index
    %get3A_18 = arith.constant 0 : index
    %get3A_19 = vector.load %arg3[%get3A_17, %get3A_18] : memref<1x128xf32, #tpu.memory_space<vmem>>, vector<1x128xf32>
    %add3A_20 = vector.broadcast %get3A_19 : vector<1x128xf32> to vector<10000x128xf32>
    %add3A_21 = arith.addf %dot_general3A_16, %add3A_20 : vector<10000x128xf32>
    %max3A = arith.constant 0.000000e+00 : f32
    %max3A_22 = vector.broadcast %max3A : f32 to vector<10000x128xf32>
    %max3A_23 = arith.maximumf %add3A_21, %max3A_22 : vector<10000x128xf32>
    %get3A_24 = arith.constant 0 : index
    %get3A_25 = arith.constant 0 : index
    %get3A_26 = vector.load %arg4[%get3A_24, %get3A_25] : memref<128x128xf32, #tpu.memory_space<vmem>>, vector<128x128xf32>
    %dot_general3A_27 = arith.constant dense<0.000000e+00> : vector<10000x128xf32>
    %dot_general3A_28 = tpu.matmul %max3A_23, %get3A_26, %dot_general3A_27 {dimension_numbers = #tpu.dot_dimension_numbers<[1], [0], [0], [1], [0, 0, 1, 1], [], []>, transpose_lhs_hint = false} : vector<10000x128xf32>, vector<128x128xf32>, vector<10000x128xf32> -> vector<10000x128xf32>
    %get3A_29 = arith.constant 0 : index
    %get3A_30 = arith.constant 0 : index
    %get3A_31 = vector.load %arg5[%get3A_29, %get3A_30] : memref<1x128xf32, #tpu.memory_space<vmem>>, vector<1x128xf32>
    %add3A_32 = vector.broadcast %get3A_31 : vector<1x128xf32> to vector<10000x128xf32>
    %add3A_33 = arith.addf %dot_general3A_28, %add3A_32 : vector<10000x128xf32>
    %reduce_sum3A = arith.constant dense<0.000000e+00> : vector<128xf32>
    %reduce_sum3A_34 = vector.multi_reduction <add>, %add3A_33, %reduce_sum3A [0] : vector<10000x128xf32> to vector<128xf32>
    %broadcast_in_dim3A = vector.shape_cast %reduce_sum3A_34 : vector<128xf32> to vector<1x128xf32>
    %div3A = arith.constant 1.000000e+04 : f32
    %div3A_35 = vector.broadcast %div3A : f32 to vector<1x128xf32>
    %div3A_36 = arith.divf %broadcast_in_dim3A, %div3A_35 : vector<1x128xf32>
    %sub3A = vector.broadcast %div3A_36 : vector<1x128xf32> to vector<10000x128xf32>
    %sub3A_37 = arith.subf %add3A_33, %sub3A : vector<10000x128xf32>
    %integer_pow3A = arith.mulf %sub3A_37, %sub3A_37 : vector<10000x128xf32>
    %reduce_sum3A_38 = arith.constant dense<0.000000e+00> : vector<128xf32>
    %reduce_sum3A_39 = vector.multi_reduction <add>, %integer_pow3A, %reduce_sum3A_38 [0] : vector<10000x128xf32> to vector<128xf32>
    %broadcast_in_dim3A_40 = vector.shape_cast %reduce_sum3A_39 : vector<128xf32> to vector<1x128xf32>
    %div3A_41 = arith.constant 1.000000e+04 : f32
    %div3A_42 = vector.broadcast %div3A_41 : f32 to vector<1x128xf32>
    %div3A_43 = arith.divf %broadcast_in_dim3A_40, %div3A_42 : vector<1x128xf32>
    %sub3A_44 = vector.broadcast %div3A_36 : vector<1x128xf32> to vector<10000x128xf32>
    %sub3A_45 = arith.subf %add3A_33, %sub3A_44 : vector<10000x128xf32>
    %add3A_46 = arith.constant 9.99999974E-6 : f32
    %add3A_47 = vector.broadcast %add3A_46 : f32 to vector<1x128xf32>
    %add3A_48 = arith.addf %div3A_43, %add3A_47 : vector<1x128xf32>
    %rsqrt3A = math.rsqrt %add3A_48 : vector<1x128xf32>
    %mul3A = vector.broadcast %rsqrt3A : vector<1x128xf32> to vector<10000x128xf32>
    %mul3A_49 = arith.mulf %sub3A_45, %mul3A : vector<10000x128xf32>
    %get3A_50 = arith.constant 0 : index
    %get3A_51 = arith.constant 0 : index
    %get3A_52 = vector.load %arg6[%get3A_50, %get3A_51] : memref<1x128xf32, #tpu.memory_space<vmem>>, vector<1x128xf32>
    %mul3A_53 = vector.broadcast %get3A_52 : vector<1x128xf32> to vector<10000x128xf32>
    %mul3A_54 = arith.mulf %mul3A_49, %mul3A_53 : vector<10000x128xf32>
    %get3A_55 = arith.constant 0 : index
    %get3A_56 = arith.constant 0 : index
    %get3A_57 = vector.load %arg7[%get3A_55, %get3A_56] : memref<1x128xf32, #tpu.memory_space<vmem>>, vector<1x128xf32>
    %add3A_58 = vector.broadcast %get3A_57 : vector<1x128xf32> to vector<10000x128xf32>
    %add3A_59 = arith.addf %mul3A_54, %add3A_58 : vector<10000x128xf32>
    %get3A_60 = arith.constant 0 : index
    %get3A_61 = arith.constant 0 : index
    %get3A_62 = vector.load %arg8[%get3A_60, %get3A_61] : memref<10000x1xi32, #tpu.memory_space<vmem>>, vector<10000x1xi32>
    %iota3A = tpu.iota {dimensions = array<i32: 1>} : vector<10000x128xi32>
    %eq3A = vector.broadcast %get3A_62 : vector<10000x1xi32> to vector<10000x128xi32>
    %eq3A_63 = arith.cmpi eq, %eq3A, %iota3A : vector<10000x128xi32>
    %convert_element_type3A = arith.extui %eq3A_63 : vector<10000x128xi1> to vector<10000x128xi32>
    %convert_element_type3A_64 = arith.sitofp %convert_element_type3A : vector<10000x128xi32> to vector<10000x128xf32>
    %dot_general3A_65 = arith.constant dense<0.000000e+00> : vector<128x128xf32>
    %dot_general3A_66 = tpu.matmul %convert_element_type3A_64, %add3A_59, %dot_general3A_65 {dimension_numbers = #tpu.dot_dimension_numbers<[0], [0], [1], [1], [0, 1, 1, 1], [], []>, transpose_lhs_hint = false} : vector<10000x128xf32>, vector<10000x128xf32>, vector<128x128xf32> -> vector<128x128xf32>
    %reduce_sum3A_67 = arith.constant dense<0.000000e+00> : vector<128xf32>
    %reduce_sum3A_68 = vector.multi_reduction <add>, %convert_element_type3A_64, %reduce_sum3A_67 [0] : vector<10000x128xf32> to vector<128xf32>
    %max3A_69 = arith.constant 1.000000e+00 : f32
    %max3A_70 = vector.broadcast %max3A_69 : f32 to vector<128xf32>
    %max3A_71 = arith.maximumf %reduce_sum3A_68, %max3A_70 : vector<128xf32>
    %broadcast_in_dim3A_72 = vector.shape_cast %max3A_71 : vector<128xf32> to vector<128x1xf32>
    %div3A_73 = vector.broadcast %broadcast_in_dim3A_72 : vector<128x1xf32> to vector<128x128xf32>
    %div3A_74 = arith.divf %dot_general3A_66, %div3A_73 : vector<128x128xf32>
    %get3A_75 = arith.constant 0 : index
    %get3A_76 = arith.constant 0 : index
    %get3A_77 = vector.load %arg9[%get3A_75, %get3A_76] : memref<128x10xf32, #tpu.memory_space<vmem>>, vector<128x10xf32>
    %dot_general3A_78 = arith.constant dense<0.000000e+00> : vector<128x10xf32>
    %dot_general3A_79 = tpu.matmul %div3A_74, %get3A_77, %dot_general3A_78 {dimension_numbers = #tpu.dot_dimension_numbers<[1], [0], [0], [1], [0, 0, 1, 1], [], []>, transpose_lhs_hint = false} : vector<128x128xf32>, vector<128x10xf32>, vector<128x10xf32> -> vector<128x10xf32>
    %get3A_80 = arith.constant 0 : index
    %get3A_81 = vector.load %arg10[%get3A_80] : memref<10xf32, #tpu.memory_space<vmem>>, vector<10xf32>
    %broadcast_in_dim3A_82 = vector.shape_cast %get3A_81 : vector<10xf32> to vector<1x10xf32>
    %add3A_83 = vector.broadcast %broadcast_in_dim3A_82 : vector<1x10xf32> to vector<128x10xf32>
    %add3A_84 = arith.addf %dot_general3A_79, %add3A_83 : vector<128x10xf32>
    %swap3A = arith.constant 0 : index
    %swap3A_85 = arith.constant 0 : index
    %swap3A_86 = vector.load %arg11[%swap3A, %swap3A_85] : memref<128x10xf32, #tpu.memory_space<vmem>>, vector<128x10xf32>
    tpu.vector_store %arg11[%swap3A, %swap3A_85], %add3A_84 {strides = array<i32>} : memref<128x10xf32, #tpu.memory_space<vmem>>, vector<128x10xf32>,
    return
  }
}

</mosaic_0001>

<sc_bundles>
// kernel: kernel.11.cloned.1.call-start
scs
__scs_entry_jumppad:
0x0: {  	(pc) =	sbr.rel $0x88, $3  }
0x1: {  	(tag) =	ssettag $0x0;
	lr =	simm.s32 $0x1  }
0x2: {  	[smem:$0x3F93] =	sst lr;
	_ =	strace $0xD0000000  }
0x3: {  	_ = 	snop  }
0x4: {  	_ = 	snop  }
0x5: {  	_ = 	snop  }
0x6: {  	_ = 	snop  }
0x7: {  	_ = 	snop  }
__scs_overlays_trampoline_lowered:
0x8: {  	[smem:$0x3FA2] =	sst s0  }
0x9: {  	[smem:$0x3FA3] =	sst s1  }
0xa: {  	[smem:$0x3FA4] =	sst s2  }
0xb: {  	[smem:$0x3FA5] =	sst s3  }
0xc: {  	[smem:$0x3FA6] =	sst s4  }
0xd: {  	[smem:$0x3FA7] =	sst s5  }
0xe: {  	[smem:$0x3FA8] =	sst s6  }
0xf: {  	[smem:$0x3FA9] =	sst s7  }
0x10: {  	[smem:$0x3FAA] =	sst s8  }
0x11: {  	[smem:$0x3FAB] =	sst s9;
	s0 =	simm.s32 @!p0 $0x0  }
0x12: {  	s1 =	sld [smem:$0x3F91];
	s0 =	simm.s32 @p0 $0x1  }
0x13: {  	[smem:$0x3FAC] =	sst s0;
	s0 =	simm.s32 @!p1 $0x0  }
0x14: {  	s2 =	sld [smem:$0x3F90];
	s0 =	simm.s32 @p1 $0x1  }
0x15: {  	[smem:$0x3FAD] =	sst s0;
	s0 =	simm.s32 @!p2 $0x0  }
0x16: {  	s3 =	sld [smem:$0x3FDB];
	s0 =	simm.s32 @p2 $0x1  }
0x17: {  	s4 =	simm.s32 $0x1BF5;
	[smem:$0x3FAF] =	sst s0  }
0x18: {  	s0 =	sld [smem:$0x3F92];
	_ =	swait.ge [sflag:s4], $0x0  }
0x19: {  	s7 =	sld [smem:$0x3F93]  }
0x1a: {  	s8 =	sadd.s32 $0xFFFFE003, lr  }
0x1b: {  	s9 =	sadd.s32 $0xFFFFFEF7, lr;
	s5 =	simm.s32 $0xFFFFFFFF;
	p2 =	slt.u32 s8, $0xFFFFF086  }
0x1c: {  	p1 =	slt.u32 s9, $0xF7A;
	s5 =	simm.s32 @!p2 $0x0  }
0x1d: {  	s5 =	simm.s32 @p1 $0x1;
	p0 =	seq.s32 s7, s2  }
0x1e: {  	s7 =	smul.u32 @!p0 $0xF7A, s2;
	p2 =	seq.s32 @!p0 s5, $0x0  }
0x1f: {  	s9 =	smul.u32 $0xF7A, s1;
	s8 =	simm.s32 @!p0 $0x1BF5;
	p2 =	por !p2, p0  }
0x20: {  	[sflag:s8] =	ssyncset.s32 @!p0 $0xFFFFF086;
	s6 =	sadd.s32 @!p0 s3, s7;
	s7 =	simm.s32 @!p0 $0x108  }
0x21: {  	s3 =	sadd.s32 s3, s9;
	s6 =	sadd.s32 @!p0 $0x88, s6;
	s7 =	simm.s32 @p2 $0x1082  }
0x22: {  	[simem:s7], [sflag:s8] =	dma.local @!p0 [hbm:s6], $0xF7A  }
0x23: {  	s9 =	sor.u32 $0xD0000000, s2;
	s6 =	simm.s32 $0x108;
	_ =	swait.ge @!p0 [sflag:s8], $0x0  }
0x24: {  	s3 =	sadd.s32 $0x88, s3;
	s6 =	simm.s32 @!p1 $0x1082;
	[sflag:s4] =	ssyncset.s32 $0xFFFFF086  }
0x25: {  	[simem:s6], [sflag:s4] =	dma.local [hbm:s3], $0xF7A  }
0x26: {  	[smem:$0x3F93] =	sst s1;
	(tag) =	ssettag s2;
	_ =	strace s9  }
0x27: {  	s1 =	sld [smem:$0x3FA3]  }
0x28: {  	s2 =	sld [smem:$0x3FA4]  }
0x29: {  	s4 =	sld [smem:$0x3FA6]  }
0x2a: {  	p0 =	seq.s32 s5, $0x0;
	s5 =	sld [smem:$0x3FA7]  }
0x2b: {  	s6 =	sld [smem:$0x3FA8]  }
0x2c: {  	s7 =	sld [smem:$0x3FA9]  }
0x2d: {  	s3 =	simm.s32 $0x108;
	s8 =	sld [smem:$0x3FAA]  }
0x2e: {  	s3 =	simm.s32 @!p0 $0x1082;
	s9 =	sld [smem:$0x3FAB]  }
0x2f: {  	lr =	sadd.s32 s0, s3;
	s0 =	sld [smem:$0x3FA2]  }
0x30: {  	s3 =	sld [smem:$0x3FA5]  }
0x31: {  	[smem:$0x3FAE] =	sst s10  }
0x32: {  	s10 =	sld [smem:$0x3FAC];
	_ =	sdelay $0x3  }
0x33: {  	p0 =	seq.s32 s10, $0x1;
	s10 =	sld [smem:$0x3FAE];
	_ =	sdelay $0x3  }
0x34: {  	[smem:$0x3FAE] =	sst s10  }
0x35: {  	s10 =	sld [smem:$0x3FAD];
	_ =	sdelay $0x3  }
0x36: {  	p1 =	seq.s32 s10, $0x1;
	s10 =	sld [smem:$0x3FAE];
	_ =	sdelay $0x3  }
0x37: {  	[smem:$0x3FAE] =	sst s10  }
0x38: {  	s10 =	sld [smem:$0x3FAF]  }
0x39: {  	_ = 	snop;
	(pc) =	sbr.ind lr, $3  }
0x3a: {  	_ = 	snop  }
0x3b: {  	_ = 	snop  }
0x3c: {  	p2 =	seq.s32 s10, $0x1;
	s10 =	sld [smem:$0x3FAE]  }
0x3d: {  	_ =	shalt  }
0x3e: {  	_ =	shalt  }
0x3f: {  	_ =	shalt  }
0x40: {  	_ =	shalt  }
0x41: {  	_ =	shalt  }
0x42: {  	_ =	shalt  }
0x43: {  	_ =	shalt  }
0x44: {  	_ =	shalt  }
0x45: {  	_ =	shalt  }
0x46: {  	_ =	shalt  }
0x47: {  	_ =	shalt  }
0x48: {  	_ =	shalt  }
0x49: {  	_ =	shalt  }
0x4a: {  	_ =	shalt  }
0x4b: {  	_ =	shalt  }
0x4c: {  	_ =	shalt  }
0x4d: {  	_ =	shalt  }
0x4e: {  	_ =	shalt  }
0x4f: {  	_ =	shalt  }
0x50: {  	_ =	shalt  }
0x51: {  	_ =	shalt  }
0x52: {  	_ =	shalt  }
0x53: {  	_ =	shalt  }
0x54: {  	_ =	shalt  }
0x55: {  	_ =	shalt  }
0x56: {  	_ =	shalt  }
0x57: {  	_ =	shalt  }
0x58: {  	_ =	shalt  }
0x59: {  	_ =	shalt  }
0x5a: {  	_ =	shalt  }
0x5b: {  	_ =	shalt  }
0x5c: {  	_ =	shalt  }
0x5d: {  	_ =	shalt  }
0x5e: {  	_ =	shalt  }
0x5f: {  	_ =	shalt  }
0x60: {  	_ =	shalt  }
0x61: {  	_ =	shalt  }
0x62: {  	_ =	shalt  }
0x63: {  	_ =	shalt  }
0x64: {  	_ =	shalt  }
0x65: {  	_ =	shalt  }
0x66: {  	_ =	shalt  }
0x67: {  	_ =	shalt  }
0x68: {  	_ =	shalt  }
0x69: {  	_ =	shalt  }
0x6a: {  	_ =	shalt  }
0x6b: {  	_ =	shalt  }
0x6c: {  	_ =	shalt  }
0x6d: {  	_ =	shalt  }
0x6e: {  	_ =	shalt  }
0x6f: {  	_ =	shalt  }
0x70: {  	_ =	shalt  }
0x71: {  	_ =	shalt  }
0x72: {  	_ =	shalt  }
0x73: {  	_ =	shalt  }
0x74: {  	_ =	shalt  }
0x75: {  	_ =	shalt  }
0x76: {  	_ =	shalt  }
0x77: {  	_ =	shalt  }
0x78: {  	_ =	shalt  }
0x79: {  	_ =	shalt  }
0x7a: {  	_ =	shalt  }
0x7b: {  	_ =	shalt  }
0x7c: {  	_ =	shalt  }
0x7d: {  	_ =	shalt  }
0x7e: {  	_ =	shalt  }
0x7f: {  	_ =	shalt  }
0x80: {  	_ =	shalt  }
0x81: {  	_ =	shalt  }
0x82: {  	_ =	shalt  }
0x83: {  	_ =	shalt  }
0x84: {  	_ =	shalt  }
0x85: {  	_ =	shalt  }
0x86: {  	_ =	shalt  }
0x87: {  	_ =	shalt  }
.Lfunc_end0:
.L_simem_size_0:
called_computation.1_lowered:
.L_overlay_start_0:
0x88: {  	s2 =	sld [smem:$0x3FD9]  }
0x89: {  	s3 =	sld [smem:$0x3FFE];
	_ =	sdelay $0x1  }
0x8a: {  	s1 =	srdreg.scid  }
0x8b: {  	s0 =	sand.u32 $0x1, s1  }
0x8c: {  	s16 =	sshll.u32 s0, $0xA;
	s2 =	sadd.s32 s3, s2  }
0x8d: {  	s2 =	sadd.s32 s2, s16  }
0x8e: {  	[smem:$0x3FBA] =	sst s2  }
0x8f: {  	_ = 	snop  }
0x90: {  	(tm) =	ssettm $0x1  }
0x91: {  	s17 =	sld [smem:$0x3FFB];
	_ =	sdelay $0x3  }
0x92: {  	_ =	strace s17  }
0x93: {  	s2 =	sld [smem:$0x3FFC];
	_ =	sdelay $0x3  }
0x94: {  	_ =	strace s2  }
0x95: {  	s2 =	sld [smem:$0x3FFD];
	_ =	sdelay $0x3  }
0x96: {  	_ =	strace s2  }
0x97: {  	_ =	strace $0x8FFFFFFF  }
0x98: {  	s18 =	sld [smem:$0x3FDB];
	_ =	sdelay $0x1  }
0x99: {  	s19 =	simm.s32 $_scs_section_size  }
0x9a: {  	s4 =	simm.s32 $_size__tile_overlayer_lowered;
	s5 =	simm.s32 $_tile_overlayer_lowered  }
0x9b: {  	s22 =	simm.s32 $0x1BFF;
	s21 =	sshll.u32 s5, $0x1;
	s2 =	sadd.s32 s19, s18  }
0x9c: {  	s6 =	simm.s32 $0x0;
	s20 =	sshll.u32 s4, $0x1;
	s4 =	sadd.s32 s21, s2  }
0x9d: {  	[timem:s6], [sflag:s22] =	dma.local [hbm:s4], s20  }
0x9e: {  	_ =	swait.ge [sflag:s22], s20  }
0x9f: {  	s3 =	ssub.s32 $0x0, s20;
	[sflag:s22] =	ssyncset.done $0x0  }
0xa0: {  	[sflag:s22] =	ssyncadd.s32 s3;
	_ =	sdelay $0x1  }
0xa1: {  	s23 =	simm.s32 $0x1B8B  }
0xa2: {  	_ =	swait.ge [sflag:s23], $0x1  }
0xa3: {  	[sflag:s23] =	ssyncset.done $0x0  }
0xa4: {  	s25 =	simm.s32 $0x1B8E;
	s24 =	sld [smem:$0x3FFE];
	[sflag:s23] =	ssyncadd.s32 $0xFFFFFFFF  }
0xa5: {  	s26 =	simm.s32 $execute0_lowered;
	[smem:$0x3FD2] =	sst s25  }
0xa6: {  	s4 =	sshll.u32 s26, $0x1;
	_ =	strace $0x80000049;
	[dreg:$0x1] =	wrdreg $0xFFFFFFFF  }
0xa7: {  	s28 =	simm.s32 $_size_execute0_lowered;
	s2 =	sadd.s32 s2, s4;
	[dreg:$0x0] =	wrdreg $0x0  }
0xa8: {  	s4 =	sshll.u32 s28, $0x1;
	[dreg:$0x2] =	wrdreg s2  }
0xa9: {  	[dreg:$0x3] =	wrdreg s4  }
0xaa: {  	[dreg:$0x4] =	wrdreg $0xC0  }
0xab: {  	_ =	task [dreg:s6], $0x5FFFF  }
0xac: {  	[dreg:$0x1] =	wrdreg $0xFFFFFFFF  }
0xad: {  	[dreg:$0x0] =	wrdreg $0x60  }
0xae: {  	[dreg:$0x2] =	wrdreg s24  }
0xaf: {  	[dreg:$0x3] =	wrdreg $0xA2000  }
0xb0: {  	[dreg:$0x4] =	wrdreg $0x9  }
0xb1: {  	_ =	task.clear_ibuf [dreg:s6], $0x5FFFF;
	_ =	strace $0x90000049  }
0xb2: {  	s29 =	simm.s32 $0x9;
	_ =	strace $0x8000004B  }
0xb3: {  	_ =	swait.ge [sflag:s29], $0x1  }
0xb4: {  	[sflag:s29] =	ssyncadd.s32 $0xFFFFFFFF  }
0xb5: {  	_ =	strace $0x9000004B  }
0xb6: {  	_ =	sfence  }
0xb7: {  	s30 =	sld [smem:$0x0];
	_ =	sdelay $0x2  }
0xb8: {  	s31 =	sshll.u32 s1, $0xD;
	s1 =	sshrl.u32 s1, $0x2  }
0xb9: {  	s3 =	sand.u32 $0x4000, s31;
	s1 =	sadd.s32 s1, s30  }
0xba: {  	s0 =	sor.u32 s3, s0;
	s1 =	sshll.u32 s1, $0x11  }
0xbb: {  	s0 =	sor.u32 s1, s0  }
0xbc: {  	s0 =	sadd.s32 $0x8F2B, s0  }
0xbd: {  	[sflag:s0] =	ssyncadd.remote.s32 $0x1  }
0xbe: {  	_ =	sfence.sel $0xFFFF  }
0xbf: {  	[dreg:$0x0] =	wrdreg $0xFFFFFFFF;
	(pc) =	sbr.abs _section_cstart, $3  }
0xc0: {  	[dreg:$0x1] =	wrdreg $0xFFFFFFFF  }
0xc1: {  	_ =	task.clear_ibuf [dreg:s6], $0x2FFFF;
	_ =	strace $0x9FFFFFFF  }
0xc2: {  	(tm) =	ssettm $0x7FFFFFFF  }
0xc3: {  	_ =	shalt  }
tec
execute0_lowered:
.L_overlay_start_1:
0x0: {  	(tag) =	ssettag $0x1  }
0x1: {  	s0 =	rddreg [dreg:$0x0]  }
0x2: {  	s1 =	rddreg [dreg:$0x1];
	s2 =	srdreg.scid;
	s3 =	simm.s32 $0x0  }
0x3: {  	s11 =	stileid.u32;
	s28 =	simm.s32 $0xA000;
	s29 =	simm.s32 $0xA100  }
0x4: {  	s30 =	simm.s32 $0x5000;
	s31 =	simm.s32 $0x50;
	s13 =	simm.s32 $0x5  }
0x5: {  	s2 =	sand.u32 $0x1, s2;
	[smem:$0x7FF] =	sst s3;
	s8 =	smul.u32 $0x14000, s11  }
0x6: {  	s4 =	sadd.s32 $0x1DE00, s0;
	s5 =	sadd.s32 $0xEA9E00, s0;
	s9 =	smul.u32 $0x50000, s11  }
0x7: {  	s6 =	sadd.s32 $0x6DE00, s0;
	s7 =	smul.u32 $0x140000, s2;
	_ =	strace $0x8000004A  }
0x8: {  	s14 =	ssub.s32 $0x2, s2;
	s2 =	sshll.u32 s2, $0x4;
	s9 =	sshrl.u32 s9, $0x2  }
0x9: {  	s10 =	sshrl.u32 s14, $0x1;
	s2 =	sor.u32 s11, s2;
	s9 =	sadd.s32 s9, s1  }
0xa: {  	s8 =	sadd.s32 s8, s7;
	s7 =	sadd.s32 $0xDE00, s0;
	s15 =	sadd.s32 $0x2800, s9  }
0xb: {  	s10 =	ssub.s32 s14, s10;
	s16 =	sadd.s32 $0x5000, s9;
	[dreg:$0x3] =	wrdreg s15  }
0xc: {  	s22 =	sshll.u32 s2, $0xB;
	s17 =	sadd.s32 $0x7800, s9;
	[dreg:$0x4] =	wrdreg s16  }
0xd: {  	s12 =	smul.u32 $0x27100, s2;
	s18 =	sadd.s32 $0xA000, s9;
	[dreg:$0x5] =	wrdreg s17  }
0xe: {  	s14 =	simm.s32 $0x2800;
	s19 =	sadd.s32 $0xC800, s9;
	[dreg:$0x6] =	wrdreg s18  }
0xf: {  	s8 =	sshrl.u32 s8, $0x3;
	s20 =	sadd.s32 $0xF000, s9;
	[dreg:$0x7] =	wrdreg s19  }
0x10: {  	s21 =	sadd.s32 $0x11800, s9;
	s23 =	sadd.s32 s6, s22;
	[dreg:$0x8] =	wrdreg s20  }
0x11: {  	s24 =	sor.u32 $0x10, s22;
	s11 =	sadd.s32 s7, s22;
	[dreg:$0x9] =	wrdreg s21  }
0x12: {  	s0 =	sadd.s32 s8, s0;
	s8 =	smul.u32 $0x2710, s2;
	[dreg:$0xa] =	wrdreg s23  }
0x13: {  	s17 =	sshll.u32 s2, $0xE;
	[dreg:$0xb] =	wrdreg s11;
	s25 =	sadd.s32 s5, s12  }
.Ltmp0:
0x14: {  	s26 =	sadd.s32 s6, s24;
	s22 =	sadd.s32 s7, s24;
	(pc) =	sbr.rel .LBB2_1-.Ltmp0, $4  }
0x15: {  	s2 =	simm.s32 $0x3;
	s11 =	simm.s32 $0x4;
	[dreg:$0xc] =	wrdreg s25  }
0x16: {  	s12 =	simm.s32 $0x2;
	s15 =	simm.s32 $0x0;
	[dreg:$0xd] =	wrdreg s26  }
0x17: {  	s24 =	sadd.s32 $0x7DE00, s0;
	s25 =	smax.u32 s10, $0x1;
	s26 =	simm.s32 $0x7  }
0x18: {  	v0 =	vimm.f32 $0.0e+00;
	s0 =	simm.s32 $0xA180;
	s10 =	simm.s32 $0x1;
	s23 =	sadd.s32 $0x50, s8  }
.LBB2_12:
0x19: {  	s16 =	stileid.u32;
	s15 =	sadd.s32 $0x1, s15  }
0x1a: {  	[bflag:$0x0] =	sbarrier.arrive $0xFFFF;
	s16 =	sshll.u32 s16, $0x6;
	p0 =	sne.s32 s15, s25  }
.Ltmp1:
0x1b: {  	s18 =	sshrl.u32 s9, $0x3;
	s16 =	sor.u32 $0x1C07, s16;
	(pc) =	sbr.rel @!p0 .LBB2_13-.Ltmp1, $4  }
0x1c: {  	[hbm:s24], [sflag:s16] =	dma.local [spmem:s18], $0x2800  }
0x1d: {  	_ =	swait.ge [sflag:s26], $0x2800  }
0x1e: {  	[sflag:s26] =	ssyncset.done $0x0  }
0x1f: {  	[sflag:s26] =	ssyncadd.s32 $0xFFFFD800  }
.LBB2_1:
0x20: {  	s16 =	simm.s32 $0x0;
	s18 =	simm.s32 $0x200  }
.LBB2_2:
0x21: {  	p0 =	sne.s32 s18, $0x9E00;
	[tilespmem:s16+$0x70] =	vst v0  }
0x22: {  	[tilespmem:s16+$0x0] =	vst v0  }
0x23: {  	[tilespmem:s16+$0x10] =	vst v0  }
.Ltmp2:
0x24: {  	[tilespmem:s16+$0x20] =	vst v0;
	(pc) =	sbr.rel @p0 .LBB2_2-.Ltmp2, $4  }
0x25: {  	[tilespmem:s16+$0x30] =	vst v0  }
0x26: {  	[tilespmem:s16+$0x40] =	vst v0  }
0x27: {  	[tilespmem:s16+$0x50] =	vst v0  }
0x28: {  	[tilespmem:s16+$0x60] =	vst v0;
	s16 =	sshra.s32 s18, $0x2;
	s18 =	sadd.s32 $0x200, s18  }
0x29: {  	[tilespmem:s16+$0x70] =	vst v0  }
0x2a: {  	[tilespmem:s16+$0x0] =	vst v0  }
0x2b: {  	[tilespmem:s16+$0x10] =	vst v0  }
0x2c: {  	[tilespmem:s16+$0x20] =	vst v0  }
0x2d: {  	[tilespmem:s16+$0x30] =	vst v0  }
0x2e: {  	[tilespmem:s16+$0x40] =	vst v0  }
0x2f: {  	[tilespmem:s16+$0x50] =	vst v0  }
0x30: {  	[tilespmem:s16+$0x60] =	vst v0;
	s16 =	simm.s32 $0x0  }
0x31: {  	[spmem:s9] =	stream.linear.scatter [tilespmem:s16], [sflag:$0x7], $0x2800, $0x38;
	[tilespmem:$0x1E200] =	vst v63  }
0x32: {  	_ =	swait.ge [sflag:s26], $0x2800  }
0x33: {  	[sflag:s26] =	ssyncset.done $0x0  }
0x34: {  	s18 =	rddreg [dreg:$0x3];
	[sflag:s26] =	ssyncadd.s32 $0xFFFFD800  }
0x35: {  	[spmem:s18] =	stream.linear.scatter [tilespmem:s16], [sflag:$0x7], $0x2800, $0x38;
	[tilespmem:$0x1E200] =	vst v63  }
0x36: {  	_ =	swait.ge [sflag:s26], $0x2800  }
0x37: {  	[sflag:s26] =	ssyncset.done $0x0  }
0x38: {  	s21 =	rddreg [dreg:$0x4];
	[sflag:s26] =	ssyncadd.s32 $0xFFFFD800  }
0x39: {  	[spmem:s21] =	stream.linear.scatter [tilespmem:s16], [sflag:$0x7], $0x2800, $0x38;
	[tilespmem:$0x1E200] =	vst v63  }
0x3a: {  	_ =	swait.ge [sflag:s26], $0x2800  }
0x3b: {  	[sflag:s26] =	ssyncset.done $0x0  }
0x3c: {  	s19 =	rddreg [dreg:$0x5];
	[sflag:s26] =	ssyncadd.s32 $0xFFFFD800  }
0x3d: {  	[spmem:s19] =	stream.linear.scatter [tilespmem:s16], [sflag:$0x7], $0x2800, $0x38;
	[tilespmem:$0x1E200] =	vst v63  }
0x3e: {  	_ =	swait.ge [sflag:s26], $0x2800  }
0x3f: {  	[sflag:s26] =	ssyncset.done $0x0  }
0x40: {  	s20 =	rddreg [dreg:$0x6];
	[sflag:s26] =	ssyncadd.s32 $0xFFFFD800  }
0x41: {  	[spmem:s20] =	stream.linear.scatter [tilespmem:s16], [sflag:$0x7], $0x2800, $0x38;
	[tilespmem:$0x1E200] =	vst v63  }
0x42: {  	_ =	swait.ge [sflag:s26], $0x2800  }
0x43: {  	[sflag:s26] =	ssyncset.done $0x0  }
0x44: {  	s21 =	rddreg [dreg:$0x7];
	[sflag:s26] =	ssyncadd.s32 $0xFFFFD800  }
0x45: {  	[spmem:s21] =	stream.linear.scatter [tilespmem:s16], [sflag:$0x7], $0x2800, $0x38;
	[tilespmem:$0x1E200] =	vst v63  }
0x46: {  	_ =	swait.ge [sflag:s26], $0x2800  }
0x47: {  	[sflag:s26] =	ssyncset.done $0x0  }
0x48: {  	s19 =	rddreg [dreg:$0x8];
	[sflag:s26] =	ssyncadd.s32 $0xFFFFD800  }
0x49: {  	[spmem:s19] =	stream.linear.scatter [tilespmem:s16], [sflag:$0x7], $0x2800, $0x38;
	[tilespmem:$0x1E200] =	vst v63  }
0x4a: {  	_ =	swait.ge [sflag:s26], $0x2800  }
0x4b: {  	[sflag:s26] =	ssyncset.done $0x0  }
0x4c: {  	s20 =	rddreg [dreg:$0x9];
	[sflag:s26] =	ssyncadd.s32 $0xFFFFD800  }
0x4d: {  	[spmem:s20] =	stream.linear.scatter [tilespmem:s16], [sflag:$0x7], $0x2800, $0x38;
	[tilespmem:$0x1E200] =	vst v63  }
0x4e: {  	_ =	swait.ge [sflag:s26], $0x2800  }
0x4f: {  	[sflag:s26] =	ssyncset.done $0x0  }
0x50: {  	[sflag:s26] =	ssyncadd.s32 $0xFFFFD800  }
0x51: {  	[bflag:$0x0] =	sbarrier.arrive $0xFFFF  }
0x52: {  	s21 =	rddreg [dreg:$0xa]  }
0x53: {  	[tilespmem:s28], [sflag:$0x7] =	stream.linear.gather [hbm4b:s21+s16], $0x80, $0x38;
	[tilespmem:$0x1E200] =	vst v63  }
0x54: {  	_ =	swait.ge [sflag:s26], $0x80  }
0x55: {  	[sflag:s26] =	ssyncset.done $0x0  }
0x56: {  	s19 =	rddreg [dreg:$0xb];
	[sflag:s26] =	ssyncadd.s32 $0xFFFFFF80  }
0x57: {  	[tilespmem:s29], [sflag:$0x7] =	stream.linear.gather [hbm4b:s19+s16], $0x80, $0x38;
	[tilespmem:$0x1E200] =	vst v63  }
0x58: {  	_ =	swait.ge [sflag:s26], $0x80  }
0x59: {  	[sflag:s26] =	ssyncset.done $0x0  }
0x5a: {  	s20 =	rddreg [dreg:$0xc];
	[sflag:s26] =	ssyncadd.s32 $0xFFFFFF80  }
0x5b: {  	[tilespmem:s30], [sflag:$0x3] =	stream.linear.gather [hbm4b:s20+s16], $0x2800, $0x38;
	[tilespmem:$0x1E200] =	vst v63  }
0x5c: {  	_ = 	snop  }
0x5d: {  	[tilespmem:s16], [sflag:$0x1] =	stream.indirect.gather [hbm4b:s4+s31], $0x80, s28, s31, $0xb8;
	[tilespmem:$0x1E200] =	vst v63  }
.Ltmp3:
0x5e: {  	_ = 	snop;
	(pc) =	sbr.rel .LBB2_4-.Ltmp3, $4  }
0x5f: {  	s19 =	simm.s32 $0xA080;
	s21 =	rddreg [dreg:$0xd]  }
0x60: {  	[tilespmem:s19], [sflag:$0x6] =	stream.linear.gather [hbm4b:s21+s16], $0x80, $0x38;
	[tilespmem:$0x1E200] =	vst v63  }
0x61: {  	_ = 	snop  }
0x62: {  	[tilespmem:s0], [sflag:$0x6] =	stream.linear.gather [hbm4b:s22+s16], $0x80, $0x38;
	[tilespmem:$0x1E200] =	vst v63  }
.LBB2_10:
0x63: {  	v13 =	vmax.f32 v13, $0.0e+00;
	v6 =	vadd.f32 v6, v11;
	v63 =	vld [tilespmem:s18+$0x2870]  }
0x64: {  	v12 =	vmax.f32 v12, $0.0e+00;
	v5 =	vadd.f32 v5, v10;
	[tilespmem:s18+$0x2800] =	vst v13  }
0x65: {  	v4 =	vadd.f32 v4, v9;
	[tilespmem:s18+$0x2810] =	vst v12;
	v6 =	vmax.f32 v6, $0.0e+00  }
0x66: {  	v3 =	vadd.f32 v3, v8;
	v5 =	vmax.f32 v5, $0.0e+00;
	[tilespmem:s18+$0x2820] =	vst v6  }
0x67: {  	v2 =	vadd.f32 v2, v7;
	v4 =	vmax.f32 v4, $0.0e+00;
	[tilespmem:s18+$0x2830] =	vst v5  }
0x68: {  	v3 =	vmax.f32 v3, $0.0e+00;
	[tilespmem:s18+$0x2840] =	vst v4;
	v1 =	vadd.f32 v1, v63  }
0x69: {  	v2 =	vmax.f32 v2, $0.0e+00;
	[tilespmem:s18+$0x2850] =	vst v3  }
0x6a: {  	p0 =	sgt.u32 s16, $0x7A;
	[tilespmem:s18+$0x2860] =	vst v2;
	v1 =	vmax.f32 v1, $0.0e+00  }
0x6b: {  	[tilespmem:s18+$0x2870] =	vst v1;
	s18 =	sshll.u32 @!p0 s16, $0x7  }
0x6c: {  	[spmem:s1] =	stream.indirect.scatter.add.f32 [tilespmem:s14], [sflag:$0x7], $0x80, s0, s31, $0xb8;
	[tilespmem:$0x1E200] =	vst v63  }
0x6d: {  	s18 =	sadd.s32 @!p0 $0x100, s18  }
0x6e: {  	s19 =	sand.u32 @!p0 $0x7C00, s18  }
0x6f: {  	s18 =	sand.u32 @!p0 $0x380, s18;
	s19 =	sadd.s32 @!p0 s17, s19  }
0x70: {  	_ =	swait.ge [sflag:s26], $0x2800;
	s18 =	sor.u32 @!p0 s18, s19  }
0x71: {  	s20 =	simm.s32 @!p0 $0x0;
	[sflag:s26] =	ssyncset.done $0x0;
	s18 =	sshrl.u32 @!p0 s18, $0x3  }
0x72: {  	s21 =	simm.s32 @!p0 $0xA080;
	[sflag:s26] =	ssyncadd.s32 $0xFFFFD800;
	s19 =	sadd.s32 @!p0 s6, s18  }
0x73: {  	[tilespmem:s21], [sflag:$0x6] =	stream.linear.gather @!p0 [hbm4b:s19+s20], $0x80, $0x38;
	[tilespmem:$0x1E200] =	vst v63  }
0x74: {  	s18 =	sadd.s32 @!p0 s7, s18;
	s19 =	simm.s32 @!p0 $0xA180  }
0x75: {  	[tilespmem:s19], [sflag:$0x6] =	stream.linear.gather @!p0 [hbm4b:s18+s20], $0x80, $0x38;
	[tilespmem:$0x1E200] =	vst v63  }
.LBB2_11:
0x76: {  	s16 =	sadd.s32 $0x1, s16  }
0x77: {  	p0 =	sne.s32 s16, $0x7D  }
.Ltmp4:
0x78: {  	_ = 	snop;
	(pc) =	sbr.rel @!p0 .LBB2_12-.Ltmp4, $1  }
0x79: {  	_ =	sdelay $0x3  }
.LBB2_4:
0x7a: {  	s18 =	sand.u32 $0x1, s16  }
0x7b: {  	p0 =	seq.s32 s18, $0x1  }
.Ltmp5:
0x7c: {  	_ = 	snop;
	(pc) =	sbr.rel @p0 .LBB2_8-.Ltmp5, $1  }
0x7d: {  	_ =	sdelay $0x3  }
0x7e: {  	_ =	swait.ge [sflag:s2], $0x2800  }
0x7f: {  	[sflag:s2] =	ssyncset.done $0x0  }
0x80: {  	[sflag:s2] =	ssyncadd.s32 $0xFFFFD800  }
0x81: {  	s18 =	sor.u32 $0x1, s16;
	_ =	swait.ge [sflag:s10], $0x2800  }
0x82: {  	p0 =	sgt.u32 s18, $0x7C;
	[sflag:s10] =	ssyncset.done $0x0  }
0x83: {  	s19 =	simm.s32 @!p0 $0x6;
	[sflag:s10] =	ssyncadd.s32 $0xFFFFD800  }
0x84: {  	_ =	swait.ge @!p0 [sflag:s19], $0x80  }
0x85: {  	s18 =	smul.u32 @!p0 $0x50, s18;
	[sflag:s19] =	ssyncset.done @!p0 $0x0  }
0x86: {  	[sflag:s19] =	ssyncadd.s32 @!p0 $0xFFFFFF80  }
0x87: {  	s18 =	sadd.s32 @!p0 s8, s18;
	_ =	swait.ge @!p0 [sflag:s19], $0x80  }
0x88: {  	s20 =	simm.s32 @!p0 $0x7800;
	s18 =	sshll.u32 @!p0 s18, $0x4;
	[sflag:s19] =	ssyncset.done @!p0 $0x0  }
0x89: {  	s18 =	sadd.s32 @!p0 s5, s18;
	[sflag:s19] =	ssyncadd.s32 @!p0 $0xFFFFFF80;
	s19 =	simm.s32 @!p0 $0x0  }
0x8a: {  	[tilespmem:s20], [sflag:$0x4] =	stream.linear.gather @!p0 [hbm4b:s18+s19], $0x2800, $0x38;
	[tilespmem:$0x1E200] =	vst v63  }
0x8b: {  	s18 =	simm.s32 @!p0 $0x50;
	s19 =	simm.s32 @!p0 $0xA080;
	s20 =	simm.s32 @!p0 $0x2800  }
0x8c: {  	[tilespmem:s20], [sflag:$0x2] =	stream.indirect.gather @!p0 [hbm4b:s4+s18], $0x80, s19, s18, $0xb8;
	[tilespmem:$0x1E200] =	vst v63  }
0x8d: {  	s18 =	simm.s32 $0x0  }
0x8e: {  	v7 =	vld [tilespmem:s18+$0x5000]  }
0x8f: {  	v12 =	vld [tilespmem:s18+$0x5010]  }
0x90: {  	v6 =	vld [tilespmem:s18+$0x5020]  }
0x91: {  	v5 =	vld [tilespmem:s18+$0x5030]  }
0x92: {  	v4 =	vld [tilespmem:s18+$0x5040]  }
0x93: {  	v3 =	vld [tilespmem:s18+$0x5050]  }
0x94: {  	v2 =	vld [tilespmem:s18+$0x5060]  }
0x95: {  	v1 =	vld [tilespmem:s18+$0x5070]  }
0x96: {  	v13 =	vld [tilespmem:s18+$0x0]  }
0x97: {  	v14 =	vld [tilespmem:s18+$0x10]  }
0x98: {  	v11 =	vld [tilespmem:s18+$0x20]  }
0x99: {  	v10 =	vld [tilespmem:s18+$0x30]  }
0x9a: {  	v9 =	vld [tilespmem:s18+$0x40]  }
0x9b: {  	v8 =	vld [tilespmem:s18+$0x50];
	v13 =	vadd.f32 v7, v13  }
0x9c: {  	s19 =	simm.s32 $0x200;
	v12 =	vadd.f32 v12, v14;
	v7 =	vld [tilespmem:s18+$0x60]  }
.LBB2_6:
0x9d: {  	s20 =	sshra.s32 s19, $0x2;
	p0 =	sne.s32 s19, $0x9E00;
	v13 =	vmax.f32 v13, $0.0e+00;
	v6 =	vadd.f32 v6, v11;
	v11 =	vld [tilespmem:s18+$0x70]  }
0x9e: {  	v14 =	vld [tilespmem:s20+$0x5000];
	[tilespmem:s18+$0x0] =	vst v13;
	v12 =	vmax.f32 v12, $0.0e+00;
	v5 =	vadd.f32 v5, v10  }
0x9f: {  	v15 =	vld [tilespmem:s20+$0x5010];
	[tilespmem:s18+$0x10] =	vst v12;
	v10 =	vmax.f32 v6, $0.0e+00;
	v4 =	vadd.f32 v4, v9  }
0xa0: {  	v6 =	vld [tilespmem:s20+$0x5020];
	[tilespmem:s18+$0x20] =	vst v10;
	v9 =	vmax.f32 v5, $0.0e+00;
	v3 =	vadd.f32 v3, v8  }
0xa1: {  	v5 =	vld [tilespmem:s20+$0x5030];
	[tilespmem:s18+$0x30] =	vst v9;
	v8 =	vmax.f32 v4, $0.0e+00;
	v2 =	vadd.f32 v2, v7  }
0xa2: {  	v4 =	vld [tilespmem:s20+$0x5040];
	[tilespmem:s18+$0x40] =	vst v8;
	v7 =	vmax.f32 v3, $0.0e+00;
	v1 =	vadd.f32 v1, v11  }
0xa3: {  	v3 =	vld [tilespmem:s20+$0x5050];
	[tilespmem:s18+$0x50] =	vst v7;
	v7 =	vmax.f32 v2, $0.0e+00  }
0xa4: {  	v2 =	vld [tilespmem:s20+$0x5060];
	[tilespmem:s18+$0x60] =	vst v7;
	v7 =	vmax.f32 v1, $0.0e+00  }
0xa5: {  	v1 =	vld [tilespmem:s20+$0x5070];
	[tilespmem:s18+$0x70] =	vst v7;
	s18 =	smov.u32 s20  }
0xa6: {  	v7 =	vld [tilespmem:s18+$0x0]  }
0xa7: {  	v12 =	vld [tilespmem:s18+$0x10]  }
.Ltmp6:
0xa8: {  	v11 =	vld [tilespmem:s18+$0x20];
	(pc) =	sbr.rel @p0 .LBB2_6-.Ltmp6, $4  }
0xa9: {  	v10 =	vld [tilespmem:s18+$0x30]  }
0xaa: {  	v9 =	vld [tilespmem:s18+$0x40]  }
0xab: {  	v13 =	vadd.f32 v14, v7;
	v8 =	vld [tilespmem:s18+$0x50]  }
0xac: {  	s19 =	sadd.s32 $0x200, s19;
	v12 =	vadd.f32 v15, v12;
	v7 =	vld [tilespmem:s18+$0x60]  }
0xad: {  	v13 =	vmax.f32 v13, $0.0e+00;
	v6 =	vadd.f32 v6, v11;
	v63 =	vld [tilespmem:s18+$0x70]  }
0xae: {  	[tilespmem:s18+$0x0] =	vst v13;
	v12 =	vmax.f32 v12, $0.0e+00;
	v5 =	vadd.f32 v5, v10  }
0xaf: {  	[tilespmem:s18+$0x10] =	vst v12;
	v6 =	vmax.f32 v6, $0.0e+00;
	v4 =	vadd.f32 v4, v9  }
0xb0: {  	[tilespmem:s18+$0x20] =	vst v6;
	v5 =	vmax.f32 v5, $0.0e+00;
	v3 =	vadd.f32 v3, v8  }
0xb1: {  	[tilespmem:s18+$0x30] =	vst v5;
	v4 =	vmax.f32 v4, $0.0e+00;
	v2 =	vadd.f32 v2, v7  }
0xb2: {  	[tilespmem:s18+$0x40] =	vst v4;
	v3 =	vmax.f32 v3, $0.0e+00;
	v1 =	vadd.f32 v1, v63  }
0xb3: {  	[tilespmem:s18+$0x50] =	vst v3;
	v2 =	vmax.f32 v2, $0.0e+00  }
0xb4: {  	p0 =	sgt.u32 s16, $0x7A;
	[tilespmem:s18+$0x60] =	vst v2;
	v1 =	vmax.f32 v1, $0.0e+00  }
0xb5: {  	[tilespmem:s18+$0x70] =	vst v1;
	s18 =	sshll.u32 @!p0 s16, $0x7  }
0xb6: {  	[spmem:s1] =	stream.indirect.scatter.add.f32 [tilespmem:s3], [sflag:$0x7], $0x80, s29, s31, $0xb8;
	[tilespmem:$0x1E200] =	vst v63  }
0xb7: {  	s18 =	sadd.s32 @!p0 $0x100, s18  }
0xb8: {  	s19 =	sand.u32 @!p0 $0x7C00, s18  }
0xb9: {  	s18 =	sand.u32 @!p0 $0x300, s18;
	s19 =	sadd.s32 @!p0 s17, s19  }
0xba: {  	s20 =	simm.s32 @!p0 $0x0;
	_ =	swait.ge [sflag:s26], $0x2800;
	s18 =	sor.u32 @!p0 s18, s19  }
.Ltmp7:
0xbb: {  	[sflag:s26] =	ssyncset.done $0x0;
	s18 =	sshrl.u32 @!p0 s18, $0x3;
	(pc) =	sbr.rel .LBB2_11-.Ltmp7, $4  }
0xbc: {  	s21 =	simm.s32 @!p0 $0xA000;
	[sflag:s26] =	ssyncadd.s32 $0xFFFFD800;
	s19 =	sadd.s32 @!p0 s6, s18  }
0xbd: {  	[tilespmem:s21], [sflag:$0x5] =	stream.linear.gather @!p0 [hbm4b:s19+s20], $0x80, $0x38;
	[tilespmem:$0x1E200] =	vst v63  }
0xbe: {  	s18 =	sadd.s32 @!p0 s7, s18;
	s19 =	simm.s32 @!p0 $0xA100  }
0xbf: {  	[tilespmem:s19], [sflag:$0x5] =	stream.linear.gather @!p0 [hbm4b:s18+s20], $0x80, $0x38;
	[tilespmem:$0x1E200] =	vst v63  }
.LBB2_8:
0xc0: {  	_ =	swait.ge [sflag:s11], $0x2800  }
0xc1: {  	[sflag:s11] =	ssyncset.done $0x0  }
0xc2: {  	[sflag:s11] =	ssyncadd.s32 $0xFFFFD800  }
0xc3: {  	_ =	swait.ge [sflag:s12], $0x2800  }
0xc4: {  	[sflag:s12] =	ssyncset.done $0x0  }
0xc5: {  	[sflag:s12] =	ssyncadd.s32 $0xFFFFD800  }
0xc6: {  	_ =	swait.ge [sflag:s13], $0x80  }
0xc7: {  	s18 =	smul.u32 $0x50, s16;
	[sflag:s13] =	ssyncset.done $0x0  }
0xc8: {  	[sflag:s13] =	ssyncadd.s32 $0xFFFFFF80  }
0xc9: {  	s18 =	sadd.s32 s18, s23;
	_ =	swait.ge [sflag:s13], $0x80  }
0xca: {  	s18 =	sshll.u32 s18, $0x4;
	[sflag:s13] =	ssyncset.done $0x0  }
0xcb: {  	s19 =	simm.s32 $0x0;
	s18 =	sadd.s32 s5, s18;
	[sflag:s13] =	ssyncadd.s32 $0xFFFFFF80  }
0xcc: {  	[tilespmem:s30], [sflag:$0x3] =	stream.linear.gather [hbm4b:s18+s19], $0x2800, $0x38;
	[tilespmem:$0x1E200] =	vst v63  }
0xcd: {  	s18 =	simm.s32 $0x0  }
0xce: {  	[tilespmem:s19], [sflag:$0x1] =	stream.indirect.gather [hbm4b:s4+s31], $0x80, s28, s31, $0xb8;
	[tilespmem:$0x1E200] =	vst v63  }
0xcf: {  	v7 =	vld [tilespmem:s18+$0x7800]  }
0xd0: {  	v12 =	vld [tilespmem:s18+$0x7810]  }
0xd1: {  	v6 =	vld [tilespmem:s18+$0x7820]  }
0xd2: {  	v5 =	vld [tilespmem:s18+$0x7830]  }
0xd3: {  	v4 =	vld [tilespmem:s18+$0x7840]  }
0xd4: {  	v3 =	vld [tilespmem:s18+$0x7850]  }
0xd5: {  	v2 =	vld [tilespmem:s18+$0x7860]  }
0xd6: {  	v1 =	vld [tilespmem:s18+$0x7870]  }
0xd7: {  	v13 =	vld [tilespmem:s18+$0x2800]  }
0xd8: {  	v14 =	vld [tilespmem:s18+$0x2810]  }
0xd9: {  	v11 =	vld [tilespmem:s18+$0x2820]  }
0xda: {  	v10 =	vld [tilespmem:s18+$0x2830]  }
0xdb: {  	v9 =	vld [tilespmem:s18+$0x2840]  }
0xdc: {  	v8 =	vld [tilespmem:s18+$0x2850];
	v13 =	vadd.f32 v7, v13  }
0xdd: {  	s19 =	simm.s32 $0x200;
	v12 =	vadd.f32 v12, v14;
	v7 =	vld [tilespmem:s18+$0x2860]  }
.LBB2_9:
0xde: {  	s20 =	sshra.s32 s19, $0x2;
	p0 =	sne.s32 s19, $0x9E00;
	v13 =	vmax.f32 v13, $0.0e+00;
	v6 =	vadd.f32 v6, v11;
	v11 =	vld [tilespmem:s18+$0x2870]  }
0xdf: {  	v12 =	vmax.f32 v12, $0.0e+00;
	v5 =	vadd.f32 v5, v10;
	v14 =	vld [tilespmem:s20+$0x7800];
	[tilespmem:s18+$0x2800] =	vst v13  }
0xe0: {  	v4 =	vadd.f32 v4, v9;
	v15 =	vld [tilespmem:s20+$0x7810];
	[tilespmem:s18+$0x2810] =	vst v12;
	v10 =	vmax.f32 v6, $0.0e+00  }
0xe1: {  	v3 =	vadd.f32 v3, v8;
	v9 =	vmax.f32 v5, $0.0e+00;
	v6 =	vld [tilespmem:s20+$0x7820];
	[tilespmem:s18+$0x2820] =	vst v10  }
0xe2: {  	v2 =	vadd.f32 v2, v7;
	v8 =	vmax.f32 v4, $0.0e+00;
	v5 =	vld [tilespmem:s20+$0x7830];
	[tilespmem:s18+$0x2830] =	vst v9  }
0xe3: {  	v7 =	vmax.f32 v3, $0.0e+00;
	v4 =	vld [tilespmem:s20+$0x7840];
	[tilespmem:s18+$0x2840] =	vst v8;
	v1 =	vadd.f32 v1, v11  }
0xe4: {  	v3 =	vld [tilespmem:s20+$0x7850];
	[tilespmem:s18+$0x2850] =	vst v7;
	v7 =	vmax.f32 v2, $0.0e+00  }
0xe5: {  	v2 =	vld [tilespmem:s20+$0x7860];
	[tilespmem:s18+$0x2860] =	vst v7;
	v7 =	vmax.f32 v1, $0.0e+00  }
0xe6: {  	v1 =	vld [tilespmem:s20+$0x7870];
	[tilespmem:s18+$0x2870] =	vst v7;
	s18 =	smov.u32 s20  }
0xe7: {  	v7 =	vld [tilespmem:s18+$0x2800]  }
0xe8: {  	v12 =	vld [tilespmem:s18+$0x2810]  }
.Ltmp8:
0xe9: {  	v11 =	vld [tilespmem:s18+$0x2820];
	(pc) =	sbr.rel @p0 .LBB2_9-.Ltmp8, $4  }
0xea: {  	v10 =	vld [tilespmem:s18+$0x2830]  }
0xeb: {  	v9 =	vld [tilespmem:s18+$0x2840]  }
0xec: {  	v13 =	vadd.f32 v14, v7;
	v8 =	vld [tilespmem:s18+$0x2850]  }
0xed: {  	s19 =	sadd.s32 $0x200, s19;
	v12 =	vadd.f32 v15, v12;
	v7 =	vld [tilespmem:s18+$0x2860]  }
.Ltmp9:
0xee: {  	_ = 	snop;
	(pc) =	sbr.rel .LBB2_10-.Ltmp9, $1  }
0xef: {  	_ =	sdelay $0x3  }
.LBB2_13:
0xf0: {  	_ =	sfence.sel $0x180000  }
0xf1: {  	[bflag:$0x0] =	sbarrier.arrive $0xFFFF  }
0xf2: {  	_ =	strace $0x9000004A  }
0xf3: {  	s0 =	stileid.u32;
	[bflag:$0x2] =	sbarrier.arrive $0xFFFF  }
0xf4: {  	p0 =	sne.s32 s0, $0x0;
	s0 =	rddreg [dreg:$0x2]  }
0xf5: {  	s0 =	sadd.s32 @!p0 $0x100000, s0  }
0xf6: {  	[sflag:s0] =	ssyncadd.tile.s32 @!p0 $0x1;
	_ =	shalt  }
.Lfunc_end2:
_tile_overlayer_lowered:
.L_overlay_start_2:
0xf7: {  	(tag) =	ssettag $0x2  }
0xf8: {  	s0 =	rddreg [dreg:$0x0];
	s2 =	stileid.u32  }
0xf9: {  	s1 =	rddreg [dreg:$0x1];
	p0 =	sne.s32 s2, $0x0  }
0xfa: {  	s3 =	rddreg [dreg:$0x2];
	[bflag:$0x3] =	sbarrier.arrive $0xFFFF;
	s2 =	simm.s32 @!p0 $0x1C07  }
0xfb: {  	[timem:s3], [sflag:s2] =	dma.local @!p0 [hbm:s0], s1  }
0xfc: {  	s0 =	simm.s32 @!p0 $0x7  }
0xfd: {  	_ =	swait.ge @!p0 [sflag:s0], s1  }
0xfe: {  	s1 =	ssub.s32 @!p0 $0x0, s1;
	[sflag:s0] =	ssyncset.done @!p0 $0x0  }
0xff: {  	[sflag:s0] =	ssyncadd.s32 @!p0 s1  }
0x100: {  	[bflag:$0x3] =	sbarrier.arrive $0xFFFF  }
0x101: {  	_ =	shalt  }

// kernel: kernel.8.cloned.1.call-start
scs
__scs_entry_jumppad:
0x0: {  	(pc) =	sbr.rel $0x88, $3  }
0x1: {  	(tag) =	ssettag $0x0;
	lr =	simm.s32 $0x1  }
0x2: {  	[smem:$0x3F93] =	sst lr;
	_ =	strace $0xD0000000  }
0x3: {  	_ = 	snop  }
0x4: {  	_ = 	snop  }
0x5: {  	_ = 	snop  }
0x6: {  	_ = 	snop  }
0x7: {  	_ = 	snop  }
__scs_overlays_trampoline_lowered:
0x8: {  	[smem:$0x3FA2] =	sst s0  }
0x9: {  	[smem:$0x3FA3] =	sst s1  }
0xa: {  	[smem:$0x3FA4] =	sst s2  }
0xb: {  	[smem:$0x3FA5] =	sst s3  }
0xc: {  	[smem:$0x3FA6] =	sst s4  }
0xd: {  	[smem:$0x3FA7] =	sst s5  }
0xe: {  	[smem:$0x3FA8] =	sst s6  }
0xf: {  	[smem:$0x3FA9] =	sst s7  }
0x10: {  	[smem:$0x3FAA] =	sst s8  }
0x11: {  	[smem:$0x3FAB] =	sst s9;
	s0 =	simm.s32 @!p0 $0x0  }
0x12: {  	s1 =	sld [smem:$0x3F91];
	s0 =	simm.s32 @p0 $0x1  }
0x13: {  	[smem:$0x3FAC] =	sst s0;
	s0 =	simm.s32 @!p1 $0x0  }
0x14: {  	s2 =	sld [smem:$0x3F90];
	s0 =	simm.s32 @p1 $0x1  }
0x15: {  	[smem:$0x3FAD] =	sst s0;
	s0 =	simm.s32 @!p2 $0x0  }
0x16: {  	s3 =	sld [smem:$0x3FDB];
	s0 =	simm.s32 @p2 $0x1  }
0x17: {  	s4 =	simm.s32 $0x1BF5;
	[smem:$0x3FAF] =	sst s0  }
0x18: {  	s0 =	sld [smem:$0x3F92];
	_ =	swait.ge [sflag:s4], $0x0  }
0x19: {  	s7 =	sld [smem:$0x3F93]  }
0x1a: {  	s8 =	sadd.s32 $0xFFFFE003, lr  }
0x1b: {  	s9 =	sadd.s32 $0xFFFFFEF7, lr;
	s5 =	simm.s32 $0xFFFFFFFF;
	p2 =	slt.u32 s8, $0xFFFFF086  }
0x1c: {  	p1 =	slt.u32 s9, $0xF7A;
	s5 =	simm.s32 @!p2 $0x0  }
0x1d: {  	s5 =	simm.s32 @p1 $0x1;
	p0 =	seq.s32 s7, s2  }
0x1e: {  	s7 =	smul.u32 @!p0 $0xF7A, s2;
	p2 =	seq.s32 @!p0 s5, $0x0  }
0x1f: {  	s9 =	smul.u32 $0xF7A, s1;
	s8 =	simm.s32 @!p0 $0x1BF5;
	p2 =	por !p2, p0  }
0x20: {  	[sflag:s8] =	ssyncset.s32 @!p0 $0xFFFFF086;
	s6 =	sadd.s32 @!p0 s3, s7;
	s7 =	simm.s32 @!p0 $0x108  }
0x21: {  	s3 =	sadd.s32 s3, s9;
	s6 =	sadd.s32 @!p0 $0x88, s6;
	s7 =	simm.s32 @p2 $0x1082  }
0x22: {  	[simem:s7], [sflag:s8] =	dma.local @!p0 [hbm:s6], $0xF7A  }
0x23: {  	s9 =	sor.u32 $0xD0000000, s2;
	s6 =	simm.s32 $0x108;
	_ =	swait.ge @!p0 [sflag:s8], $0x0  }
0x24: {  	s3 =	sadd.s32 $0x88, s3;
	s6 =	simm.s32 @!p1 $0x1082;
	[sflag:s4] =	ssyncset.s32 $0xFFFFF086  }
0x25: {  	[simem:s6], [sflag:s4] =	dma.local [hbm:s3], $0xF7A  }
0x26: {  	[smem:$0x3F93] =	sst s1;
	(tag) =	ssettag s2;
	_ =	strace s9  }
0x27: {  	s1 =	sld [smem:$0x3FA3]  }
0x28: {  	s2 =	sld [smem:$0x3FA4]  }
0x29: {  	s4 =	sld [smem:$0x3FA6]  }
0x2a: {  	p0 =	seq.s32 s5, $0x0;
	s5 =	sld [smem:$0x3FA7]  }
0x2b: {  	s6 =	sld [smem:$0x3FA8]  }
0x2c: {  	s7 =	sld [smem:$0x3FA9]  }
0x2d: {  	s3 =	simm.s32 $0x108;
	s8 =	sld [smem:$0x3FAA]  }
0x2e: {  	s3 =	simm.s32 @!p0 $0x1082;
	s9 =	sld [smem:$0x3FAB]  }
0x2f: {  	lr =	sadd.s32 s0, s3;
	s0 =	sld [smem:$0x3FA2]  }
0x30: {  	s3 =	sld [smem:$0x3FA5]  }
0x31: {  	[smem:$0x3FAE] =	sst s10  }
0x32: {  	s10 =	sld [smem:$0x3FAC];
	_ =	sdelay $0x3  }
0x33: {  	p0 =	seq.s32 s10, $0x1;
	s10 =	sld [smem:$0x3FAE];
	_ =	sdelay $0x3  }
0x34: {  	[smem:$0x3FAE] =	sst s10  }
0x35: {  	s10 =	sld [smem:$0x3FAD];
	_ =	sdelay $0x3  }
0x36: {  	p1 =	seq.s32 s10, $0x1;
	s10 =	sld [smem:$0x3FAE];
	_ =	sdelay $0x3  }
0x37: {  	[smem:$0x3FAE] =	sst s10  }
0x38: {  	s10 =	sld [smem:$0x3FAF]  }
0x39: {  	_ = 	snop;
	(pc) =	sbr.ind lr, $3  }
0x3a: {  	_ = 	snop  }
0x3b: {  	_ = 	snop  }
0x3c: {  	p2 =	seq.s32 s10, $0x1;
	s10 =	sld [smem:$0x3FAE]  }
0x3d: {  	_ =	shalt  }
0x3e: {  	_ =	shalt  }
0x3f: {  	_ =	shalt  }
0x40: {  	_ =	shalt  }
0x41: {  	_ =	shalt  }
0x42: {  	_ =	shalt  }
0x43: {  	_ =	shalt  }
0x44: {  	_ =	shalt  }
0x45: {  	_ =	shalt  }
0x46: {  	_ =	shalt  }
0x47: {  	_ =	shalt  }
0x48: {  	_ =	shalt  }
0x49: {  	_ =	shalt  }
0x4a: {  	_ =	shalt  }
0x4b: {  	_ =	shalt  }
0x4c: {  	_ =	shalt  }
0x4d: {  	_ =	shalt  }
0x4e: {  	_ =	shalt  }
0x4f: {  	_ =	shalt  }
0x50: {  	_ =	shalt  }
0x51: {  	_ =	shalt  }
0x52: {  	_ =	shalt  }
0x53: {  	_ =	shalt  }
0x54: {  	_ =	shalt  }
0x55: {  	_ =	shalt  }
0x56: {  	_ =	shalt  }
0x57: {  	_ =	shalt  }
0x58: {  	_ =	shalt  }
0x59: {  	_ =	shalt  }
0x5a: {  	_ =	shalt  }
0x5b: {  	_ =	shalt  }
0x5c: {  	_ =	shalt  }
0x5d: {  	_ =	shalt  }
0x5e: {  	_ =	shalt  }
0x5f: {  	_ =	shalt  }
0x60: {  	_ =	shalt  }
0x61: {  	_ =	shalt  }
0x62: {  	_ =	shalt  }
0x63: {  	_ =	shalt  }
0x64: {  	_ =	shalt  }
0x65: {  	_ =	shalt  }
0x66: {  	_ =	shalt  }
0x67: {  	_ =	shalt  }
0x68: {  	_ =	shalt  }
0x69: {  	_ =	shalt  }
0x6a: {  	_ =	shalt  }
0x6b: {  	_ =	shalt  }
0x6c: {  	_ =	shalt  }
0x6d: {  	_ =	shalt  }
0x6e: {  	_ =	shalt  }
0x6f: {  	_ =	shalt  }
0x70: {  	_ =	shalt  }
0x71: {  	_ =	shalt  }
0x72: {  	_ =	shalt  }
0x73: {  	_ =	shalt  }
0x74: {  	_ =	shalt  }
0x75: {  	_ =	shalt  }
0x76: {  	_ =	shalt  }
0x77: {  	_ =	shalt  }
0x78: {  	_ =	shalt  }
0x79: {  	_ =	shalt  }
0x7a: {  	_ =	shalt  }
0x7b: {  	_ =	shalt  }
0x7c: {  	_ =	shalt  }
0x7d: {  	_ =	shalt  }
0x7e: {  	_ =	shalt  }
0x7f: {  	_ =	shalt  }
0x80: {  	_ =	shalt  }
0x81: {  	_ =	shalt  }
0x82: {  	_ =	shalt  }
0x83: {  	_ =	shalt  }
0x84: {  	_ =	shalt  }
0x85: {  	_ =	shalt  }
0x86: {  	_ =	shalt  }
0x87: {  	_ =	shalt  }
.Lfunc_end0:
.L_simem_size_0:
called_computation_lowered:
.L_overlay_start_0:
0x88: {  	s2 =	sld [smem:$0x3FD9]  }
0x89: {  	s3 =	sld [smem:$0x3FFE];
	_ =	sdelay $0x1  }
0x8a: {  	s1 =	srdreg.scid  }
0x8b: {  	s0 =	sand.u32 $0x1, s1  }
0x8c: {  	s16 =	sshll.u32 s0, $0xA;
	s2 =	sadd.s32 s3, s2  }
0x8d: {  	s2 =	sadd.s32 s2, s16  }
0x8e: {  	[smem:$0x3FBA] =	sst s2  }
0x8f: {  	_ = 	snop  }
0x90: {  	(tm) =	ssettm $0x1  }
0x91: {  	s17 =	sld [smem:$0x3FFB];
	_ =	sdelay $0x3  }
0x92: {  	_ =	strace s17  }
0x93: {  	s2 =	sld [smem:$0x3FFC];
	_ =	sdelay $0x3  }
0x94: {  	_ =	strace s2  }
0x95: {  	s2 =	sld [smem:$0x3FFD];
	_ =	sdelay $0x3  }
0x96: {  	_ =	strace s2  }
0x97: {  	_ =	strace $0x8FFFFFFF  }
0x98: {  	s18 =	sld [smem:$0x3FDB];
	_ =	sdelay $0x1  }
0x99: {  	s19 =	simm.s32 $_scs_section_size  }
0x9a: {  	s4 =	simm.s32 $_size__tile_overlayer_lowered;
	s5 =	simm.s32 $_tile_overlayer_lowered  }
0x9b: {  	s22 =	simm.s32 $0x1BFF;
	s21 =	sshll.u32 s5, $0x1;
	s2 =	sadd.s32 s19, s18  }
0x9c: {  	s6 =	simm.s32 $0x0;
	s20 =	sshll.u32 s4, $0x1;
	s4 =	sadd.s32 s21, s2  }
0x9d: {  	[timem:s6], [sflag:s22] =	dma.local [hbm:s4], s20  }
0x9e: {  	_ =	swait.ge [sflag:s22], s20  }
0x9f: {  	s3 =	ssub.s32 $0x0, s20;
	[sflag:s22] =	ssyncset.done $0x0  }
0xa0: {  	[sflag:s22] =	ssyncadd.s32 s3;
	_ =	sdelay $0x1  }
0xa1: {  	s23 =	simm.s32 $0x1B8B  }
0xa2: {  	_ =	swait.ge [sflag:s23], $0x1  }
0xa3: {  	[sflag:s23] =	ssyncset.done $0x0  }
0xa4: {  	s25 =	simm.s32 $0x1B8E;
	s24 =	sld [smem:$0x3FFE];
	[sflag:s23] =	ssyncadd.s32 $0xFFFFFFFF  }
0xa5: {  	s26 =	simm.s32 $execute0_lowered;
	[smem:$0x3FD2] =	sst s25  }
0xa6: {  	s4 =	sshll.u32 s26, $0x1;
	_ =	strace $0x80000046;
	[dreg:$0x1] =	wrdreg $0xFFFFFFFF  }
0xa7: {  	s28 =	simm.s32 $_size_execute0_lowered;
	s2 =	sadd.s32 s2, s4;
	[dreg:$0x0] =	wrdreg $0x0  }
0xa8: {  	s4 =	sshll.u32 s28, $0x1;
	[dreg:$0x2] =	wrdreg s2  }
0xa9: {  	[dreg:$0x3] =	wrdreg s4  }
0xaa: {  	[dreg:$0x4] =	wrdreg $0xC0  }
0xab: {  	_ =	task [dreg:s6], $0x5FFFF  }
0xac: {  	[dreg:$0x1] =	wrdreg $0xFFFFFFFF  }
0xad: {  	[dreg:$0x0] =	wrdreg $0x60  }
0xae: {  	[dreg:$0x2] =	wrdreg s24  }
0xaf: {  	[dreg:$0x3] =	wrdreg $0x51000  }
0xb0: {  	[dreg:$0x4] =	wrdreg $0x9  }
0xb1: {  	_ =	task.clear_ibuf [dreg:s6], $0x5FFFF;
	_ =	strace $0x90000046  }
0xb2: {  	s29 =	simm.s32 $0x9;
	_ =	strace $0x80000048  }
0xb3: {  	_ =	swait.ge [sflag:s29], $0x1  }
0xb4: {  	[sflag:s29] =	ssyncadd.s32 $0xFFFFFFFF  }
0xb5: {  	_ =	strace $0x90000048  }
0xb6: {  	_ =	sfence  }
0xb7: {  	s30 =	sld [smem:$0x0];
	_ =	sdelay $0x2  }
0xb8: {  	s31 =	sshll.u32 s1, $0xD;
	s1 =	sshrl.u32 s1, $0x2  }
0xb9: {  	s3 =	sand.u32 $0x4000, s31;
	s1 =	sadd.s32 s1, s30  }
0xba: {  	s0 =	sor.u32 s3, s0;
	s1 =	sshll.u32 s1, $0x11  }
0xbb: {  	s0 =	sor.u32 s1, s0  }
0xbc: {  	s0 =	sadd.s32 $0x8F2B, s0  }
0xbd: {  	[sflag:s0] =	ssyncadd.remote.s32 $0x1  }
0xbe: {  	_ =	sfence.sel $0xFFFF  }
0xbf: {  	[dreg:$0x0] =	wrdreg $0xFFFFFFFF;
	(pc) =	sbr.abs _section_cstart, $3  }
0xc0: {  	[dreg:$0x1] =	wrdreg $0xFFFFFFFF  }
0xc1: {  	_ =	task.clear_ibuf [dreg:s6], $0x2FFFF;
	_ =	strace $0x9FFFFFFF  }
0xc2: {  	(tm) =	ssettm $0x7FFFFFFF  }
0xc3: {  	_ =	shalt  }
tec
execute0_lowered:
.L_overlay_start_1:
0x0: {  	(tag) =	ssettag $0x1  }
0x1: {  	s0 =	rddreg [dreg:$0x0];
	s29 =	stileid.u32  }
0x2: {  	s1 =	srdreg.scid;
	s5 =	smul.u32 $0x14000, s29  }
0x3: {  	s2 =	rddreg [dreg:$0x1];
	s3 =	simm.s32 $0x0;
	s6 =	smul.u32 $0x50000, s29  }
0x4: {  	s23 =	simm.s32 $0x0;
	s13 =	sand.u32 $0x1, s1;
	s19 =	smul.u32 $0x27100, s29  }
0x5: {  	[smem:$0x7FF] =	sst s3;
	s16 =	sadd.s32 $0x9C7E00, s0;
	s4 =	smul.u32 $0x140000, s13  }
0x6: {  	_ =	strace $0x80000047;
	s30 =	ssub.s32 $0x2, s13;
	s8 =	sshll.u32 s13, $0x4  }
0x7: {  	s17 =	smul.u32 $0x271000, s13;
	s7 =	sshrl.u32 s30, $0x1;
	s6 =	sshrl.u32 s6, $0x2  }
0x8: {  	s14 =	sor.u32 s29, s8;
	s4 =	sadd.s32 s5, s4;
	s18 =	ssub.s32 s30, s7  }
0x9: {  	s15 =	smul.u32 $0x27100, s14;
	s13 =	sshll.u32 s14, $0xE;
	s14 =	sshll.u32 s14, $0xB  }
0xa: {  	s20 =	sadd.s32 s17, s16;
	s5 =	sshrl.u32 s4, $0x3;
	s4 =	sadd.s32 $0xDE00, s0  }
0xb: {  	s31 =	sadd.s32 s19, s20;
	s18 =	smax.u32 s18, $0x1;
	s20 =	simm.s32 $0x5  }
0xc: {  	s0 =	sadd.s32 s5, s0;
	s5 =	sadd.s32 s6, s2;
	s14 =	sadd.s32 s4, s14  }
0xd: {  	s15 =	sadd.s32 s16, s15;
	s19 =	sadd.s32 $0x500, s31;
	s6 =	sadd.s32 $0x2800, s5  }
0xe: {  	s7 =	sadd.s32 $0x5000, s5;
	s8 =	sadd.s32 $0x7800, s5;
	s9 =	sadd.s32 $0xA000, s5  }
0xf: {  	s10 =	sadd.s32 $0xC800, s5;
	s11 =	sadd.s32 $0xF000, s5;
	s12 =	sadd.s32 $0x11800, s5  }
0x10: {  	v0 =	vimm.f32 $0.0e+00;
	s16 =	sadd.s32 $0x10, s14;
	s17 =	sadd.s32 $0x1DE00, s0;
	[dreg:$0x3] =	wrdreg s6  }
.LBB2_1:
0x11: {  	s0 =	simm.s32 $0x0;
	s21 =	simm.s32 $0x200  }
.LBB2_2:
0x12: {  	p0 =	sne.s32 s21, $0x9E00;
	[tilespmem:s0+$0x70] =	vst v0  }
0x13: {  	[tilespmem:s0+$0x0] =	vst v0  }
0x14: {  	[tilespmem:s0+$0x10] =	vst v0  }
.Ltmp0:
0x15: {  	[tilespmem:s0+$0x20] =	vst v0;
	(pc) =	sbr.rel @p0 .LBB2_2-.Ltmp0, $4  }
0x16: {  	[tilespmem:s0+$0x30] =	vst v0  }
0x17: {  	[tilespmem:s0+$0x40] =	vst v0  }
0x18: {  	[tilespmem:s0+$0x50] =	vst v0  }
0x19: {  	[tilespmem:s0+$0x60] =	vst v0;
	s0 =	sshra.s32 s21, $0x2;
	s21 =	sadd.s32 $0x200, s21  }
0x1a: {  	[tilespmem:s0+$0x70] =	vst v0  }
0x1b: {  	[tilespmem:s0+$0x0] =	vst v0  }
0x1c: {  	[tilespmem:s0+$0x10] =	vst v0  }
0x1d: {  	[tilespmem:s0+$0x20] =	vst v0  }
0x1e: {  	[tilespmem:s0+$0x30] =	vst v0  }
0x1f: {  	[tilespmem:s0+$0x40] =	vst v0  }
0x20: {  	[tilespmem:s0+$0x50] =	vst v0  }
0x21: {  	[tilespmem:s0+$0x60] =	vst v0  }
0x22: {  	[spmem:s5] =	stream.linear.scatter [tilespmem:s3], [sflag:$0x5], $0x2800, $0x38;
	[tilespmem:$0x19100] =	vst v63  }
0x23: {  	_ =	swait.ge [sflag:s20], $0x2800  }
0x24: {  	[sflag:s20] =	ssyncset.done $0x0  }
0x25: {  	s22 =	rddreg [dreg:$0x3];
	[sflag:s20] =	ssyncadd.s32 $0xFFFFD800  }
0x26: {  	[spmem:s22] =	stream.linear.scatter [tilespmem:s3], [sflag:$0x5], $0x2800, $0x38;
	[tilespmem:$0x19100] =	vst v63  }
0x27: {  	_ =	swait.ge [sflag:s20], $0x2800  }
0x28: {  	[sflag:s20] =	ssyncset.done $0x0  }
0x29: {  	[sflag:s20] =	ssyncadd.s32 $0xFFFFD800  }
0x2a: {  	[spmem:s7] =	stream.linear.scatter [tilespmem:s3], [sflag:$0x5], $0x2800, $0x38;
	[tilespmem:$0x19100] =	vst v63  }
0x2b: {  	_ =	swait.ge [sflag:s20], $0x2800  }
0x2c: {  	[sflag:s20] =	ssyncset.done $0x0  }
0x2d: {  	[sflag:s20] =	ssyncadd.s32 $0xFFFFD800  }
0x2e: {  	[spmem:s8] =	stream.linear.scatter [tilespmem:s3], [sflag:$0x5], $0x2800, $0x38;
	[tilespmem:$0x19100] =	vst v63  }
0x2f: {  	_ =	swait.ge [sflag:s20], $0x2800  }
0x30: {  	[sflag:s20] =	ssyncset.done $0x0  }
0x31: {  	[sflag:s20] =	ssyncadd.s32 $0xFFFFD800  }
0x32: {  	[spmem:s9] =	stream.linear.scatter [tilespmem:s3], [sflag:$0x5], $0x2800, $0x38;
	[tilespmem:$0x19100] =	vst v63  }
0x33: {  	_ =	swait.ge [sflag:s20], $0x2800  }
0x34: {  	[sflag:s20] =	ssyncset.done $0x0  }
0x35: {  	[sflag:s20] =	ssyncadd.s32 $0xFFFFD800  }
0x36: {  	[spmem:s10] =	stream.linear.scatter [tilespmem:s3], [sflag:$0x5], $0x2800, $0x38;
	[tilespmem:$0x19100] =	vst v63  }
0x37: {  	_ =	swait.ge [sflag:s20], $0x2800  }
0x38: {  	[sflag:s20] =	ssyncset.done $0x0  }
0x39: {  	[sflag:s20] =	ssyncadd.s32 $0xFFFFD800  }
0x3a: {  	[spmem:s11] =	stream.linear.scatter [tilespmem:s3], [sflag:$0x5], $0x2800, $0x38;
	[tilespmem:$0x19100] =	vst v63  }
0x3b: {  	_ =	swait.ge [sflag:s20], $0x2800  }
0x3c: {  	[sflag:s20] =	ssyncset.done $0x0  }
0x3d: {  	[sflag:s20] =	ssyncadd.s32 $0xFFFFD800  }
0x3e: {  	[spmem:s12] =	stream.linear.scatter [tilespmem:s3], [sflag:$0x5], $0x2800, $0x38;
	[tilespmem:$0x19100] =	vst v63  }
0x3f: {  	_ =	swait.ge [sflag:s20], $0x2800  }
0x40: {  	[sflag:s20] =	ssyncset.done $0x0  }
0x41: {  	[sflag:s20] =	ssyncadd.s32 $0xFFFFD800  }
0x42: {  	s24 =	simm.s32 $0x5000;
	[bflag:$0x0] =	sbarrier.arrive $0xFFFF  }
0x43: {  	[tilespmem:s24], [sflag:$0x5] =	stream.linear.gather [hbm4b:s14+s3], $0x80, $0x38;
	[tilespmem:$0x19100] =	vst v63  }
0x44: {  	s26 =	simm.s32 $0x0;
	_ =	swait.ge [sflag:s20], $0x80  }
0x45: {  	s0 =	sand.u32 $0x1, s26;
	[sflag:s20] =	ssyncset.done $0x0  }
0x46: {  	s25 =	simm.s32 $0x5080;
	p0 =	seq.s32 s0, $0x1;
	[sflag:s20] =	ssyncadd.s32 $0xFFFFFF80  }
0x47: {  	[tilespmem:s3], [sflag:$0x1] =	stream.linear.gather [hbm4b:s15+s3], $0x2800, $0x38;
	[tilespmem:$0x19100] =	vst v63  }
0x48: {  	s29 =	simm.s32 $0x1;
	s0 =	simm.s32 $0x100;
	s21 =	simm.s32 @p0 $0x2  }
0x49: {  	[tilespmem:s25], [sflag:$0x4] =	stream.linear.gather [hbm4b:s16+s3], $0x80, $0x38;
	[tilespmem:$0x19100] =	vst v63  }
0x4a: {  	p1 =	por @p0 $0x0, $0x0;
	p3 =	por @!p0 $0x0, $0x0;
	_ =	swait.ge @p0 [sflag:s21], $0x2800  }
0x4b: {  	s26 =	simm.s32 @p0 $0x5080;
	s28 =	simm.s32 @p0 $0x2800;
	[sflag:s21] =	ssyncset.done @p0 $0x0  }
0x4c: {  	p2 =	por p1, !p0;
	[sflag:s21] =	ssyncadd.s32 @p0 $0xFFFFD800;
	s21 =	simm.s32 @p0 $0x3  }
0x4d: {  	p1 =	por @!p0 $0x0, $0x0;
	s22 =	sand.u32 @!p2 $0x7C00, s0;
	_ =	swait.ge @p0 [sflag:s21], $0x80  }
0x4e: {  	p1 =	por p1, p0;
	s22 =	sadd.s32 @!p2 s13, s22;
	[sflag:s21] =	ssyncset.done @p0 $0x0  }
0x4f: {  	s25 =	sand.u32 @!p2 $0x380, s0;
	[sflag:s21] =	ssyncadd.s32 @p0 $0xFFFFFF80;
	s21 =	simm.s32 @p0 $0x0  }
0x50: {  	[tilespmem:s21], [sflag:$0x1] =	stream.linear.gather @p0 [hbm4b:s19+s21], $0x2800, $0x38;
	[tilespmem:$0x19100] =	vst v63  }
0x51: {  	s22 =	sor.u32 @!p2 s25, s22;
	s25 =	simm.s32 @p0 $0x5;
	s21 =	simm.s32 @p0 $0x50  }
0x52: {  	[spmem:s2] =	stream.indirect.scatter.add.f32 @p0 [tilespmem:s28], [sflag:$0x5], $0x80, s26, s21, $0xb8;
	[tilespmem:$0x19100] =	vst v63  }
0x53: {  	s31 =	simm.s32 @!p1 $0x0;
	s22 =	sshrl.u32 @!p2 s22, $0x3;
	_ =	swait.ge @p0 [sflag:s25], $0x2800  }
0x54: {  	s21 =	sadd.s32 @!p2 s4, s22;
	s22 =	simm.s32 @!p0 $0x1;
	[sflag:s25] =	ssyncset.done @p0 $0x0  }
0x55: {  	s28 =	simm.s32 @!p2 $0x5080;
	[sflag:s25] =	ssyncadd.s32 @p0 $0xFFFFD800;
	s25 =	simm.s32 @!p2 $0x0  }
0x56: {  	[tilespmem:s28], [sflag:$0x4] =	stream.linear.gather @!p2 [hbm4b:s21+s25], $0x80, $0x38;
	[tilespmem:$0x19100] =	vst v63  }
0x57: {  	s26 =	sand.u32 @!p1 $0x7C00, s0;
	s0 =	sand.u32 @!p1 $0x300, s0;
	_ =	swait.ge @!p0 [sflag:s22], $0x2800  }
0x58: {  	s21 =	sadd.s32 @!p1 s13, s26;
	p2 =	por p3, p0;
	[sflag:s22] =	ssyncset.done @!p0 $0x0  }
0x59: {  	s0 =	sor.u32 @!p1 s0, s21;
	s21 =	simm.s32 @!p2 $0x4;
	[sflag:s22] =	ssyncadd.s32 @!p0 $0xFFFFD800  }
0x5a: {  	s24 =	simm.s32 $0x180;
	s28 =	simm.s32 $0x200;
	_ =	swait.ge @!p2 [sflag:s21], $0x80  }
0x5b: {  	s25 =	simm.s32 @!p0 $0x0;
	s26 =	simm.s32 $0x2;
	[sflag:s21] =	ssyncset.done @!p2 $0x0  }
0x5c: {  	s22 =	simm.s32 @!p2 $0x2800;
	[sflag:s21] =	ssyncadd.s32 @!p2 $0xFFFFFF80;
	s21 =	simm.s32 @!p2 $0x0  }
0x5d: {  	[tilespmem:s22], [sflag:$0x2] =	stream.linear.gather @!p2 [hbm4b:s19+s21], $0x2800, $0x38;
	[tilespmem:$0x19100] =	vst v63  }
0x5e: {  	s0 =	sshrl.u32 @!p1 s0, $0x3;
	s21 =	simm.s32 @!p0 $0x50;
	s22 =	simm.s32 @!p0 $0x5000  }
0x5f: {  	[spmem:s2] =	stream.indirect.scatter.add.f32 @!p0 [tilespmem:s25], [sflag:$0x5], $0x80, s22, s21, $0xb8;
	[tilespmem:$0x19100] =	vst v63  }
0x60: {  	s30 =	sadd.s32 @!p1 s4, s0;
	s0 =	simm.s32 @!p1 $0x5000;
	s21 =	simm.s32 @!p0 $0x5  }
0x61: {  	s22 =	sand.u32 $0x1, s29;
	s25 =	sadd.s32 $0x500, s19;
	_ =	swait.ge @!p0 [sflag:s21], $0x2800  }
.LBB2_4:
0x62: {  	[sflag:s21] =	ssyncset.done @!p0 $0x0;
	s1 =	smov.u32 s24;
	s24 =	smov.u32 s28  }
0x63: {  	s28 =	sadd.s32 $0x80, s28;
	p2 =	por p0, p0;
	p0 =	seq.s32 s22, $0x1  }
0x64: {  	s22 =	simm.s32 @p0 $0x2;
	p3 =	sgt.u32 @p0 s29, $0x7A;
	[sflag:s21] =	ssyncadd.s32 @!p2 $0xFFFFD800  }
0x65: {  	[tilespmem:s0], [sflag:$0x3] =	stream.linear.gather @!p1 [hbm4b:s30+s31], $0x80, $0x38;
	[tilespmem:$0x19100] =	vst v63  }
0x66: {  	p4 =	por p3, !p0;
	p3 =	sgt.u32 @!p0 s26, $0x7C;
	_ =	swait.ge @p0 [sflag:s22], $0x2800  }
0x67: {  	s0 =	sand.u32 @!p4 $0x7C00, s1;
	s21 =	sand.u32 @!p4 $0x380, s1;
	[sflag:s22] =	ssyncset.done @p0 $0x0  }
0x68: {  	s0 =	sadd.s32 @!p4 s13, s0;
	[sflag:s22] =	ssyncadd.s32 @p0 $0xFFFFD800;
	s22 =	simm.s32 @p0 $0x3  }
0x69: {  	p1 =	sgt.u32 @!p0 s29, $0x7A;
	s0 =	sor.u32 @!p4 s21, s0;
	_ =	swait.ge @p0 [sflag:s22], $0x80  }
0x6a: {  	s21 =	simm.s32 @p0 $0x5;
	s0 =	sshrl.u32 @!p4 s0, $0x3;
	[sflag:s22] =	ssyncset.done @p0 $0x0  }
0x6b: {  	s0 =	sadd.s32 @!p4 s4, s0;
	[sflag:s22] =	ssyncadd.s32 @p0 $0xFFFFFF80;
	s22 =	simm.s32 @p0 $0x0  }
0x6c: {  	[tilespmem:s22], [sflag:$0x1] =	stream.linear.gather @p0 [hbm4b:s25+s22], $0x2800, $0x38;
	[tilespmem:$0x19100] =	vst v63  }
0x6d: {  	s29 =	simm.s32 @p0 $0x5080;
	s30 =	simm.s32 @p0 $0x2800;
	s22 =	simm.s32 @p0 $0x50  }
0x6e: {  	[spmem:s2] =	stream.indirect.scatter.add.f32 @p0 [tilespmem:s30], [sflag:$0x5], $0x80, s29, s22, $0xb8;
	[tilespmem:$0x19100] =	vst v63  }
0x6f: {  	p2 =	sne.s32 s28, $0x3F80;
	p1 =	por p1, p0;
	_ =	swait.ge @p0 [sflag:s21], $0x2800  }
0x70: {  	s22 =	simm.s32 @!p0 $0x1;
	s29 =	sand.u32 @!p1 $0x7C00, s1;
	[sflag:s21] =	ssyncset.done @p0 $0x0  }
0x71: {  	s30 =	simm.s32 @!p4 $0x5080;
	[sflag:s21] =	ssyncadd.s32 @p0 $0xFFFFD800;
	s21 =	simm.s32 @!p4 $0x0  }
0x72: {  	[tilespmem:s30], [sflag:$0x4] =	stream.linear.gather @!p4 [hbm4b:s0+s21], $0x80, $0x38;
	[tilespmem:$0x19100] =	vst v63  }
0x73: {  	s1 =	sand.u32 @!p1 $0x300, s1;
	s0 =	sadd.s32 @!p1 s13, s29;
	_ =	swait.ge @!p0 [sflag:s22], $0x2800  }
0x74: {  	p3 =	por p3, p0;
	s0 =	sor.u32 @!p1 s1, s0;
	[sflag:s22] =	ssyncset.done @!p0 $0x0  }
0x75: {  	s1 =	simm.s32 @!p3 $0x4;
	s0 =	sshrl.u32 @!p1 s0, $0x3;
	[sflag:s22] =	ssyncadd.s32 @!p0 $0xFFFFD800  }
0x76: {  	s31 =	simm.s32 @!p1 $0x0;
	s30 =	sadd.s32 @!p1 s4, s0;
	_ =	swait.ge @!p3 [sflag:s1], $0x80  }
0x77: {  	s26 =	sadd.s32 $0x1, s26;
	s0 =	simm.s32 @!p1 $0x5000;
	[sflag:s1] =	ssyncset.done @!p3 $0x0  }
0x78: {  	s29 =	sadd.s32 $0xFFFFFFFF, s26;
	s21 =	simm.s32 @!p0 $0x5;
	[sflag:s1] =	ssyncadd.s32 @!p3 $0xFFFFFF80  }
.Ltmp1:
0x79: {  	s22 =	simm.s32 @!p3 $0x2800;
	s1 =	simm.s32 @!p3 $0x0;
	(pc) =	sbr.rel @p2 .LBB2_4-.Ltmp1, $4  }
0x7a: {  	[tilespmem:s22], [sflag:$0x2] =	stream.linear.gather @!p3 [hbm4b:s25+s1], $0x2800, $0x38;
	[tilespmem:$0x19100] =	vst v63  }
0x7b: {  	s6 =	simm.s32 @!p0 $0x0;
	s1 =	simm.s32 @!p0 $0x50;
	s22 =	simm.s32 @!p0 $0x5000  }
0x7c: {  	[spmem:s2] =	stream.indirect.scatter.add.f32 @!p0 [tilespmem:s6], [sflag:$0x5], $0x80, s22, s1, $0xb8;
	[tilespmem:$0x19100] =	vst v63  }
0x7d: {  	s25 =	sadd.s32 $0x500, s25;
	s22 =	sand.u32 $0x1, s29;
	_ =	swait.ge @!p0 [sflag:s21], $0x2800  }
0x7e: {  	p2 =	seq.s32 s22, $0x1;
	[sflag:s21] =	ssyncset.done @!p0 $0x0;
	p0 =	por p0, p0  }
0x7f: {  	s1 =	simm.s32 @p2 $0x2;
	[sflag:s21] =	ssyncadd.s32 @!p0 $0xFFFFD800  }
0x80: {  	[tilespmem:s0], [sflag:$0x3] =	stream.linear.gather @!p1 [hbm4b:s30+s31], $0x80, $0x38;
	[tilespmem:$0x19100] =	vst v63  }
0x81: {  	_ =	swait.ge @p2 [sflag:s1], $0x2800  }
0x82: {  	p0 =	sgt.u32 @p2 s29, $0x7A;
	[sflag:s1] =	ssyncset.done @p2 $0x0  }
0x83: {  	s21 =	simm.s32 @p2 $0x5080;
	[sflag:s1] =	ssyncadd.s32 @p2 $0xFFFFD800;
	s1 =	simm.s32 @p2 $0x3  }
0x84: {  	s22 =	simm.s32 @p2 $0x2800;
	p0 =	por p0, !p2;
	_ =	swait.ge @p2 [sflag:s1], $0x80  }
0x85: {  	s0 =	sand.u32 @!p0 $0x7C00, s24;
	s6 =	sand.u32 @!p0 $0x380, s24;
	[sflag:s1] =	ssyncset.done @p2 $0x0  }
0x86: {  	s0 =	sadd.s32 @!p0 s13, s0;
	[sflag:s1] =	ssyncadd.s32 @p2 $0xFFFFFF80;
	s1 =	simm.s32 @p2 $0x0  }
0x87: {  	[tilespmem:s1], [sflag:$0x1] =	stream.linear.gather @p2 [hbm4b:s25+s1], $0x2800, $0x38;
	[tilespmem:$0x19100] =	vst v63  }
0x88: {  	s0 =	sor.u32 @!p0 s6, s0;
	s6 =	simm.s32 @p2 $0x5;
	s1 =	simm.s32 @p2 $0x50  }
0x89: {  	[spmem:s2] =	stream.indirect.scatter.add.f32 @p2 [tilespmem:s22], [sflag:$0x5], $0x80, s21, s1, $0xb8;
	[tilespmem:$0x19100] =	vst v63  }
0x8a: {  	s23 =	sadd.s32 $0x1, s23;
	s0 =	sshrl.u32 @!p0 s0, $0x3;
	_ =	swait.ge @p2 [sflag:s6], $0x2800  }
0x8b: {  	s0 =	sadd.s32 @!p0 s4, s0;
	s1 =	simm.s32 @!p2 $0x1;
	[sflag:s6] =	ssyncset.done @p2 $0x0  }
0x8c: {  	s21 =	simm.s32 @!p0 $0x5080;
	[sflag:s6] =	ssyncadd.s32 @p2 $0xFFFFD800;
	s6 =	simm.s32 @!p0 $0x0  }
0x8d: {  	[tilespmem:s21], [sflag:$0x4] =	stream.linear.gather @!p0 [hbm4b:s0+s6], $0x80, $0x38;
	[tilespmem:$0x19100] =	vst v63  }
0x8e: {  	p1 =	sgt.u32 @!p2 s29, $0x7A;
	p0 =	sgt.u32 @!p2 s26, $0x7C;
	_ =	swait.ge @!p2 [sflag:s1], $0x2800  }
0x8f: {  	s22 =	simm.s32 @!p2 $0x0;
	p3 =	por p0, p2;
	[sflag:s1] =	ssyncset.done @!p2 $0x0  }
0x90: {  	p0 =	por p1, p2;
	s0 =	simm.s32 @!p3 $0x4;
	[sflag:s1] =	ssyncadd.s32 @!p2 $0xFFFFD800  }
0x91: {  	s6 =	sand.u32 @!p0 $0x300, s24;
	s1 =	sand.u32 @!p0 $0x7C00, s24;
	_ =	swait.ge @!p3 [sflag:s0], $0x80  }
0x92: {  	s21 =	simm.s32 @!p3 $0x2800;
	s1 =	sadd.s32 @!p0 s13, s1;
	[sflag:s0] =	ssyncset.done @!p3 $0x0  }
0x93: {  	s1 =	sor.u32 @!p0 s6, s1;
	s6 =	simm.s32 @!p3 $0x0;
	[sflag:s0] =	ssyncadd.s32 @!p3 $0xFFFFFF80  }
0x94: {  	[tilespmem:s21], [sflag:$0x2] =	stream.linear.gather @!p3 [hbm4b:s25+s6], $0x2800, $0x38;
	[tilespmem:$0x19100] =	vst v63  }
0x95: {  	s0 =	simm.s32 @!p2 $0x5;
	s6 =	simm.s32 @!p2 $0x50;
	s21 =	simm.s32 @!p2 $0x5000  }
0x96: {  	[spmem:s2] =	stream.indirect.scatter.add.f32 @!p2 [tilespmem:s22], [sflag:$0x5], $0x80, s21, s6, $0xb8;
	[tilespmem:$0x19100] =	vst v63  }
0x97: {  	s30 =	stileid.u32;
	s1 =	sshrl.u32 @!p0 s1, $0x3;
	_ =	swait.ge @!p2 [sflag:s0], $0x2800  }
0x98: {  	p1 =	por p2, p2;
	s1 =	sadd.s32 @!p0 s4, s1;
	[sflag:s0] =	ssyncset.done @!p2 $0x0  }
0x99: {  	s6 =	simm.s32 @!p0 $0x0;
	s21 =	simm.s32 @!p0 $0x5000;
	[sflag:s0] =	ssyncadd.s32 @!p1 $0xFFFFD800  }
0x9a: {  	[tilespmem:s21], [sflag:$0x3] =	stream.linear.gather @!p0 [hbm4b:s1+s6], $0x80, $0x38;
	[tilespmem:$0x19100] =	vst v63  }
0x9b: {  	s31 =	sshrl.u32 s5, $0x3;
	s0 =	sshll.u32 s30, $0x6;
	p0 =	sne.s32 s23, s18  }
.Ltmp2:
0x9c: {  	s0 =	sor.u32 $0x1C05, s0;
	[bflag:$0x0] =	sbarrier.arrive $0xFFFF;
	(pc) =	sbr.rel @p0 .LBB2_1-.Ltmp2, $4  }
0x9d: {  	[hbm:s17], [sflag:s0] =	dma.local [spmem:s31], $0x2800  }
0x9e: {  	_ =	swait.ge [sflag:s20], $0x2800  }
0x9f: {  	[sflag:s20] =	ssyncset.done $0x0  }
0xa0: {  	[sflag:s20] =	ssyncadd.s32 $0xFFFFD800  }
0xa1: {  	_ =	sfence.sel $0x180000  }
0xa2: {  	[bflag:$0x0] =	sbarrier.arrive $0xFFFF  }
0xa3: {  	_ =	strace $0x90000047  }
0xa4: {  	s0 =	stileid.u32;
	[bflag:$0x2] =	sbarrier.arrive $0xFFFF  }
0xa5: {  	p0 =	sne.s32 s0, $0x0;
	s0 =	rddreg [dreg:$0x2]  }
0xa6: {  	s0 =	sadd.s32 @!p0 $0x100000, s0  }
0xa7: {  	[sflag:s0] =	ssyncadd.tile.s32 @!p0 $0x1;
	_ =	shalt  }
.Lfunc_end2:
_tile_overlayer_lowered:
.L_overlay_start_2:
0xa8: {  	(tag) =	ssettag $0x2  }
0xa9: {  	s0 =	rddreg [dreg:$0x0];
	s2 =	stileid.u32  }
0xaa: {  	s1 =	rddreg [dreg:$0x1];
	p0 =	sne.s32 s2, $0x0  }
0xab: {  	s3 =	rddreg [dreg:$0x2];
	[bflag:$0x3] =	sbarrier.arrive $0xFFFF;
	s2 =	simm.s32 @!p0 $0x1C05  }
0xac: {  	[timem:s3], [sflag:s2] =	dma.local @!p0 [hbm:s0], s1  }
0xad: {  	s0 =	simm.s32 @!p0 $0x5  }
0xae: {  	_ =	swait.ge @!p0 [sflag:s0], s1  }
0xaf: {  	s1 =	ssub.s32 @!p0 $0x0, s1;
	[sflag:s0] =	ssyncset.done @!p0 $0x0  }
0xb0: {  	[sflag:s0] =	ssyncadd.s32 @!p0 s1  }
0xb1: {  	[bflag:$0x3] =	sbarrier.arrive $0xFFFF  }
0xb2: {  	_ =	shalt  }

</sc_bundles>
